<compile_context>
chip_gen: v7x
topology: tpu7x:2x2x1
jax: 0.10.2.dev20260603
libtpu: 0.0.44.dev20260713+nightly
codegen_flags: <defaults>
</compile_context>

<pallas_src>
import functools

import jax
import jax.numpy as jnp
from jax import lax
from jax.experimental import pallas as pl
from jax.experimental.pallas import tpu as pltpu
from jax.experimental.pallas import tpu_sc as plsc

B = 262144
C = 128

R = 16384
NB = B // R

NC, NS, L = 2, 16, 16
NW = NC * NS
CHUNK = B // NW
NIT = CHUNK // L
CV = C // L

_SC_PARAMS = dict(
    compiler_params=pltpu.CompilerParams(needs_layout_passes=False),
)


def _wid():
    return lax.axis_index("s") * jnp.int32(NC) + lax.axis_index("c")


@functools.cache
def _build_sc_presence():
    mesh = plsc.VectorSubcoreMesh(core_axis_name="c", subcore_axis_name="s")
    return functools.partial(
        pl.kernel,
        out_type=jax.ShapeDtypeStruct((NW, C), jnp.int32),
        mesh=mesh,
        scratch_types=[
            pltpu.VMEM((CHUNK,), jnp.int32),
            pltpu.VMEM((C,), jnp.int32),
        ],
        **_SC_PARAMS,
    )(_sc_presence_body)


def _sc_presence_body(y_hbm, pres_out, y_v, pres_v):
    wid = _wid()
    base = wid * jnp.int32(CHUNK)
    pltpu.sync_copy(y_hbm.at[pl.ds(base, CHUNK)], y_v)

    zeros = jnp.zeros((L,), jnp.int32)
    ones = jnp.ones((L,), jnp.int32)
    for j in range(CV):
        pres_v[pl.ds(j * L, L)] = zeros

    def body(k, carry):
        yv = y_v[pl.ds(k * jnp.int32(L), L)]
        plsc.store_scatter(pres_v, [yv], ones)
        return carry

    lax.fori_loop(jnp.int32(0), jnp.int32(NIT), body, jnp.int32(0))
    pltpu.sync_copy(pres_v, pres_out.at[wid])


@functools.cache
def _build_sc_table():
    mesh = plsc.VectorSubcoreMesh(core_axis_name="c", subcore_axis_name="s")
    return functools.partial(
        pl.kernel,
        out_type=jax.ShapeDtypeStruct((C,), jnp.int32),
        mesh=mesh,
        scratch_types=[
            pltpu.VMEM((NW, C), jnp.int32),
            pltpu.VMEM((C,), jnp.int32),
        ],
        **_SC_PARAMS,
    )(_sc_table_body)


def _sc_table_body(pres_hbm, tab_out, allpres_v, table_v):
    wid = _wid()
    iota = lax.iota(jnp.int32, L)
    pltpu.sync_copy(pres_hbm, allpres_v)

    pres_vecs = []
    for j in range(CV):
        a = allpres_v[0, pl.ds(j * L, L)]
        for t in range(1, NW):
            a = a | allpres_v[t, pl.ds(j * L, L)]
        pres_vecs.append(a > 0)

    maxv = jnp.int32(-1)
    for j in range(CV):
        vals = iota + j * L
        maxv = jnp.maximum(maxv, jnp.max(jnp.where(pres_vecs[j], vals, -1)))

    for j in range(CV):
        table_v[pl.ds(j * L, L)] = jnp.broadcast_to(maxv, (L,))
    carry = jnp.int32(0)
    for j in range(CV):
        p32 = pres_vecs[j].astype(jnp.int32)
        rank = plsc.cumsum(p32) + carry - 1
        carry = carry + jnp.sum(p32, dtype=jnp.int32)
        vals = iota + j * L
        plsc.store_scatter(table_v, [rank], vals, mask=pres_vecs[j])

    @pl.when(wid == 0)
    def _():
        pltpu.sync_copy(table_v, tab_out)


def _sweep_body(x_ref, y_ref, ii_ref, vi_ref, w_ref, o_ref):
    b = pl.program_id(0)
    x = x_ref[...]
    rowmax = jnp.max(x, axis=1, keepdims=True)
    ii = ii_ref[...]
    minc = jnp.min(jnp.where(x == rowmax, ii, jnp.float32(C)),
                   axis=1, keepdims=True)
    fb = (ii == minc).astype(jnp.bfloat16)

    yb = y_ref[0, 0, :].astype(jnp.bfloat16)
    yoht = (vi_ref[...] == yb[None, :]).astype(jnp.bfloat16)

    yoht0 = yoht * w_ref[0:1, :]
    yohtq = yoht * w_ref[1:2, :]
    lhs = jnp.concatenate([yoht, yohtq, yoht0], axis=0)
    s = jnp.dot(lhs, fb, preferred_element_type=jnp.float32)

    bf = b.astype(jnp.float32)

    @pl.when(b == 0)
    def _():
        o_ref[0:C, :] = jnp.zeros((C, C), jnp.float32)
        o_ref[C:2 * C, :] = s[C:2 * C, :]
        o_ref[2 * C:3 * C, :] = s[2 * C:3 * C, :]

    @pl.when(b != 0)
    def _():
        o_ref[0:C, :] += bf * s[0:C, :]
        o_ref[C:2 * C, :] += s[C:2 * C, :]
        o_ref[2 * C:3 * C, :] += s[2 * C:3 * C, :]

def _sweep_call(yhat, y3d):
    ii = lax.broadcasted_iota(jnp.int32, (R, C), 1).astype(jnp.float32)
    vi = lax.broadcasted_iota(jnp.int32, (C, R), 0).astype(jnp.bfloat16)
    rr = lax.broadcasted_iota(jnp.int32, (8, R), 1)
    w = jnp.where(lax.broadcasted_iota(jnp.int32, (8, R), 0) == 0,
                  rr & 127, rr >> 7).astype(jnp.bfloat16)
    z = lambda: jnp.int32(0)
    return pl.pallas_call(
        _sweep_body,
        grid=(NB,),
        in_specs=[
            pl.BlockSpec((R, C), lambda i: (i, z())),
            pl.BlockSpec((1, 1, R), lambda i: (i, z(), z())),
            pl.BlockSpec((R, C), lambda i: (z(), z())),
            pl.BlockSpec((C, R), lambda i: (z(), z())),
            pl.BlockSpec((8, R), lambda i: (z(), z())),
        ],
        out_specs=pl.BlockSpec((3 * C, C), lambda i: (z(), z())),
        out_shape=jax.ShapeDtypeStruct((3 * C, C), jnp.float32),
    )(yhat, y3d, ii, vi, w)


def _fold_body(a_ref, t_ref, o_ref):
    tbl = t_ref[0, :]
    vi = lax.broadcasted_iota(jnp.int32, (C, C), 0)
    t = (vi == tbl[None, :]).astype(jnp.float32)
    s = (jnp.float32(float(R)) * a_ref[0:C, :]
         + jnp.float32(128.0) * a_ref[C:2 * C, :]
         + a_ref[2 * C:3 * C, :])
    idx_sum = jnp.sum(t * s)
    loss = jnp.float32(1.0) - idx_sum * jnp.float32(1.0 / B)
    o_ref[...] = jnp.broadcast_to(loss, (1, 1))


def _fold_call(accs, table2d):
    return pl.pallas_call(
        _fold_body,
        out_shape=jax.ShapeDtypeStruct((1, 1), jnp.float32),
    )(accs, table2d)


def kernel(yhat, y):
    y32 = y.astype(jnp.int32)
    pres = _build_sc_presence()(y32)
    table = _build_sc_table()(pres)
    accs = _sweep_call(yhat, y32.reshape(NB, 1, R))
    loss = _fold_call(accs, table.reshape(1, C))
    return loss[0, 0]

# --- scband reference (transcript-rebuilt; emitter-appended) ---
"""Pipeline reference for scband-map-loss-42992622633378 (READ-ONLY COPY).

The authoritative reference and input builder live on the scoring server;
editing this copy changes nothing except your own understanding.
"""

import jax, jax.numpy as jnp
jax.config.update("jax_enable_x64", True)
import numpy as np


def setup_inputs(seed: int = 0) -> dict:
    key = jax.random.key(seed)
    k1, k2 = jax.random.split(key)
    yhat = jax.random.normal(k1, (262144, 128), dtype=jnp.float32)
    y = jax.random.randint(k2, (262144,), 0, 128, dtype=jnp.int64)
    return {"yhat": yhat, "y": y}


def reference(yhat, y):
    # Faithful translation of MapLoss.forward
    B, C = yhat.shape
    yhat_idx = jnp.argmax(yhat, axis=1)          # torch.argmax(yhat, 1)
    y_unique = jnp.unique(y, size=C, fill_value=jnp.max(y))  # torch.unique(y) (sorted unique values)
    yhat_cal = y                                  # y.clone(); argmax classes partition the batch,
    for i in range(C):                            # so the sequential in-place writes are equivalent
        yhat_cal = jnp.where(yhat_idx == i, y_unique[i], yhat_cal)
    # torch.sum(torch.where(cond)) sums the index tensor returned by where(cond)
    idx_sum = jnp.sum(jnp.where(yhat_cal == y,
                                jnp.arange(B, dtype=jnp.int64),
                                jnp.int64(0)))
    loss = 1 - idx_sum / B
    return loss.astype(jnp.float32)

if __name__ == "__main__":
    import jax
    _d = setup_inputs()
    print(jax.jit(kernel)(*tuple(_d.values())))

</pallas_src>

<mosaic_0001>
#map = affine_map<(d0, d1) -> (0, 0)>
#map1 = affine_map<(d0, d1) -> (0)>
module attributes {stable_mosaic.version = 14 : i64} {
  func.func @_sc_table_body(%arg0: i32, %arg1: i32, %arg2: memref<32x128xi32, #tpu.memory_space<hbm>>, %arg3: memref<128xi32, #tpu.memory_space<hbm>>, %arg4: memref<32x128xi32, #tpu.memory_space<vmem>>, %arg5: memref<128xi32, #tpu.memory_space<vmem>>) attributes {dimension_semantics = [#tpu.dimension_semantics<core_parallel>, #tpu.dimension_semantics<subcore_parallel>], iteration_bounds = array<i64: 2, 16>, scalar_prefetch = 0 : i64, scratch_operands = 2 : i64, tpu.core_type = #tpu.core_type<sc_vector_subcore>, window_params = [{transform_indices = #map}, {transform_indices = #map1}]} {
    %mul3A = arith.constant 2 : i32
    %mul3A_0 = arith.muli %arg1, %mul3A : i32
    %add3A = arith.addi %mul3A_0, %arg0 : i32
    %iota3A = tpu.iota {dimensions = array<i32: 0>} : vector<16xi32>
    "tpu.region"() ({
      %run_scoped3A = tpu.sem_alloc : memref<!tpu.dma_semaphore, #tpu.memory_space<semaphore_mem>>
      tpu.enqueue_dma source(%arg2 : memref<32x128xi32, #tpu.memory_space<hbm>>) target(%arg4 : memref<32x128xi32, #tpu.memory_space<vmem>>) target_semaphore(%run_scoped3A : memref<!tpu.dma_semaphore, #tpu.memory_space<semaphore_mem>>)
      tpu.wait_dma2 semaphore(%run_scoped3A : memref<!tpu.dma_semaphore, #tpu.memory_space<semaphore_mem>>) src(%arg2 : memref<32x128xi32, #tpu.memory_space<hbm>>) dst(%arg4 : memref<32x128xi32, #tpu.memory_space<vmem>>)
      tpu.yield
    }) : () -> ()
    %get3A = arith.constant 0 : i64
    %get3A_1 = arith.index_cast %get3A : i64 to index
    %get3A_2 = arith.constant 0 : index
    %get3A_3 = tpu.vector_load %arg4[%get3A_1, %get3A_2] {strides = array<i32>} : memref<32x128xi32, #tpu.memory_space<vmem>>, vector<16xi32>,
    %get3A_4 = arith.constant 1 : i64
    %get3A_5 = arith.index_cast %get3A_4 : i64 to index
    %get3A_6 = arith.constant 0 : index
    %get3A_7 = tpu.vector_load %arg4[%get3A_5, %get3A_6] {strides = array<i32>} : memref<32x128xi32, #tpu.memory_space<vmem>>, vector<16xi32>,
    %or3A = arith.ori %get3A_3, %get3A_7 : vector<16xi32>
    %get3A_8 = arith.constant 2 : i64
    %get3A_9 = arith.index_cast %get3A_8 : i64 to index
    %get3A_10 = arith.constant 0 : index
    %get3A_11 = tpu.vector_load %arg4[%get3A_9, %get3A_10] {strides = array<i32>} : memref<32x128xi32, #tpu.memory_space<vmem>>, vector<16xi32>,
    %or3A_12 = arith.ori %or3A, %get3A_11 : vector<16xi32>
    %get3A_13 = arith.constant 3 : i64
    %get3A_14 = arith.index_cast %get3A_13 : i64 to index
    %get3A_15 = arith.constant 0 : index
    %get3A_16 = tpu.vector_load %arg4[%get3A_14, %get3A_15] {strides = array<i32>} : memref<32x128xi32, #tpu.memory_space<vmem>>, vector<16xi32>,
    %or3A_17 = arith.ori %or3A_12, %get3A_16 : vector<16xi32>
    %get3A_18 = arith.constant 4 : i64
    %get3A_19 = arith.index_cast %get3A_18 : i64 to index
    %get3A_20 = arith.constant 0 : index
    %get3A_21 = tpu.vector_load %arg4[%get3A_19, %get3A_20] {strides = array<i32>} : memref<32x128xi32, #tpu.memory_space<vmem>>, vector<16xi32>,
    %or3A_22 = arith.ori %or3A_17, %get3A_21 : vector<16xi32>
    %get3A_23 = arith.constant 5 : i64
    %get3A_24 = arith.index_cast %get3A_23 : i64 to index
    %get3A_25 = arith.constant 0 : index
    %get3A_26 = tpu.vector_load %arg4[%get3A_24, %get3A_25] {strides = array<i32>} : memref<32x128xi32, #tpu.memory_space<vmem>>, vector<16xi32>,
    %or3A_27 = arith.ori %or3A_22, %get3A_26 : vector<16xi32>
    %get3A_28 = arith.constant 6 : i64
    %get3A_29 = arith.index_cast %get3A_28 : i64 to index
    %get3A_30 = arith.constant 0 : index
    %get3A_31 = tpu.vector_load %arg4[%get3A_29, %get3A_30] {strides = array<i32>} : memref<32x128xi32, #tpu.memory_space<vmem>>, vector<16xi32>,
    %or3A_32 = arith.ori %or3A_27, %get3A_31 : vector<16xi32>
    %get3A_33 = arith.constant 7 : i64
    %get3A_34 = arith.index_cast %get3A_33 : i64 to index
    %get3A_35 = arith.constant 0 : index
    %get3A_36 = tpu.vector_load %arg4[%get3A_34, %get3A_35] {strides = array<i32>} : memref<32x128xi32, #tpu.memory_space<vmem>>, vector<16xi32>,
    %or3A_37 = arith.ori %or3A_32, %get3A_36 : vector<16xi32>
    %get3A_38 = arith.constant 8 : i64
    %get3A_39 = arith.index_cast %get3A_38 : i64 to index
    %get3A_40 = arith.constant 0 : index
    %get3A_41 = tpu.vector_load %arg4[%get3A_39, %get3A_40] {strides = array<i32>} : memref<32x128xi32, #tpu.memory_space<vmem>>, vector<16xi32>,
    %or3A_42 = arith.ori %or3A_37, %get3A_41 : vector<16xi32>
    %get3A_43 = arith.constant 9 : i64
    %get3A_44 = arith.index_cast %get3A_43 : i64 to index
    %get3A_45 = arith.constant 0 : index
    %get3A_46 = tpu.vector_load %arg4[%get3A_44, %get3A_45] {strides = array<i32>} : memref<32x128xi32, #tpu.memory_space<vmem>>, vector<16xi32>,
    %or3A_47 = arith.ori %or3A_42, %get3A_46 : vector<16xi32>
    %get3A_48 = arith.constant 10 : i64
    %get3A_49 = arith.index_cast %get3A_48 : i64 to index
    %get3A_50 = arith.constant 0 : index
    %get3A_51 = tpu.vector_load %arg4[%get3A_49, %get3A_50] {strides = array<i32>} : memref<32x128xi32, #tpu.memory_space<vmem>>, vector<16xi32>,
    %or3A_52 = arith.ori %or3A_47, %get3A_51 : vector<16xi32>
    %get3A_53 = arith.constant 11 : i64
    %get3A_54 = arith.index_cast %get3A_53 : i64 to index
    %get3A_55 = arith.constant 0 : index
    %get3A_56 = tpu.vector_load %arg4[%get3A_54, %get3A_55] {strides = array<i32>} : memref<32x128xi32, #tpu.memory_space<vmem>>, vector<16xi32>,
    %or3A_57 = arith.ori %or3A_52, %get3A_56 : vector<16xi32>
    %get3A_58 = arith.constant 12 : i64
    %get3A_59 = arith.index_cast %get3A_58 : i64 to index
    %get3A_60 = arith.constant 0 : index
    %get3A_61 = tpu.vector_load %arg4[%get3A_59, %get3A_60] {strides = array<i32>} : memref<32x128xi32, #tpu.memory_space<vmem>>, vector<16xi32>,
    %or3A_62 = arith.ori %or3A_57, %get3A_61 : vector<16xi32>
    %get3A_63 = arith.constant 13 : i64
    %get3A_64 = arith.index_cast %get3A_63 : i64 to index
    %get3A_65 = arith.constant 0 : index
    %get3A_66 = tpu.vector_load %arg4[%get3A_64, %get3A_65] {strides = array<i32>} : memref<32x128xi32, #tpu.memory_space<vmem>>, vector<16xi32>,
    %or3A_67 = arith.ori %or3A_62, %get3A_66 : vector<16xi32>
    %get3A_68 = arith.constant 14 : i64
    %get3A_69 = arith.index_cast %get3A_68 : i64 to index
    %get3A_70 = arith.constant 0 : index
    %get3A_71 = tpu.vector_load %arg4[%get3A_69, %get3A_70] {strides = array<i32>} : memref<32x128xi32, #tpu.memory_space<vmem>>, vector<16xi32>,
    %or3A_72 = arith.ori %or3A_67, %get3A_71 : vector<16xi32>
    %get3A_73 = arith.constant 15 : i64
    %get3A_74 = arith.index_cast %get3A_73 : i64 to index
    %get3A_75 = arith.constant 0 : index
    %get3A_76 = tpu.vector_load %arg4[%get3A_74, %get3A_75] {strides = array<i32>} : memref<32x128xi32, #tpu.memory_space<vmem>>, vector<16xi32>,
    %or3A_77 = arith.ori %or3A_72, %get3A_76 : vector<16xi32>
    %get3A_78 = arith.constant 16 : i64
    %get3A_79 = arith.index_cast %get3A_78 : i64 to index
    %get3A_80 = arith.constant 0 : index
    %get3A_81 = tpu.vector_load %arg4[%get3A_79, %get3A_80] {strides = array<i32>} : memref<32x128xi32, #tpu.memory_space<vmem>>, vector<16xi32>,
    %or3A_82 = arith.ori %or3A_77, %get3A_81 : vector<16xi32>
    %get3A_83 = arith.constant 17 : i64
    %get3A_84 = arith.index_cast %get3A_83 : i64 to index
    %get3A_85 = arith.constant 0 : index
    %get3A_86 = tpu.vector_load %arg4[%get3A_84, %get3A_85] {strides = array<i32>} : memref<32x128xi32, #tpu.memory_space<vmem>>, vector<16xi32>,
    %or3A_87 = arith.ori %or3A_82, %get3A_86 : vector<16xi32>
    %get3A_88 = arith.constant 18 : i64
    %get3A_89 = arith.index_cast %get3A_88 : i64 to index
    %get3A_90 = arith.constant 0 : index
    %get3A_91 = tpu.vector_load %arg4[%get3A_89, %get3A_90] {strides = array<i32>} : memref<32x128xi32, #tpu.memory_space<vmem>>, vector<16xi32>,
    %or3A_92 = arith.ori %or3A_87, %get3A_91 : vector<16xi32>
    %get3A_93 = arith.constant 19 : i64
    %get3A_94 = arith.index_cast %get3A_93 : i64 to index
    %get3A_95 = arith.constant 0 : index
    %get3A_96 = tpu.vector_load %arg4[%get3A_94, %get3A_95] {strides = array<i32>} : memref<32x128xi32, #tpu.memory_space<vmem>>, vector<16xi32>,
    %or3A_97 = arith.ori %or3A_92, %get3A_96 : vector<16xi32>
    %get3A_98 = arith.constant 20 : i64
    %get3A_99 = arith.index_cast %get3A_98 : i64 to index
    %get3A_100 = arith.constant 0 : index
    %get3A_101 = tpu.vector_load %arg4[%get3A_99, %get3A_100] {strides = array<i32>} : memref<32x128xi32, #tpu.memory_space<vmem>>, vector<16xi32>,
    %or3A_102 = arith.ori %or3A_97, %get3A_101 : vector<16xi32>
    %get3A_103 = arith.constant 21 : i64
    %get3A_104 = arith.index_cast %get3A_103 : i64 to index
    %get3A_105 = arith.constant 0 : index
    %get3A_106 = tpu.vector_load %arg4[%get3A_104, %get3A_105] {strides = array<i32>} : memref<32x128xi32, #tpu.memory_space<vmem>>, vector<16xi32>,
    %or3A_107 = arith.ori %or3A_102, %get3A_106 : vector<16xi32>
    %get3A_108 = arith.constant 22 : i64
    %get3A_109 = arith.index_cast %get3A_108 : i64 to index
    %get3A_110 = arith.constant 0 : index
    %get3A_111 = tpu.vector_load %arg4[%get3A_109, %get3A_110] {strides = array<i32>} : memref<32x128xi32, #tpu.memory_space<vmem>>, vector<16xi32>,
    %or3A_112 = arith.ori %or3A_107, %get3A_111 : vector<16xi32>
    %get3A_113 = arith.constant 23 : i64
    %get3A_114 = arith.index_cast %get3A_113 : i64 to index
    %get3A_115 = arith.constant 0 : index
    %get3A_116 = tpu.vector_load %arg4[%get3A_114, %get3A_115] {strides = array<i32>} : memref<32x128xi32, #tpu.memory_space<vmem>>, vector<16xi32>,
    %or3A_117 = arith.ori %or3A_112, %get3A_116 : vector<16xi32>
    %get3A_118 = arith.constant 24 : i64
    %get3A_119 = arith.index_cast %get3A_118 : i64 to index
    %get3A_120 = arith.constant 0 : index
    %get3A_121 = tpu.vector_load %arg4[%get3A_119, %get3A_120] {strides = array<i32>} : memref<32x128xi32, #tpu.memory_space<vmem>>, vector<16xi32>,
    %or3A_122 = arith.ori %or3A_117, %get3A_121 : vector<16xi32>
    %get3A_123 = arith.constant 25 : i64
    %get3A_124 = arith.index_cast %get3A_123 : i64 to index
    %get3A_125 = arith.constant 0 : index
    %get3A_126 = tpu.vector_load %arg4[%get3A_124, %get3A_125] {strides = array<i32>} : memref<32x128xi32, #tpu.memory_space<vmem>>, vector<16xi32>,
    %or3A_127 = arith.ori %or3A_122, %get3A_126 : vector<16xi32>
    %get3A_128 = arith.constant 26 : i64
    %get3A_129 = arith.index_cast %get3A_128 : i64 to index
    %get3A_130 = arith.constant 0 : index
    %get3A_131 = tpu.vector_load %arg4[%get3A_129, %get3A_130] {strides = array<i32>} : memref<32x128xi32, #tpu.memory_space<vmem>>, vector<16xi32>,
    %or3A_132 = arith.ori %or3A_127, %get3A_131 : vector<16xi32>
    %get3A_133 = arith.constant 27 : i64
    %get3A_134 = arith.index_cast %get3A_133 : i64 to index
    %get3A_135 = arith.constant 0 : index
    %get3A_136 = tpu.vector_load %arg4[%get3A_134, %get3A_135] {strides = array<i32>} : memref<32x128xi32, #tpu.memory_space<vmem>>, vector<16xi32>,
    %or3A_137 = arith.ori %or3A_132, %get3A_136 : vector<16xi32>
    %get3A_138 = arith.constant 28 : i64
    %get3A_139 = arith.index_cast %get3A_138 : i64 to index
    %get3A_140 = arith.constant 0 : index
    %get3A_141 = tpu.vector_load %arg4[%get3A_139, %get3A_140] {strides = array<i32>} : memref<32x128xi32, #tpu.memory_space<vmem>>, vector<16xi32>,
    %or3A_142 = arith.ori %or3A_137, %get3A_141 : vector<16xi32>
    %get3A_143 = arith.constant 29 : i64
    %get3A_144 = arith.index_cast %get3A_143 : i64 to index
    %get3A_145 = arith.constant 0 : index
    %get3A_146 = tpu.vector_load %arg4[%get3A_144, %get3A_145] {strides = array<i32>} : memref<32x128xi32, #tpu.memory_space<vmem>>, vector<16xi32>,
    %or3A_147 = arith.ori %or3A_142, %get3A_146 : vector<16xi32>
    %get3A_148 = arith.constant 30 : i64
    %get3A_149 = arith.index_cast %get3A_148 : i64 to index
    %get3A_150 = arith.constant 0 : index
    %get3A_151 = tpu.vector_load %arg4[%get3A_149, %get3A_150] {strides = array<i32>} : memref<32x128xi32, #tpu.memory_space<vmem>>, vector<16xi32>,
    %or3A_152 = arith.ori %or3A_147, %get3A_151 : vector<16xi32>
    %get3A_153 = arith.constant 31 : i64
    %get3A_154 = arith.index_cast %get3A_153 : i64 to index
    %get3A_155 = arith.constant 0 : index
    %get3A_156 = tpu.vector_load %arg4[%get3A_154, %get3A_155] {strides = array<i32>} : memref<32x128xi32, #tpu.memory_space<vmem>>, vector<16xi32>,
    %or3A_157 = arith.ori %or3A_152, %get3A_156 : vector<16xi32>
    %gt3A = arith.constant 0 : i32
    %gt3A_158 = vector.broadcast %gt3A : i32 to vector<16xi32>
    %gt3A_159 = arith.cmpi sgt, %or3A_157, %gt3A_158 : vector<16xi32>
    %get3A_160 = arith.constant 0 : i64
    %get3A_161 = arith.index_cast %get3A_160 : i64 to index
    %get3A_162 = arith.constant 16 : index
    %get3A_163 = tpu.vector_load %arg4[%get3A_161, %get3A_162] {strides = array<i32>} : memref<32x128xi32, #tpu.memory_space<vmem>>, vector<16xi32>,
    %get3A_164 = arith.constant 1 : i64
    %get3A_165 = arith.index_cast %get3A_164 : i64 to index
    %get3A_166 = arith.constant 16 : index
    %get3A_167 = tpu.vector_load %arg4[%get3A_165, %get3A_166] {strides = array<i32>} : memref<32x128xi32, #tpu.memory_space<vmem>>, vector<16xi32>,
    %or3A_168 = arith.ori %get3A_163, %get3A_167 : vector<16xi32>
    %get3A_169 = arith.constant 2 : i64
    %get3A_170 = arith.index_cast %get3A_169 : i64 to index
    %get3A_171 = arith.constant 16 : index
    %get3A_172 = tpu.vector_load %arg4[%get3A_170, %get3A_171] {strides = array<i32>} : memref<32x128xi32, #tpu.memory_space<vmem>>, vector<16xi32>,
    %or3A_173 = arith.ori %or3A_168, %get3A_172 : vector<16xi32>
    %get3A_174 = arith.constant 3 : i64
    %get3A_175 = arith.index_cast %get3A_174 : i64 to index
    %get3A_176 = arith.constant 16 : index
    %get3A_177 = tpu.vector_load %arg4[%get3A_175, %get3A_176] {strides = array<i32>} : memref<32x128xi32, #tpu.memory_space<vmem>>, vector<16xi32>,
    %or3A_178 = arith.ori %or3A_173, %get3A_177 : vector<16xi32>
    %get3A_179 = arith.constant 4 : i64
    %get3A_180 = arith.index_cast %get3A_179 : i64 to index
    %get3A_181 = arith.constant 16 : index
    %get3A_182 = tpu.vector_load %arg4[%get3A_180, %get3A_181] {strides = array<i32>} : memref<32x128xi32, #tpu.memory_space<vmem>>, vector<16xi32>,
    %or3A_183 = arith.ori %or3A_178, %get3A_182 : vector<16xi32>
    %get3A_184 = arith.constant 5 : i64
    %get3A_185 = arith.index_cast %get3A_184 : i64 to index
    %get3A_186 = arith.constant 16 : index
    %get3A_187 = tpu.vector_load %arg4[%get3A_185, %get3A_186] {strides = array<i32>} : memref<32x128xi32, #tpu.memory_space<vmem>>, vector<16xi32>,
    %or3A_188 = arith.ori %or3A_183, %get3A_187 : vector<16xi32>
    %get3A_189 = arith.constant 6 : i64
    %get3A_190 = arith.index_cast %get3A_189 : i64 to index
    %get3A_191 = arith.constant 16 : index
    %get3A_192 = tpu.vector_load %arg4[%get3A_190, %get3A_191] {strides = array<i32>} : memref<32x128xi32, #tpu.memory_space<vmem>>, vector<16xi32>,
    %or3A_193 = arith.ori %or3A_188, %get3A_192 : vector<16xi32>
    %get3A_194 = arith.constant 7 : i64
    %get3A_195 = arith.index_cast %get3A_194 : i64 to index
    %get3A_196 = arith.constant 16 : index
    %get3A_197 = tpu.vector_load %arg4[%get3A_195, %get3A_196] {strides = array<i32>} : memref<32x128xi32, #tpu.memory_space<vmem>>, vector<16xi32>,
    %or3A_198 = arith.ori %or3A_193, %get3A_197 : vector<16xi32>
    %get3A_199 = arith.constant 8 : i64
    %get3A_200 = arith.index_cast %get3A_199 : i64 to index
    %get3A_201 = arith.constant 16 : index
    %get3A_202 = tpu.vector_load %arg4[%get3A_200, %get3A_201] {strides = array<i32>} : memref<32x128xi32, #tpu.memory_space<vmem>>, vector<16xi32>,
    %or3A_203 = arith.ori %or3A_198, %get3A_202 : vector<16xi32>
    %get3A_204 = arith.constant 9 : i64
    %get3A_205 = arith.index_cast %get3A_204 : i64 to index
    %get3A_206 = arith.constant 16 : index
    %get3A_207 = tpu.vector_load %arg4[%get3A_205, %get3A_206] {strides = array<i32>} : memref<32x128xi32, #tpu.memory_space<vmem>>, vector<16xi32>,
    %or3A_208 = arith.ori %or3A_203, %get3A_207 : vector<16xi32>
    %get3A_209 = arith.constant 10 : i64
    %get3A_210 = arith.index_cast %get3A_209 : i64 to index
    %get3A_211 = arith.constant 16 : index
    %get3A_212 = tpu.vector_load %arg4[%get3A_210, %get3A_211] {strides = array<i32>} : memref<32x128xi32, #tpu.memory_space<vmem>>, vector<16xi32>,
    %or3A_213 = arith.ori %or3A_208, %get3A_212 : vector<16xi32>
    %get3A_214 = arith.constant 11 : i64
    %get3A_215 = arith.index_cast %get3A_214 : i64 to index
    %get3A_216 = arith.constant 16 : index
    %get3A_217 = tpu.vector_load %arg4[%get3A_215, %get3A_216] {strides = array<i32>} : memref<32x128xi32, #tpu.memory_space<vmem>>, vector<16xi32>,
    %or3A_218 = arith.ori %or3A_213, %get3A_217 : vector<16xi32>
    %get3A_219 = arith.constant 12 : i64
    %get3A_220 = arith.index_cast %get3A_219 : i64 to index
    %get3A_221 = arith.constant 16 : index
    %get3A_222 = tpu.vector_load %arg4[%get3A_220, %get3A_221] {strides = array<i32>} : memref<32x128xi32, #tpu.memory_space<vmem>>, vector<16xi32>,
    %or3A_223 = arith.ori %or3A_218, %get3A_222 : vector<16xi32>
    %get3A_224 = arith.constant 13 : i64
    %get3A_225 = arith.index_cast %get3A_224 : i64 to index
    %get3A_226 = arith.constant 16 : index
    %get3A_227 = tpu.vector_load %arg4[%get3A_225, %get3A_226] {strides = array<i32>} : memref<32x128xi32, #tpu.memory_space<vmem>>, vector<16xi32>,
    %or3A_228 = arith.ori %or3A_223, %get3A_227 : vector<16xi32>
    %get3A_229 = arith.constant 14 : i64
    %get3A_230 = arith.index_cast %get3A_229 : i64 to index
    %get3A_231 = arith.constant 16 : index
    %get3A_232 = tpu.vector_load %arg4[%get3A_230, %get3A_231] {strides = array<i32>} : memref<32x128xi32, #tpu.memory_space<vmem>>, vector<16xi32>,
    %or3A_233 = arith.ori %or3A_228, %get3A_232 : vector<16xi32>
    %get3A_234 = arith.constant 15 : i64
    %get3A_235 = arith.index_cast %get3A_234 : i64 to index
    %get3A_236 = arith.constant 16 : index
    %get3A_237 = tpu.vector_load %arg4[%get3A_235, %get3A_236] {strides = array<i32>} : memref<32x128xi32, #tpu.memory_space<vmem>>, vector<16xi32>,
    %or3A_238 = arith.ori %or3A_233, %get3A_237 : vector<16xi32>
    %get3A_239 = arith.constant 16 : i64
    %get3A_240 = arith.index_cast %get3A_239 : i64 to index
    %get3A_241 = arith.constant 16 : index
    %get3A_242 = tpu.vector_load %arg4[%get3A_240, %get3A_241] {strides = array<i32>} : memref<32x128xi32, #tpu.memory_space<vmem>>, vector<16xi32>,
    %or3A_243 = arith.ori %or3A_238, %get3A_242 : vector<16xi32>
    %get3A_244 = arith.constant 17 : i64
    %get3A_245 = arith.index_cast %get3A_244 : i64 to index
    %get3A_246 = arith.constant 16 : index
    %get3A_247 = tpu.vector_load %arg4[%get3A_245, %get3A_246] {strides = array<i32>} : memref<32x128xi32, #tpu.memory_space<vmem>>, vector<16xi32>,
    %or3A_248 = arith.ori %or3A_243, %get3A_247 : vector<16xi32>
    %get3A_249 = arith.constant 18 : i64
    %get3A_250 = arith.index_cast %get3A_249 : i64 to index
    %get3A_251 = arith.constant 16 : index
    %get3A_252 = tpu.vector_load %arg4[%get3A_250, %get3A_251] {strides = array<i32>} : memref<32x128xi32, #tpu.memory_space<vmem>>, vector<16xi32>,
    %or3A_253 = arith.ori %or3A_248, %get3A_252 : vector<16xi32>
    %get3A_254 = arith.constant 19 : i64
    %get3A_255 = arith.index_cast %get3A_254 : i64 to index
    %get3A_256 = arith.constant 16 : index
    %get3A_257 = tpu.vector_load %arg4[%get3A_255, %get3A_256] {strides = array<i32>} : memref<32x128xi32, #tpu.memory_space<vmem>>, vector<16xi32>,
    %or3A_258 = arith.ori %or3A_253, %get3A_257 : vector<16xi32>
    %get3A_259 = arith.constant 20 : i64
    %get3A_260 = arith.index_cast %get3A_259 : i64 to index
    %get3A_261 = arith.constant 16 : index
    %get3A_262 = tpu.vector_load %arg4[%get3A_260, %get3A_261] {strides = array<i32>} : memref<32x128xi32, #tpu.memory_space<vmem>>, vector<16xi32>,
    %or3A_263 = arith.ori %or3A_258, %get3A_262 : vector<16xi32>
    %get3A_264 = arith.constant 21 : i64
    %get3A_265 = arith.index_cast %get3A_264 : i64 to index
    %get3A_266 = arith.constant 16 : index
    %get3A_267 = tpu.vector_load %arg4[%get3A_265, %get3A_266] {strides = array<i32>} : memref<32x128xi32, #tpu.memory_space<vmem>>, vector<16xi32>,
    %or3A_268 = arith.ori %or3A_263, %get3A_267 : vector<16xi32>
    %get3A_269 = arith.constant 22 : i64
    %get3A_270 = arith.index_cast %get3A_269 : i64 to index
    %get3A_271 = arith.constant 16 : index
    %get3A_272 = tpu.vector_load %arg4[%get3A_270, %get3A_271] {strides = array<i32>} : memref<32x128xi32, #tpu.memory_space<vmem>>, vector<16xi32>,
    %or3A_273 = arith.ori %or3A_268, %get3A_272 : vector<16xi32>
    %get3A_274 = arith.constant 23 : i64
    %get3A_275 = arith.index_cast %get3A_274 : i64 to index
    %get3A_276 = arith.constant 16 : index
    %get3A_277 = tpu.vector_load %arg4[%get3A_275, %get3A_276] {strides = array<i32>} : memref<32x128xi32, #tpu.memory_space<vmem>>, vector<16xi32>,
    %or3A_278 = arith.ori %or3A_273, %get3A_277 : vector<16xi32>
    %get3A_279 = arith.constant 24 : i64
    %get3A_280 = arith.index_cast %get3A_279 : i64 to index
    %get3A_281 = arith.constant 16 : index
    %get3A_282 = tpu.vector_load %arg4[%get3A_280, %get3A_281] {strides = array<i32>} : memref<32x128xi32, #tpu.memory_space<vmem>>, vector<16xi32>,
    %or3A_283 = arith.ori %or3A_278, %get3A_282 : vector<16xi32>
    %get3A_284 = arith.constant 25 : i64
    %get3A_285 = arith.index_cast %get3A_284 : i64 to index
    %get3A_286 = arith.constant 16 : index
    %get3A_287 = tpu.vector_load %arg4[%get3A_285, %get3A_286] {strides = array<i32>} : memref<32x128xi32, #tpu.memory_space<vmem>>, vector<16xi32>,
    %or3A_288 = arith.ori %or3A_283, %get3A_287 : vector<16xi32>
    %get3A_289 = arith.constant 26 : i64
    %get3A_290 = arith.index_cast %get3A_289 : i64 to index
    %get3A_291 = arith.constant 16 : index
    %get3A_292 = tpu.vector_load %arg4[%get3A_290, %get3A_291] {strides = array<i32>} : memref<32x128xi32, #tpu.memory_space<vmem>>, vector<16xi32>,
    %or3A_293 = arith.ori %or3A_288, %get3A_292 : vector<16xi32>
    %get3A_294 = arith.constant 27 : i64
    %get3A_295 = arith.index_cast %get3A_294 : i64 to index
    %get3A_296 = arith.constant 16 : index
    %get3A_297 = tpu.vector_load %arg4[%get3A_295, %get3A_296] {strides = array<i32>} : memref<32x128xi32, #tpu.memory_space<vmem>>, vector<16xi32>,
    %or3A_298 = arith.ori %or3A_293, %get3A_297 : vector<16xi32>
    %get3A_299 = arith.constant 28 : i64
    %get3A_300 = arith.index_cast %get3A_299 : i64 to index
    %get3A_301 = arith.constant 16 : index
    %get3A_302 = tpu.vector_load %arg4[%get3A_300, %get3A_301] {strides = array<i32>} : memref<32x128xi32, #tpu.memory_space<vmem>>, vector<16xi32>,
    %or3A_303 = arith.ori %or3A_298, %get3A_302 : vector<16xi32>
    %get3A_304 = arith.constant 29 : i64
    %get3A_305 = arith.index_cast %get3A_304 : i64 to index
    %get3A_306 = arith.constant 16 : index
    %get3A_307 = tpu.vector_load %arg4[%get3A_305, %get3A_306] {strides = array<i32>} : memref<32x128xi32, #tpu.memory_space<vmem>>, vector<16xi32>,
    %or3A_308 = arith.ori %or3A_303, %get3A_307 : vector<16xi32>
    %get3A_309 = arith.constant 30 : i64
    %get3A_310 = arith.index_cast %get3A_309 : i64 to index
    %get3A_311 = arith.constant 16 : index
    %get3A_312 = tpu.vector_load %arg4[%get3A_310, %get3A_311] {strides = array<i32>} : memref<32x128xi32, #tpu.memory_space<vmem>>, vector<16xi32>,
    %or3A_313 = arith.ori %or3A_308, %get3A_312 : vector<16xi32>
    %get3A_314 = arith.constant 31 : i64
    %get3A_315 = arith.index_cast %get3A_314 : i64 to index
    %get3A_316 = arith.constant 16 : index
    %get3A_317 = tpu.vector_load %arg4[%get3A_315, %get3A_316] {strides = array<i32>} : memref<32x128xi32, #tpu.memory_space<vmem>>, vector<16xi32>,
    %or3A_318 = arith.ori %or3A_313, %get3A_317 : vector<16xi32>
    %gt3A_319 = arith.constant 0 : i32
    %gt3A_320 = vector.broadcast %gt3A_319 : i32 to vector<16xi32>
    %gt3A_321 = arith.cmpi sgt, %or3A_318, %gt3A_320 : vector<16xi32>
    %get3A_322 = arith.constant 0 : i64
    %get3A_323 = arith.index_cast %get3A_322 : i64 to index
    %get3A_324 = arith.constant 32 : index
    %get3A_325 = tpu.vector_load %arg4[%get3A_323, %get3A_324] {strides = array<i32>} : memref<32x128xi32, #tpu.memory_space<vmem>>, vector<16xi32>,
    %get3A_326 = arith.constant 1 : i64
    %get3A_327 = arith.index_cast %get3A_326 : i64 to index
    %get3A_328 = arith.constant 32 : index
    %get3A_329 = tpu.vector_load %arg4[%get3A_327, %get3A_328] {strides = array<i32>} : memref<32x128xi32, #tpu.memory_space<vmem>>, vector<16xi32>,
    %or3A_330 = arith.ori %get3A_325, %get3A_329 : vector<16xi32>
    %get3A_331 = arith.constant 2 : i64
    %get3A_332 = arith.index_cast %get3A_331 : i64 to index
    %get3A_333 = arith.constant 32 : index
    %get3A_334 = tpu.vector_load %arg4[%get3A_332, %get3A_333] {strides = array<i32>} : memref<32x128xi32, #tpu.memory_space<vmem>>, vector<16xi32>,
    %or3A_335 = arith.ori %or3A_330, %get3A_334 : vector<16xi32>
    %get3A_336 = arith.constant 3 : i64
    %get3A_337 = arith.index_cast %get3A_336 : i64 to index
    %get3A_338 = arith.constant 32 : index
    %get3A_339 = tpu.vector_load %arg4[%get3A_337, %get3A_338] {strides = array<i32>} : memref<32x128xi32, #tpu.memory_space<vmem>>, vector<16xi32>,
    %or3A_340 = arith.ori %or3A_335, %get3A_339 : vector<16xi32>
    %get3A_341 = arith.constant 4 : i64
    %get3A_342 = arith.index_cast %get3A_341 : i64 to index
    %get3A_343 = arith.constant 32 : index
    %get3A_344 = tpu.vector_load %arg4[%get3A_342, %get3A_343] {strides = array<i32>} : memref<32x128xi32, #tpu.memory_space<vmem>>, vector<16xi32>,
    %or3A_345 = arith.ori %or3A_340, %get3A_344 : vector<16xi32>
    %get3A_346 = arith.constant 5 : i64
    %get3A_347 = arith.index_cast %get3A_346 : i64 to index
    %get3A_348 = arith.constant 32 : index
    %get3A_349 = tpu.vector_load %arg4[%get3A_347, %get3A_348] {strides = array<i32>} : memref<32x128xi32, #tpu.memory_space<vmem>>, vector<16xi32>,
    %or3A_350 = arith.ori %or3A_345, %get3A_349 : vector<16xi32>
    %get3A_351 = arith.constant 6 : i64
    %get3A_352 = arith.index_cast %get3A_351 : i64 to index
    %get3A_353 = arith.constant 32 : index
    %get3A_354 = tpu.vector_load %arg4[%get3A_352, %get3A_353] {strides = array<i32>} : memref<32x128xi32, #tpu.memory_space<vmem>>, vector<16xi32>,
    %or3A_355 = arith.ori %or3A_350, %get3A_354 : vector<16xi32>
    %get3A_356 = arith.constant 7 : i64
    %get3A_357 = arith.index_cast %get3A_356 : i64 to index
    %get3A_358 = arith.constant 32 : index
    %get3A_359 = tpu.vector_load %arg4[%get3A_357, %get3A_358] {strides = array<i32>} : memref<32x128xi32, #tpu.memory_space<vmem>>, vector<16xi32>,
    %or3A_360 = arith.ori %or3A_355, %get3A_359 : vector<16xi32>
    %get3A_361 = arith.constant 8 : i64
    %get3A_362 = arith.index_cast %get3A_361 : i64 to index
    %get3A_363 = arith.constant 32 : index
    %get3A_364 = tpu.vector_load %arg4[%get3A_362, %get3A_363] {strides = array<i32>} : memref<32x128xi32, #tpu.memory_space<vmem>>, vector<16xi32>,
    %or3A_365 = arith.ori %or3A_360, %get3A_364 : vector<16xi32>
    %get3A_366 = arith.constant 9 : i64
    %get3A_367 = arith.index_cast %get3A_366 : i64 to index
    %get3A_368 = arith.constant 32 : index
    %get3A_369 = tpu.vector_load %arg4[%get3A_367, %get3A_368] {strides = array<i32>} : memref<32x128xi32, #tpu.memory_space<vmem>>, vector<16xi32>,
    %or3A_370 = arith.ori %or3A_365, %get3A_369 : vector<16xi32>
    %get3A_371 = arith.constant 10 : i64
    %get3A_372 = arith.index_cast %get3A_371 : i64 to index
    %get3A_373 = arith.constant 32 : index
    %get3A_374 = tpu.vector_load %arg4[%get3A_372, %get3A_373] {strides = array<i32>} : memref<32x128xi32, #tpu.memory_space<vmem>>, vector<16xi32>,
    %or3A_375 = arith.ori %or3A_370, %get3A_374 : vector<16xi32>
    %get3A_376 = arith.constant 11 : i64
    %get3A_377 = arith.index_cast %get3A_376 : i64 to index
    %get3A_378 = arith.constant 32 : index
    %get3A_379 = tpu.vector_load %arg4[%get3A_377, %get3A_378] {strides = array<i32>} : memref<32x128xi32, #tpu.memory_space<vmem>>, vector<16xi32>,
    %or3A_380 = arith.ori %or3A_375, %get3A_379 : vector<16xi32>
    %get3A_381 = arith.constant 12 : i64
    %get3A_382 = arith.index_cast %get3A_381 : i64 to index
    %get3A_383 = arith.constant 32 : index
    %get3A_384 = tpu.vector_load %arg4[%get3A_382, %get3A_383] {strides = array<i32>} : memref<32x128xi32, #tpu.memory_space<vmem>>, vector<16xi32>,
    %or3A_385 = arith.ori %or3A_380, %get3A_384 : vector<16xi32>
    %get3A_386 = arith.constant 13 : i64
    %get3A_387 = arith.index_cast %get3A_386 : i64 to index
    %get3A_388 = arith.constant 32 : index
    %get3A_389 = tpu.vector_load %arg4[%get3A_387, %get3A_388] {strides = array<i32>} : memref<32x128xi32, #tpu.memory_space<vmem>>, vector<16xi32>,
    %or3A_390 = arith.ori %or3A_385, %get3A_389 : vector<16xi32>
    %get3A_391 = arith.constant 14 : i64
    %get3A_392 = arith.index_cast %get3A_391 : i64 to index
    %get3A_393 = arith.constant 32 : index
    %get3A_394 = tpu.vector_load %arg4[%get3A_392, %get3A_393] {strides = array<i32>} : memref<32x128xi32, #tpu.memory_space<vmem>>, vector<16xi32>,
    %or3A_395 = arith.ori %or3A_390, %get3A_394 : vector<16xi32>
    %get3A_396 = arith.constant 15 : i64
    %get3A_397 = arith.index_cast %get3A_396 : i64 to index
    %get3A_398 = arith.constant 32 : index
    %get3A_399 = tpu.vector_load %arg4[%get3A_397, %get3A_398] {strides = array<i32>} : memref<32x128xi32, #tpu.memory_space<vmem>>, vector<16xi32>,
    %or3A_400 = arith.ori %or3A_395, %get3A_399 : vector<16xi32>
    %get3A_401 = arith.constant 16 : i64
    %get3A_402 = arith.index_cast %get3A_401 : i64 to index
    %get3A_403 = arith.constant 32 : index
    %get3A_404 = tpu.vector_load %arg4[%get3A_402, %get3A_403] {strides = array<i32>} : memref<32x128xi32, #tpu.memory_space<vmem>>, vector<16xi32>,
    %or3A_405 = arith.ori %or3A_400, %get3A_404 : vector<16xi32>
    %get3A_406 = arith.constant 17 : i64
    %get3A_407 = arith.index_cast %get3A_406 : i64 to index
    %get3A_408 = arith.constant 32 : index
    %get3A_409 = tpu.vector_load %arg4[%get3A_407, %get3A_408] {strides = array<i32>} : memref<32x128xi32, #tpu.memory_space<vmem>>, vector<16xi32>,
    %or3A_410 = arith.ori %or3A_405, %get3A_409 : vector<16xi32>
    %get3A_411 = arith.constant 18 : i64
    %get3A_412 = arith.index_cast %get3A_411 : i64 to index
    %get3A_413 = arith.constant 32 : index
    %get3A_414 = tpu.vector_load %arg4[%get3A_412, %get3A_413] {strides = array<i32>} : memref<32x128xi32, #tpu.memory_space<vmem>>, vector<16xi32>,
    %or3A_415 = arith.ori %or3A_410, %get3A_414 : vector<16xi32>
    %get3A_416 = arith.constant 19 : i64
    %get3A_417 = arith.index_cast %get3A_416 : i64 to index
    %get3A_418 = arith.constant 32 : index
    %get3A_419 = tpu.vector_load %arg4[%get3A_417, %get3A_418] {strides = array<i32>} : memref<32x128xi32, #tpu.memory_space<vmem>>, vector<16xi32>,
    %or3A_420 = arith.ori %or3A_415, %get3A_419 : vector<16xi32>
    %get3A_421 = arith.constant 20 : i64
    %get3A_422 = arith.index_cast %get3A_421 : i64 to index
    %get3A_423 = arith.constant 32 : index
    %get3A_424 = tpu.vector_load %arg4[%get3A_422, %get3A_423] {strides = array<i32>} : memref<32x128xi32, #tpu.memory_space<vmem>>, vector<16xi32>,
    %or3A_425 = arith.ori %or3A_420, %get3A_424 : vector<16xi32>
    %get3A_426 = arith.constant 21 : i64
    %get3A_427 = arith.index_cast %get3A_426 : i64 to index
    %get3A_428 = arith.constant 32 : index
    %get3A_429 = tpu.vector_load %arg4[%get3A_427, %get3A_428] {strides = array<i32>} : memref<32x128xi32, #tpu.memory_space<vmem>>, vector<16xi32>,
    %or3A_430 = arith.ori %or3A_425, %get3A_429 : vector<16xi32>
    %get3A_431 = arith.constant 22 : i64
    %get3A_432 = arith.index_cast %get3A_431 : i64 to index
    %get3A_433 = arith.constant 32 : index
    %get3A_434 = tpu.vector_load %arg4[%get3A_432, %get3A_433] {strides = array<i32>} : memref<32x128xi32, #tpu.memory_space<vmem>>, vector<16xi32>,
    %or3A_435 = arith.ori %or3A_430, %get3A_434 : vector<16xi32>
    %get3A_436 = arith.constant 23 : i64
    %get3A_437 = arith.index_cast %get3A_436 : i64 to index
    %get3A_438 = arith.constant 32 : index
    %get3A_439 = tpu.vector_load %arg4[%get3A_437, %get3A_438] {strides = array<i32>} : memref<32x128xi32, #tpu.memory_space<vmem>>, vector<16xi32>,
    %or3A_440 = arith.ori %or3A_435, %get3A_439 : vector<16xi32>
    %get3A_441 = arith.constant 24 : i64
    %get3A_442 = arith.index_cast %get3A_441 : i64 to index
    %get3A_443 = arith.constant 32 : index
    %get3A_444 = tpu.vector_load %arg4[%get3A_442, %get3A_443] {strides = array<i32>} : memref<32x128xi32, #tpu.memory_space<vmem>>, vector<16xi32>,
    %or3A_445 = arith.ori %or3A_440, %get3A_444 : vector<16xi32>
    %get3A_446 = arith.constant 25 : i64
    %get3A_447 = arith.index_cast %get3A_446 : i64 to index
    %get3A_448 = arith.constant 32 : index
    %get3A_449 = tpu.vector_load %arg4[%get3A_447, %get3A_448] {strides = array<i32>} : memref<32x128xi32, #tpu.memory_space<vmem>>, vector<16xi32>,
    %or3A_450 = arith.ori %or3A_445, %get3A_449 : vector<16xi32>
    %get3A_451 = arith.constant 26 : i64
    %get3A_452 = arith.index_cast %get3A_451 : i64 to index
    %get3A_453 = arith.constant 32 : index
    %get3A_454 = tpu.vector_load %arg4[%get3A_452, %get3A_453] {strides = array<i32>} : memref<32x128xi32, #tpu.memory_space<vmem>>, vector<16xi32>,
    %or3A_455 = arith.ori %or3A_450, %get3A_454 : vector<16xi32>
    %get3A_456 = arith.constant 27 : i64
    %get3A_457 = arith.index_cast %get3A_456 : i64 to index
    %get3A_458 = arith.constant 32 : index
    %get3A_459 = tpu.vector_load %arg4[%get3A_457, %get3A_458] {strides = array<i32>} : memref<32x128xi32, #tpu.memory_space<vmem>>, vector<16xi32>,
    %or3A_460 = arith.ori %or3A_455, %get3A_459 : vector<16xi32>
    %get3A_461 = arith.constant 28 : i64
    %get3A_462 = arith.index_cast %get3A_461 : i64 to index
    %get3A_463 = arith.constant 32 : index
    %get3A_464 = tpu.vector_load %arg4[%get3A_462, %get3A_463] {strides = array<i32>} : memref<32x128xi32, #tpu.memory_space<vmem>>, vector<16xi32>,
    %or3A_465 = arith.ori %or3A_460, %get3A_464 : vector<16xi32>
    %get3A_466 = arith.constant 29 : i64
    %get3A_467 = arith.index_cast %get3A_466 : i64 to index
    %get3A_468 = arith.constant 32 : index
    %get3A_469 = tpu.vector_load %arg4[%get3A_467, %get3A_468] {strides = array<i32>} : memref<32x128xi32, #tpu.memory_space<vmem>>, vector<16xi32>,
    %or3A_470 = arith.ori %or3A_465, %get3A_469 : vector<16xi32>
    %get3A_471 = arith.constant 30 : i64
    %get3A_472 = arith.index_cast %get3A_471 : i64 to index
    %get3A_473 = arith.constant 32 : index
    %get3A_474 = tpu.vector_load %arg4[%get3A_472, %get3A_473] {strides = array<i32>} : memref<32x128xi32, #tpu.memory_space<vmem>>, vector<16xi32>,
    %or3A_475 = arith.ori %or3A_470, %get3A_474 : vector<16xi32>
    %get3A_476 = arith.constant 31 : i64
    %get3A_477 = arith.index_cast %get3A_476 : i64 to index
    %get3A_478 = arith.constant 32 : index
    %get3A_479 = tpu.vector_load %arg4[%get3A_477, %get3A_478] {strides = array<i32>} : memref<32x128xi32, #tpu.memory_space<vmem>>, vector<16xi32>,
    %or3A_480 = arith.ori %or3A_475, %get3A_479 : vector<16xi32>
    %gt3A_481 = arith.constant 0 : i32
    %gt3A_482 = vector.broadcast %gt3A_481 : i32 to vector<16xi32>
    %gt3A_483 = arith.cmpi sgt, %or3A_480, %gt3A_482 : vector<16xi32>
    %get3A_484 = arith.constant 0 : i64
    %get3A_485 = arith.index_cast %get3A_484 : i64 to index
    %get3A_486 = arith.constant 48 : index
    %get3A_487 = tpu.vector_load %arg4[%get3A_485, %get3A_486] {strides = array<i32>} : memref<32x128xi32, #tpu.memory_space<vmem>>, vector<16xi32>,
    %get3A_488 = arith.constant 1 : i64
    %get3A_489 = arith.index_cast %get3A_488 : i64 to index
    %get3A_490 = arith.constant 48 : index
    %get3A_491 = tpu.vector_load %arg4[%get3A_489, %get3A_490] {strides = array<i32>} : memref<32x128xi32, #tpu.memory_space<vmem>>, vector<16xi32>,
    %or3A_492 = arith.ori %get3A_487, %get3A_491 : vector<16xi32>
    %get3A_493 = arith.constant 2 : i64
    %get3A_494 = arith.index_cast %get3A_493 : i64 to index
    %get3A_495 = arith.constant 48 : index
    %get3A_496 = tpu.vector_load %arg4[%get3A_494, %get3A_495] {strides = array<i32>} : memref<32x128xi32, #tpu.memory_space<vmem>>, vector<16xi32>,
    %or3A_497 = arith.ori %or3A_492, %get3A_496 : vector<16xi32>
    %get3A_498 = arith.constant 3 : i64
    %get3A_499 = arith.index_cast %get3A_498 : i64 to index
    %get3A_500 = arith.constant 48 : index
    %get3A_501 = tpu.vector_load %arg4[%get3A_499, %get3A_500] {strides = array<i32>} : memref<32x128xi32, #tpu.memory_space<vmem>>, vector<16xi32>,
    %or3A_502 = arith.ori %or3A_497, %get3A_501 : vector<16xi32>
    %get3A_503 = arith.constant 4 : i64
    %get3A_504 = arith.index_cast %get3A_503 : i64 to index
    %get3A_505 = arith.constant 48 : index
    %get3A_506 = tpu.vector_load %arg4[%get3A_504, %get3A_505] {strides = array<i32>} : memref<32x128xi32, #tpu.memory_space<vmem>>, vector<16xi32>,
    %or3A_507 = arith.ori %or3A_502, %get3A_506 : vector<16xi32>
    %get3A_508 = arith.constant 5 : i64
    %get3A_509 = arith.index_cast %get3A_508 : i64 to index
    %get3A_510 = arith.constant 48 : index
    %get3A_511 = tpu.vector_load %arg4[%get3A_509, %get3A_510] {strides = array<i32>} : memref<32x128xi32, #tpu.memory_space<vmem>>, vector<16xi32>,
    %or3A_512 = arith.ori %or3A_507, %get3A_511 : vector<16xi32>
    %get3A_513 = arith.constant 6 : i64
    %get3A_514 = arith.index_cast %get3A_513 : i64 to index
    %get3A_515 = arith.constant 48 : index
    %get3A_516 = tpu.vector_load %arg4[%get3A_514, %get3A_515] {strides = array<i32>} : memref<32x128xi32, #tpu.memory_space<vmem>>, vector<16xi32>,
    %or3A_517 = arith.ori %or3A_512, %get3A_516 : vector<16xi32>
    %get3A_518 = arith.constant 7 : i64
    %get3A_519 = arith.index_cast %get3A_518 : i64 to index
    %get3A_520 = arith.constant 48 : index
    %get3A_521 = tpu.vector_load %arg4[%get3A_519, %get3A_520] {strides = array<i32>} : memref<32x128xi32, #tpu.memory_space<vmem>>, vector<16xi32>,
    %or3A_522 = arith.ori %or3A_517, %get3A_521 : vector<16xi32>
    %get3A_523 = arith.constant 8 : i64
    %get3A_524 = arith.index_cast %get3A_523 : i64 to index
    %get3A_525 = arith.constant 48 : index
    %get3A_526 = tpu.vector_load %arg4[%get3A_524, %get3A_525] {strides = array<i32>} : memref<32x128xi32, #tpu.memory_space<vmem>>, vector<16xi32>,
    %or3A_527 = arith.ori %or3A_522, %get3A_526 : vector<16xi32>
    %get3A_528 = arith.constant 9 : i64
    %get3A_529 = arith.index_cast %get3A_528 : i64 to index
    %get3A_530 = arith.constant 48 : index
    %get3A_531 = tpu.vector_load %arg4[%get3A_529, %get3A_530] {strides = array<i32>} : memref<32x128xi32, #tpu.memory_space<vmem>>, vector<16xi32>,
    %or3A_532 = arith.ori %or3A_527, %get3A_531 : vector<16xi32>
    %get3A_533 = arith.constant 10 : i64
    %get3A_534 = arith.index_cast %get3A_533 : i64 to index
    %get3A_535 = arith.constant 48 : index
    %get3A_536 = tpu.vector_load %arg4[%get3A_534, %get3A_535] {strides = array<i32>} : memref<32x128xi32, #tpu.memory_space<vmem>>, vector<16xi32>,
    %or3A_537 = arith.ori %or3A_532, %get3A_536 : vector<16xi32>
    %get3A_538 = arith.constant 11 : i64
    %get3A_539 = arith.index_cast %get3A_538 : i64 to index
    %get3A_540 = arith.constant 48 : index
    %get3A_541 = tpu.vector_load %arg4[%get3A_539, %get3A_540] {strides = array<i32>} : memref<32x128xi32, #tpu.memory_space<vmem>>, vector<16xi32>,
    %or3A_542 = arith.ori %or3A_537, %get3A_541 : vector<16xi32>
    %get3A_543 = arith.constant 12 : i64
    %get3A_544 = arith.index_cast %get3A_543 : i64 to index
    %get3A_545 = arith.constant 48 : index
    %get3A_546 = tpu.vector_load %arg4[%get3A_544, %get3A_545] {strides = array<i32>} : memref<32x128xi32, #tpu.memory_space<vmem>>, vector<16xi32>,
    %or3A_547 = arith.ori %or3A_542, %get3A_546 : vector<16xi32>
    %get3A_548 = arith.constant 13 : i64
    %get3A_549 = arith.index_cast %get3A_548 : i64 to index
    %get3A_550 = arith.constant 48 : index
    %get3A_551 = tpu.vector_load %arg4[%get3A_549, %get3A_550] {strides = array<i32>} : memref<32x128xi32, #tpu.memory_space<vmem>>, vector<16xi32>,
    %or3A_552 = arith.ori %or3A_547, %get3A_551 : vector<16xi32>
    %get3A_553 = arith.constant 14 : i64
    %get3A_554 = arith.index_cast %get3A_553 : i64 to index
    %get3A_555 = arith.constant 48 : index
    %get3A_556 = tpu.vector_load %arg4[%get3A_554, %get3A_555] {strides = array<i32>} : memref<32x128xi32, #tpu.memory_space<vmem>>, vector<16xi32>,
    %or3A_557 = arith.ori %or3A_552, %get3A_556 : vector<16xi32>
    %get3A_558 = arith.constant 15 : i64
    %get3A_559 = arith.index_cast %get3A_558 : i64 to index
    %get3A_560 = arith.constant 48 : index
    %get3A_561 = tpu.vector_load %arg4[%get3A_559, %get3A_560] {strides = array<i32>} : memref<32x128xi32, #tpu.memory_space<vmem>>, vector<16xi32>,
    %or3A_562 = arith.ori %or3A_557, %get3A_561 : vector<16xi32>
    %get3A_563 = arith.constant 16 : i64
    %get3A_564 = arith.index_cast %get3A_563 : i64 to index
    %get3A_565 = arith.constant 48 : index
    %get3A_566 = tpu.vector_load %arg4[%get3A_564, %get3A_565] {strides = array<i32>} : memref<32x128xi32, #tpu.memory_space<vmem>>, vector<16xi32>,
    %or3A_567 = arith.ori %or3A_562, %get3A_566 : vector<16xi32>
    %get3A_568 = arith.constant 17 : i64
    %get3A_569 = arith.index_cast %get3A_568 : i64 to index
    %get3A_570 = arith.constant 48 : index
    %get3A_571 = tpu.vector_load %arg4[%get3A_569, %get3A_570] {strides = array<i32>} : memref<32x128xi32, #tpu.memory_space<vmem>>, vector<16xi32>,
    %or3A_572 = arith.ori %or3A_567, %get3A_571 : vector<16xi32>
    %get3A_573 = arith.constant 18 : i64
    %get3A_574 = arith.index_cast %get3A_573 : i64 to index
    %get3A_575 = arith.constant 48 : index
    %get3A_576 = tpu.vector_load %arg4[%get3A_574, %get3A_575] {strides = array<i32>} : memref<32x128xi32, #tpu.memory_space<vmem>>, vector<16xi32>,
    %or3A_577 = arith.ori %or3A_572, %get3A_576 : vector<16xi32>
    %get3A_578 = arith.constant 19 : i64
    %get3A_579 = arith.index_cast %get3A_578 : i64 to index
    %get3A_580 = arith.constant 48 : index
    %get3A_581 = tpu.vector_load %arg4[%get3A_579, %get3A_580] {strides = array<i32>} : memref<32x128xi32, #tpu.memory_space<vmem>>, vector<16xi32>,
    %or3A_582 = arith.ori %or3A_577, %get3A_581 : vector<16xi32>
    %get3A_583 = arith.constant 20 : i64
    %get3A_584 = arith.index_cast %get3A_583 : i64 to index
    %get3A_585 = arith.constant 48 : index
    %get3A_586 = tpu.vector_load %arg4[%get3A_584, %get3A_585] {strides = array<i32>} : memref<32x128xi32, #tpu.memory_space<vmem>>, vector<16xi32>,
    %or3A_587 = arith.ori %or3A_582, %get3A_586 : vector<16xi32>
    %get3A_588 = arith.constant 21 : i64
    %get3A_589 = arith.index_cast %get3A_588 : i64 to index
    %get3A_590 = arith.constant 48 : index
    %get3A_591 = tpu.vector_load %arg4[%get3A_589, %get3A_590] {strides = array<i32>} : memref<32x128xi32, #tpu.memory_space<vmem>>, vector<16xi32>,
    %or3A_592 = arith.ori %or3A_587, %get3A_591 : vector<16xi32>
    %get3A_593 = arith.constant 22 : i64
    %get3A_594 = arith.index_cast %get3A_593 : i64 to index
    %get3A_595 = arith.constant 48 : index
    %get3A_596 = tpu.vector_load %arg4[%get3A_594, %get3A_595] {strides = array<i32>} : memref<32x128xi32, #tpu.memory_space<vmem>>, vector<16xi32>,
    %or3A_597 = arith.ori %or3A_592, %get3A_596 : vector<16xi32>
    %get3A_598 = arith.constant 23 : i64
    %get3A_599 = arith.index_cast %get3A_598 : i64 to index
    %get3A_600 = arith.constant 48 : index
    %get3A_601 = tpu.vector_load %arg4[%get3A_599, %get3A_600] {strides = array<i32>} : memref<32x128xi32, #tpu.memory_space<vmem>>, vector<16xi32>,
    %or3A_602 = arith.ori %or3A_597, %get3A_601 : vector<16xi32>
    %get3A_603 = arith.constant 24 : i64
    %get3A_604 = arith.index_cast %get3A_603 : i64 to index
    %get3A_605 = arith.constant 48 : index
    %get3A_606 = tpu.vector_load %arg4[%get3A_604, %get3A_605] {strides = array<i32>} : memref<32x128xi32, #tpu.memory_space<vmem>>, vector<16xi32>,
    %or3A_607 = arith.ori %or3A_602, %get3A_606 : vector<16xi32>
    %get3A_608 = arith.constant 25 : i64
    %get3A_609 = arith.index_cast %get3A_608 : i64 to index
    %get3A_610 = arith.constant 48 : index
    %get3A_611 = tpu.vector_load %arg4[%get3A_609, %get3A_610] {strides = array<i32>} : memref<32x128xi32, #tpu.memory_space<vmem>>, vector<16xi32>,
    %or3A_612 = arith.ori %or3A_607, %get3A_611 : vector<16xi32>
    %get3A_613 = arith.constant 26 : i64
    %get3A_614 = arith.index_cast %get3A_613 : i64 to index
    %get3A_615 = arith.constant 48 : index
    %get3A_616 = tpu.vector_load %arg4[%get3A_614, %get3A_615] {strides = array<i32>} : memref<32x128xi32, #tpu.memory_space<vmem>>, vector<16xi32>,
    %or3A_617 = arith.ori %or3A_612, %get3A_616 : vector<16xi32>
    %get3A_618 = arith.constant 27 : i64
    %get3A_619 = arith.index_cast %get3A_618 : i64 to index
    %get3A_620 = arith.constant 48 : index
    %get3A_621 = tpu.vector_load %arg4[%get3A_619, %get3A_620] {strides = array<i32>} : memref<32x128xi32, #tpu.memory_space<vmem>>, vector<16xi32>,
    %or3A_622 = arith.ori %or3A_617, %get3A_621 : vector<16xi32>
    %get3A_623 = arith.constant 28 : i64
    %get3A_624 = arith.index_cast %get3A_623 : i64 to index
    %get3A_625 = arith.constant 48 : index
    %get3A_626 = tpu.vector_load %arg4[%get3A_624, %get3A_625] {strides = array<i32>} : memref<32x128xi32, #tpu.memory_space<vmem>>, vector<16xi32>,
    %or3A_627 = arith.ori %or3A_622, %get3A_626 : vector<16xi32>
    %get3A_628 = arith.constant 29 : i64
    %get3A_629 = arith.index_cast %get3A_628 : i64 to index
    %get3A_630 = arith.constant 48 : index
    %get3A_631 = tpu.vector_load %arg4[%get3A_629, %get3A_630] {strides = array<i32>} : memref<32x128xi32, #tpu.memory_space<vmem>>, vector<16xi32>,
    %or3A_632 = arith.ori %or3A_627, %get3A_631 : vector<16xi32>
    %get3A_633 = arith.constant 30 : i64
    %get3A_634 = arith.index_cast %get3A_633 : i64 to index
    %get3A_635 = arith.constant 48 : index
    %get3A_636 = tpu.vector_load %arg4[%get3A_634, %get3A_635] {strides = array<i32>} : memref<32x128xi32, #tpu.memory_space<vmem>>, vector<16xi32>,
    %or3A_637 = arith.ori %or3A_632, %get3A_636 : vector<16xi32>
    %get3A_638 = arith.constant 31 : i64
    %get3A_639 = arith.index_cast %get3A_638 : i64 to index
    %get3A_640 = arith.constant 48 : index
    %get3A_641 = tpu.vector_load %arg4[%get3A_639, %get3A_640] {strides = array<i32>} : memref<32x128xi32, #tpu.memory_space<vmem>>, vector<16xi32>,
    %or3A_642 = arith.ori %or3A_637, %get3A_641 : vector<16xi32>
    %gt3A_643 = arith.constant 0 : i32
    %gt3A_644 = vector.broadcast %gt3A_643 : i32 to vector<16xi32>
    %gt3A_645 = arith.cmpi sgt, %or3A_642, %gt3A_644 : vector<16xi32>
    %get3A_646 = arith.constant 0 : i64
    %get3A_647 = arith.index_cast %get3A_646 : i64 to index
    %get3A_648 = arith.constant 64 : index
    %get3A_649 = tpu.vector_load %arg4[%get3A_647, %get3A_648] {strides = array<i32>} : memref<32x128xi32, #tpu.memory_space<vmem>>, vector<16xi32>,
    %get3A_650 = arith.constant 1 : i64
    %get3A_651 = arith.index_cast %get3A_650 : i64 to index
    %get3A_652 = arith.constant 64 : index
    %get3A_653 = tpu.vector_load %arg4[%get3A_651, %get3A_652] {strides = array<i32>} : memref<32x128xi32, #tpu.memory_space<vmem>>, vector<16xi32>,
    %or3A_654 = arith.ori %get3A_649, %get3A_653 : vector<16xi32>
    %get3A_655 = arith.constant 2 : i64
    %get3A_656 = arith.index_cast %get3A_655 : i64 to index
    %get3A_657 = arith.constant 64 : index
    %get3A_658 = tpu.vector_load %arg4[%get3A_656, %get3A_657] {strides = array<i32>} : memref<32x128xi32, #tpu.memory_space<vmem>>, vector<16xi32>,
    %or3A_659 = arith.ori %or3A_654, %get3A_658 : vector<16xi32>
    %get3A_660 = arith.constant 3 : i64
    %get3A_661 = arith.index_cast %get3A_660 : i64 to index
    %get3A_662 = arith.constant 64 : index
    %get3A_663 = tpu.vector_load %arg4[%get3A_661, %get3A_662] {strides = array<i32>} : memref<32x128xi32, #tpu.memory_space<vmem>>, vector<16xi32>,
    %or3A_664 = arith.ori %or3A_659, %get3A_663 : vector<16xi32>
    %get3A_665 = arith.constant 4 : i64
    %get3A_666 = arith.index_cast %get3A_665 : i64 to index
    %get3A_667 = arith.constant 64 : index
    %get3A_668 = tpu.vector_load %arg4[%get3A_666, %get3A_667] {strides = array<i32>} : memref<32x128xi32, #tpu.memory_space<vmem>>, vector<16xi32>,
    %or3A_669 = arith.ori %or3A_664, %get3A_668 : vector<16xi32>
    %get3A_670 = arith.constant 5 : i64
    %get3A_671 = arith.index_cast %get3A_670 : i64 to index
    %get3A_672 = arith.constant 64 : index
    %get3A_673 = tpu.vector_load %arg4[%get3A_671, %get3A_672] {strides = array<i32>} : memref<32x128xi32, #tpu.memory_space<vmem>>, vector<16xi32>,
    %or3A_674 = arith.ori %or3A_669, %get3A_673 : vector<16xi32>
    %get3A_675 = arith.constant 6 : i64
    %get3A_676 = arith.index_cast %get3A_675 : i64 to index
    %get3A_677 = arith.constant 64 : index
    %get3A_678 = tpu.vector_load %arg4[%get3A_676, %get3A_677] {strides = array<i32>} : memref<32x128xi32, #tpu.memory_space<vmem>>, vector<16xi32>,
    %or3A_679 = arith.ori %or3A_674, %get3A_678 : vector<16xi32>
    %get3A_680 = arith.constant 7 : i64
    %get3A_681 = arith.index_cast %get3A_680 : i64 to index
    %get3A_682 = arith.constant 64 : index
    %get3A_683 = tpu.vector_load %arg4[%get3A_681, %get3A_682] {strides = array<i32>} : memref<32x128xi32, #tpu.memory_space<vmem>>, vector<16xi32>,
    %or3A_684 = arith.ori %or3A_679, %get3A_683 : vector<16xi32>
    %get3A_685 = arith.constant 8 : i64
    %get3A_686 = arith.index_cast %get3A_685 : i64 to index
    %get3A_687 = arith.constant 64 : index
    %get3A_688 = tpu.vector_load %arg4[%get3A_686, %get3A_687] {strides = array<i32>} : memref<32x128xi32, #tpu.memory_space<vmem>>, vector<16xi32>,
    %or3A_689 = arith.ori %or3A_684, %get3A_688 : vector<16xi32>
    %get3A_690 = arith.constant 9 : i64
    %get3A_691 = arith.index_cast %get3A_690 : i64 to index
    %get3A_692 = arith.constant 64 : index
    %get3A_693 = tpu.vector_load %arg4[%get3A_691, %get3A_692] {strides = array<i32>} : memref<32x128xi32, #tpu.memory_space<vmem>>, vector<16xi32>,
    %or3A_694 = arith.ori %or3A_689, %get3A_693 : vector<16xi32>
    %get3A_695 = arith.constant 10 : i64
    %get3A_696 = arith.index_cast %get3A_695 : i64 to index
    %get3A_697 = arith.constant 64 : index
    %get3A_698 = tpu.vector_load %arg4[%get3A_696, %get3A_697] {strides = array<i32>} : memref<32x128xi32, #tpu.memory_space<vmem>>, vector<16xi32>,
    %or3A_699 = arith.ori %or3A_694, %get3A_698 : vector<16xi32>
    %get3A_700 = arith.constant 11 : i64
    %get3A_701 = arith.index_cast %get3A_700 : i64 to index
    %get3A_702 = arith.constant 64 : index
    %get3A_703 = tpu.vector_load %arg4[%get3A_701, %get3A_702] {strides = array<i32>} : memref<32x128xi32, #tpu.memory_space<vmem>>, vector<16xi32>,
    %or3A_704 = arith.ori %or3A_699, %get3A_703 : vector<16xi32>
    %get3A_705 = arith.constant 12 : i64
    %get3A_706 = arith.index_cast %get3A_705 : i64 to index
    %get3A_707 = arith.constant 64 : index
    %get3A_708 = tpu.vector_load %arg4[%get3A_706, %get3A_707] {strides = array<i32>} : memref<32x128xi32, #tpu.memory_space<vmem>>, vector<16xi32>,
    %or3A_709 = arith.ori %or3A_704, %get3A_708 : vector<16xi32>
    %get3A_710 = arith.constant 13 : i64
    %get3A_711 = arith.index_cast %get3A_710 : i64 to index
    %get3A_712 = arith.constant 64 : index
    %get3A_713 = tpu.vector_load %arg4[%get3A_711, %get3A_712] {strides = array<i32>} : memref<32x128xi32, #tpu.memory_space<vmem>>, vector<16xi32>,
    %or3A_714 = arith.ori %or3A_709, %get3A_713 : vector<16xi32>
    %get3A_715 = arith.constant 14 : i64
    %get3A_716 = arith.index_cast %get3A_715 : i64 to index
    %get3A_717 = arith.constant 64 : index
    %get3A_718 = tpu.vector_load %arg4[%get3A_716, %get3A_717] {strides = array<i32>} : memref<32x128xi32, #tpu.memory_space<vmem>>, vector<16xi32>,
    %or3A_719 = arith.ori %or3A_714, %get3A_718 : vector<16xi32>
    %get3A_720 = arith.constant 15 : i64
    %get3A_721 = arith.index_cast %get3A_720 : i64 to index
    %get3A_722 = arith.constant 64 : index
    %get3A_723 = tpu.vector_load %arg4[%get3A_721, %get3A_722] {strides = array<i32>} : memref<32x128xi32, #tpu.memory_space<vmem>>, vector<16xi32>,
    %or3A_724 = arith.ori %or3A_719, %get3A_723 : vector<16xi32>
    %get3A_725 = arith.constant 16 : i64
    %get3A_726 = arith.index_cast %get3A_725 : i64 to index
    %get3A_727 = arith.constant 64 : index
    %get3A_728 = tpu.vector_load %arg4[%get3A_726, %get3A_727] {strides = array<i32>} : memref<32x128xi32, #tpu.memory_space<vmem>>, vector<16xi32>,
    %or3A_729 = arith.ori %or3A_724, %get3A_728 : vector<16xi32>
    %get3A_730 = arith.constant 17 : i64
    %get3A_731 = arith.index_cast %get3A_730 : i64 to index
    %get3A_732 = arith.constant 64 : index
    %get3A_733 = tpu.vector_load %arg4[%get3A_731, %get3A_732] {strides = array<i32>} : memref<32x128xi32, #tpu.memory_space<vmem>>, vector<16xi32>,
    %or3A_734 = arith.ori %or3A_729, %get3A_733 : vector<16xi32>
    %get3A_735 = arith.constant 18 : i64
    %get3A_736 = arith.index_cast %get3A_735 : i64 to index
    %get3A_737 = arith.constant 64 : index
    %get3A_738 = tpu.vector_load %arg4[%get3A_736, %get3A_737] {strides = array<i32>} : memref<32x128xi32, #tpu.memory_space<vmem>>, vector<16xi32>,
    %or3A_739 = arith.ori %or3A_734, %get3A_738 : vector<16xi32>
    %get3A_740 = arith.constant 19 : i64
    %get3A_741 = arith.index_cast %get3A_740 : i64 to index
    %get3A_742 = arith.constant 64 : index
    %get3A_743 = tpu.vector_load %arg4[%get3A_741, %get3A_742] {strides = array<i32>} : memref<32x128xi32, #tpu.memory_space<vmem>>, vector<16xi32>,
    %or3A_744 = arith.ori %or3A_739, %get3A_743 : vector<16xi32>
    %get3A_745 = arith.constant 20 : i64
    %get3A_746 = arith.index_cast %get3A_745 : i64 to index
    %get3A_747 = arith.constant 64 : index
    %get3A_748 = tpu.vector_load %arg4[%get3A_746, %get3A_747] {strides = array<i32>} : memref<32x128xi32, #tpu.memory_space<vmem>>, vector<16xi32>,
    %or3A_749 = arith.ori %or3A_744, %get3A_748 : vector<16xi32>
    %get3A_750 = arith.constant 21 : i64
    %get3A_751 = arith.index_cast %get3A_750 : i64 to index
    %get3A_752 = arith.constant 64 : index
    %get3A_753 = tpu.vector_load %arg4[%get3A_751, %get3A_752] {strides = array<i32>} : memref<32x128xi32, #tpu.memory_space<vmem>>, vector<16xi32>,
    %or3A_754 = arith.ori %or3A_749, %get3A_753 : vector<16xi32>
    %get3A_755 = arith.constant 22 : i64
    %get3A_756 = arith.index_cast %get3A_755 : i64 to index
    %get3A_757 = arith.constant 64 : index
    %get3A_758 = tpu.vector_load %arg4[%get3A_756, %get3A_757] {strides = array<i32>} : memref<32x128xi32, #tpu.memory_space<vmem>>, vector<16xi32>,
    %or3A_759 = arith.ori %or3A_754, %get3A_758 : vector<16xi32>
    %get3A_760 = arith.constant 23 : i64
    %get3A_761 = arith.index_cast %get3A_760 : i64 to index
    %get3A_762 = arith.constant 64 : index
    %get3A_763 = tpu.vector_load %arg4[%get3A_761, %get3A_762] {strides = array<i32>} : memref<32x128xi32, #tpu.memory_space<vmem>>, vector<16xi32>,
    %or3A_764 = arith.ori %or3A_759, %get3A_763 : vector<16xi32>
    %get3A_765 = arith.constant 24 : i64
    %get3A_766 = arith.index_cast %get3A_765 : i64 to index
    %get3A_767 = arith.constant 64 : index
    %get3A_768 = tpu.vector_load %arg4[%get3A_766, %get3A_767] {strides = array<i32>} : memref<32x128xi32, #tpu.memory_space<vmem>>, vector<16xi32>,
    %or3A_769 = arith.ori %or3A_764, %get3A_768 : vector<16xi32>
    %get3A_770 = arith.constant 25 : i64
    %get3A_771 = arith.index_cast %get3A_770 : i64 to index
    %get3A_772 = arith.constant 64 : index
    %get3A_773 = tpu.vector_load %arg4[%get3A_771, %get3A_772] {strides = array<i32>} : memref<32x128xi32, #tpu.memory_space<vmem>>, vector<16xi32>,
    %or3A_774 = arith.ori %or3A_769, %get3A_773 : vector<16xi32>
    %get3A_775 = arith.constant 26 : i64
    %get3A_776 = arith.index_cast %get3A_775 : i64 to index
    %get3A_777 = arith.constant 64 : index
    %get3A_778 = tpu.vector_load %arg4[%get3A_776, %get3A_777] {strides = array<i32>} : memref<32x128xi32, #tpu.memory_space<vmem>>, vector<16xi32>,
    %or3A_779 = arith.ori %or3A_774, %get3A_778 : vector<16xi32>
    %get3A_780 = arith.constant 27 : i64
    %get3A_781 = arith.index_cast %get3A_780 : i64 to index
    %get3A_782 = arith.constant 64 : index
    %get3A_783 = tpu.vector_load %arg4[%get3A_781, %get3A_782] {strides = array<i32>} : memref<32x128xi32, #tpu.memory_space<vmem>>, vector<16xi32>,
    %or3A_784 = arith.ori %or3A_779, %get3A_783 : vector<16xi32>
    %get3A_785 = arith.constant 28 : i64
    %get3A_786 = arith.index_cast %get3A_785 : i64 to index
    %get3A_787 = arith.constant 64 : index
    %get3A_788 = tpu.vector_load %arg4[%get3A_786, %get3A_787] {strides = array<i32>} : memref<32x128xi32, #tpu.memory_space<vmem>>, vector<16xi32>,
    %or3A_789 = arith.ori %or3A_784, %get3A_788 : vector<16xi32>
    %get3A_790 = arith.constant 29 : i64
    %get3A_791 = arith.index_cast %get3A_790 : i64 to index
    %get3A_792 = arith.constant 64 : index
    %get3A_793 = tpu.vector_load %arg4[%get3A_791, %get3A_792] {strides = array<i32>} : memref<32x128xi32, #tpu.memory_space<vmem>>, vector<16xi32>,
    %or3A_794 = arith.ori %or3A_789, %get3A_793 : vector<16xi32>
    %get3A_795 = arith.constant 30 : i64
    %get3A_796 = arith.index_cast %get3A_795 : i64 to index
    %get3A_797 = arith.constant 64 : index
    %get3A_798 = tpu.vector_load %arg4[%get3A_796, %get3A_797] {strides = array<i32>} : memref<32x128xi32, #tpu.memory_space<vmem>>, vector<16xi32>,
    %or3A_799 = arith.ori %or3A_794, %get3A_798 : vector<16xi32>
    %get3A_800 = arith.constant 31 : i64
    %get3A_801 = arith.index_cast %get3A_800 : i64 to index
    %get3A_802 = arith.constant 64 : index
    %get3A_803 = tpu.vector_load %arg4[%get3A_801, %get3A_802] {strides = array<i32>} : memref<32x128xi32, #tpu.memory_space<vmem>>, vector<16xi32>,
    %or3A_804 = arith.ori %or3A_799, %get3A_803 : vector<16xi32>
    %gt3A_805 = arith.constant 0 : i32
    %gt3A_806 = vector.broadcast %gt3A_805 : i32 to vector<16xi32>
    %gt3A_807 = arith.cmpi sgt, %or3A_804, %gt3A_806 : vector<16xi32>
    %get3A_808 = arith.constant 0 : i64
    %get3A_809 = arith.index_cast %get3A_808 : i64 to index
    %get3A_810 = arith.constant 80 : index
    %get3A_811 = tpu.vector_load %arg4[%get3A_809, %get3A_810] {strides = array<i32>} : memref<32x128xi32, #tpu.memory_space<vmem>>, vector<16xi32>,
    %get3A_812 = arith.constant 1 : i64
    %get3A_813 = arith.index_cast %get3A_812 : i64 to index
    %get3A_814 = arith.constant 80 : index
    %get3A_815 = tpu.vector_load %arg4[%get3A_813, %get3A_814] {strides = array<i32>} : memref<32x128xi32, #tpu.memory_space<vmem>>, vector<16xi32>,
    %or3A_816 = arith.ori %get3A_811, %get3A_815 : vector<16xi32>
    %get3A_817 = arith.constant 2 : i64
    %get3A_818 = arith.index_cast %get3A_817 : i64 to index
    %get3A_819 = arith.constant 80 : index
    %get3A_820 = tpu.vector_load %arg4[%get3A_818, %get3A_819] {strides = array<i32>} : memref<32x128xi32, #tpu.memory_space<vmem>>, vector<16xi32>,
    %or3A_821 = arith.ori %or3A_816, %get3A_820 : vector<16xi32>
    %get3A_822 = arith.constant 3 : i64
    %get3A_823 = arith.index_cast %get3A_822 : i64 to index
    %get3A_824 = arith.constant 80 : index
    %get3A_825 = tpu.vector_load %arg4[%get3A_823, %get3A_824] {strides = array<i32>} : memref<32x128xi32, #tpu.memory_space<vmem>>, vector<16xi32>,
    %or3A_826 = arith.ori %or3A_821, %get3A_825 : vector<16xi32>
    %get3A_827 = arith.constant 4 : i64
    %get3A_828 = arith.index_cast %get3A_827 : i64 to index
    %get3A_829 = arith.constant 80 : index
    %get3A_830 = tpu.vector_load %arg4[%get3A_828, %get3A_829] {strides = array<i32>} : memref<32x128xi32, #tpu.memory_space<vmem>>, vector<16xi32>,
    %or3A_831 = arith.ori %or3A_826, %get3A_830 : vector<16xi32>
    %get3A_832 = arith.constant 5 : i64
    %get3A_833 = arith.index_cast %get3A_832 : i64 to index
    %get3A_834 = arith.constant 80 : index
    %get3A_835 = tpu.vector_load %arg4[%get3A_833, %get3A_834] {strides = array<i32>} : memref<32x128xi32, #tpu.memory_space<vmem>>, vector<16xi32>,
    %or3A_836 = arith.ori %or3A_831, %get3A_835 : vector<16xi32>
    %get3A_837 = arith.constant 6 : i64
    %get3A_838 = arith.index_cast %get3A_837 : i64 to index
    %get3A_839 = arith.constant 80 : index
    %get3A_840 = tpu.vector_load %arg4[%get3A_838, %get3A_839] {strides = array<i32>} : memref<32x128xi32, #tpu.memory_space<vmem>>, vector<16xi32>,
    %or3A_841 = arith.ori %or3A_836, %get3A_840 : vector<16xi32>
    %get3A_842 = arith.constant 7 : i64
    %get3A_843 = arith.index_cast %get3A_842 : i64 to index
    %get3A_844 = arith.constant 80 : index
    %get3A_845 = tpu.vector_load %arg4[%get3A_843, %get3A_844] {strides = array<i32>} : memref<32x128xi32, #tpu.memory_space<vmem>>, vector<16xi32>,
    %or3A_846 = arith.ori %or3A_841, %get3A_845 : vector<16xi32>
    %get3A_847 = arith.constant 8 : i64
    %get3A_848 = arith.index_cast %get3A_847 : i64 to index
    %get3A_849 = arith.constant 80 : index
    %get3A_850 = tpu.vector_load %arg4[%get3A_848, %get3A_849] {strides = array<i32>} : memref<32x128xi32, #tpu.memory_space<vmem>>, vector<16xi32>,
    %or3A_851 = arith.ori %or3A_846, %get3A_850 : vector<16xi32>
    %get3A_852 = arith.constant 9 : i64
    %get3A_853 = arith.index_cast %get3A_852 : i64 to index
    %get3A_854 = arith.constant 80 : index
    %get3A_855 = tpu.vector_load %arg4[%get3A_853, %get3A_854] {strides = array<i32>} : memref<32x128xi32, #tpu.memory_space<vmem>>, vector<16xi32>,
    %or3A_856 = arith.ori %or3A_851, %get3A_855 : vector<16xi32>
    %get3A_857 = arith.constant 10 : i64
    %get3A_858 = arith.index_cast %get3A_857 : i64 to index
    %get3A_859 = arith.constant 80 : index
    %get3A_860 = tpu.vector_load %arg4[%get3A_858, %get3A_859] {strides = array<i32>} : memref<32x128xi32, #tpu.memory_space<vmem>>, vector<16xi32>,
    %or3A_861 = arith.ori %or3A_856, %get3A_860 : vector<16xi32>
    %get3A_862 = arith.constant 11 : i64
    %get3A_863 = arith.index_cast %get3A_862 : i64 to index
    %get3A_864 = arith.constant 80 : index
    %get3A_865 = tpu.vector_load %arg4[%get3A_863, %get3A_864] {strides = array<i32>} : memref<32x128xi32, #tpu.memory_space<vmem>>, vector<16xi32>,
    %or3A_866 = arith.ori %or3A_861, %get3A_865 : vector<16xi32>
    %get3A_867 = arith.constant 12 : i64
    %get3A_868 = arith.index_cast %get3A_867 : i64 to index
    %get3A_869 = arith.constant 80 : index
    %get3A_870 = tpu.vector_load %arg4[%get3A_868, %get3A_869] {strides = array<i32>} : memref<32x128xi32, #tpu.memory_space<vmem>>, vector<16xi32>,
    %or3A_871 = arith.ori %or3A_866, %get3A_870 : vector<16xi32>
    %get3A_872 = arith.constant 13 : i64
    %get3A_873 = arith.index_cast %get3A_872 : i64 to index
    %get3A_874 = arith.constant 80 : index
    %get3A_875 = tpu.vector_load %arg4[%get3A_873, %get3A_874] {strides = array<i32>} : memref<32x128xi32, #tpu.memory_space<vmem>>, vector<16xi32>,
    %or3A_876 = arith.ori %or3A_871, %get3A_875 : vector<16xi32>
    %get3A_877 = arith.constant 14 : i64
    %get3A_878 = arith.index_cast %get3A_877 : i64 to index
    %get3A_879 = arith.constant 80 : index
    %get3A_880 = tpu.vector_load %arg4[%get3A_878, %get3A_879] {strides = array<i32>} : memref<32x128xi32, #tpu.memory_space<vmem>>, vector<16xi32>,
    %or3A_881 = arith.ori %or3A_876, %get3A_880 : vector<16xi32>
    %get3A_882 = arith.constant 15 : i64
    %get3A_883 = arith.index_cast %get3A_882 : i64 to index
    %get3A_884 = arith.constant 80 : index
    %get3A_885 = tpu.vector_load %arg4[%get3A_883, %get3A_884] {strides = array<i32>} : memref<32x128xi32, #tpu.memory_space<vmem>>, vector<16xi32>,
    %or3A_886 = arith.ori %or3A_881, %get3A_885 : vector<16xi32>
    %get3A_887 = arith.constant 16 : i64
    %get3A_888 = arith.index_cast %get3A_887 : i64 to index
    %get3A_889 = arith.constant 80 : index
    %get3A_890 = tpu.vector_load %arg4[%get3A_888, %get3A_889] {strides = array<i32>} : memref<32x128xi32, #tpu.memory_space<vmem>>, vector<16xi32>,
    %or3A_891 = arith.ori %or3A_886, %get3A_890 : vector<16xi32>
    %get3A_892 = arith.constant 17 : i64
    %get3A_893 = arith.index_cast %get3A_892 : i64 to index
    %get3A_894 = arith.constant 80 : index
    %get3A_895 = tpu.vector_load %arg4[%get3A_893, %get3A_894] {strides = array<i32>} : memref<32x128xi32, #tpu.memory_space<vmem>>, vector<16xi32>,
    %or3A_896 = arith.ori %or3A_891, %get3A_895 : vector<16xi32>
    %get3A_897 = arith.constant 18 : i64
    %get3A_898 = arith.index_cast %get3A_897 : i64 to index
    %get3A_899 = arith.constant 80 : index
    %get3A_900 = tpu.vector_load %arg4[%get3A_898, %get3A_899] {strides = array<i32>} : memref<32x128xi32, #tpu.memory_space<vmem>>, vector<16xi32>,
    %or3A_901 = arith.ori %or3A_896, %get3A_900 : vector<16xi32>
    %get3A_902 = arith.constant 19 : i64
    %get3A_903 = arith.index_cast %get3A_902 : i64 to index
    %get3A_904 = arith.constant 80 : index
    %get3A_905 = tpu.vector_load %arg4[%get3A_903, %get3A_904] {strides = array<i32>} : memref<32x128xi32, #tpu.memory_space<vmem>>, vector<16xi32>,
    %or3A_906 = arith.ori %or3A_901, %get3A_905 : vector<16xi32>
    %get3A_907 = arith.constant 20 : i64
    %get3A_908 = arith.index_cast %get3A_907 : i64 to index
    %get3A_909 = arith.constant 80 : index
    %get3A_910 = tpu.vector_load %arg4[%get3A_908, %get3A_909] {strides = array<i32>} : memref<32x128xi32, #tpu.memory_space<vmem>>, vector<16xi32>,
    %or3A_911 = arith.ori %or3A_906, %get3A_910 : vector<16xi32>
    %get3A_912 = arith.constant 21 : i64
    %get3A_913 = arith.index_cast %get3A_912 : i64 to index
    %get3A_914 = arith.constant 80 : index
    %get3A_915 = tpu.vector_load %arg4[%get3A_913, %get3A_914] {strides = array<i32>} : memref<32x128xi32, #tpu.memory_space<vmem>>, vector<16xi32>,
    %or3A_916 = arith.ori %or3A_911, %get3A_915 : vector<16xi32>
    %get3A_917 = arith.constant 22 : i64
    %get3A_918 = arith.index_cast %get3A_917 : i64 to index
    %get3A_919 = arith.constant 80 : index
    %get3A_920 = tpu.vector_load %arg4[%get3A_918, %get3A_919] {strides = array<i32>} : memref<32x128xi32, #tpu.memory_space<vmem>>, vector<16xi32>,
    %or3A_921 = arith.ori %or3A_916, %get3A_920 : vector<16xi32>
    %get3A_922 = arith.constant 23 : i64
    %get3A_923 = arith.index_cast %get3A_922 : i64 to index
    %get3A_924 = arith.constant 80 : index
    %get3A_925 = tpu.vector_load %arg4[%get3A_923, %get3A_924] {strides = array<i32>} : memref<32x128xi32, #tpu.memory_space<vmem>>, vector<16xi32>,
    %or3A_926 = arith.ori %or3A_921, %get3A_925 : vector<16xi32>
    %get3A_927 = arith.constant 24 : i64
    %get3A_928 = arith.index_cast %get3A_927 : i64 to index
    %get3A_929 = arith.constant 80 : index
    %get3A_930 = tpu.vector_load %arg4[%get3A_928, %get3A_929] {strides = array<i32>} : memref<32x128xi32, #tpu.memory_space<vmem>>, vector<16xi32>,
    %or3A_931 = arith.ori %or3A_926, %get3A_930 : vector<16xi32>
    %get3A_932 = arith.constant 25 : i64
    %get3A_933 = arith.index_cast %get3A_932 : i64 to index
    %get3A_934 = arith.constant 80 : index
    %get3A_935 = tpu.vector_load %arg4[%get3A_933, %get3A_934] {strides = array<i32>} : memref<32x128xi32, #tpu.memory_space<vmem>>, vector<16xi32>,
    %or3A_936 = arith.ori %or3A_931, %get3A_935 : vector<16xi32>
    %get3A_937 = arith.constant 26 : i64
    %get3A_938 = arith.index_cast %get3A_937 : i64 to index
    %get3A_939 = arith.constant 80 : index
    %get3A_940 = tpu.vector_load %arg4[%get3A_938, %get3A_939] {strides = array<i32>} : memref<32x128xi32, #tpu.memory_space<vmem>>, vector<16xi32>,
    %or3A_941 = arith.ori %or3A_936, %get3A_940 : vector<16xi32>
    %get3A_942 = arith.constant 27 : i64
    %get3A_943 = arith.index_cast %get3A_942 : i64 to index
    %get3A_944 = arith.constant 80 : index
    %get3A_945 = tpu.vector_load %arg4[%get3A_943, %get3A_944] {strides = array<i32>} : memref<32x128xi32, #tpu.memory_space<vmem>>, vector<16xi32>,
    %or3A_946 = arith.ori %or3A_941, %get3A_945 : vector<16xi32>
    %get3A_947 = arith.constant 28 : i64
    %get3A_948 = arith.index_cast %get3A_947 : i64 to index
    %get3A_949 = arith.constant 80 : index
    %get3A_950 = tpu.vector_load %arg4[%get3A_948, %get3A_949] {strides = array<i32>} : memref<32x128xi32, #tpu.memory_space<vmem>>, vector<16xi32>,
    %or3A_951 = arith.ori %or3A_946, %get3A_950 : vector<16xi32>
    %get3A_952 = arith.constant 29 : i64
    %get3A_953 = arith.index_cast %get3A_952 : i64 to index
    %get3A_954 = arith.constant 80 : index
    %get3A_955 = tpu.vector_load %arg4[%get3A_953, %get3A_954] {strides = array<i32>} : memref<32x128xi32, #tpu.memory_space<vmem>>, vector<16xi32>,
    %or3A_956 = arith.ori %or3A_951, %get3A_955 : vector<16xi32>
    %get3A_957 = arith.constant 30 : i64
    %get3A_958 = arith.index_cast %get3A_957 : i64 to index
    %get3A_959 = arith.constant 80 : index
    %get3A_960 = tpu.vector_load %arg4[%get3A_958, %get3A_959] {strides = array<i32>} : memref<32x128xi32, #tpu.memory_space<vmem>>, vector<16xi32>,
    %or3A_961 = arith.ori %or3A_956, %get3A_960 : vector<16xi32>
    %get3A_962 = arith.constant 31 : i64
    %get3A_963 = arith.index_cast %get3A_962 : i64 to index
    %get3A_964 = arith.constant 80 : index
    %get3A_965 = tpu.vector_load %arg4[%get3A_963, %get3A_964] {strides = array<i32>} : memref<32x128xi32, #tpu.memory_space<vmem>>, vector<16xi32>,
    %or3A_966 = arith.ori %or3A_961, %get3A_965 : vector<16xi32>
    %gt3A_967 = arith.constant 0 : i32
    %gt3A_968 = vector.broadcast %gt3A_967 : i32 to vector<16xi32>
    %gt3A_969 = arith.cmpi sgt, %or3A_966, %gt3A_968 : vector<16xi32>
    %get3A_970 = arith.constant 0 : i64
    %get3A_971 = arith.index_cast %get3A_970 : i64 to index
    %get3A_972 = arith.constant 96 : index
    %get3A_973 = tpu.vector_load %arg4[%get3A_971, %get3A_972] {strides = array<i32>} : memref<32x128xi32, #tpu.memory_space<vmem>>, vector<16xi32>,
    %get3A_974 = arith.constant 1 : i64
    %get3A_975 = arith.index_cast %get3A_974 : i64 to index
    %get3A_976 = arith.constant 96 : index
    %get3A_977 = tpu.vector_load %arg4[%get3A_975, %get3A_976] {strides = array<i32>} : memref<32x128xi32, #tpu.memory_space<vmem>>, vector<16xi32>,
    %or3A_978 = arith.ori %get3A_973, %get3A_977 : vector<16xi32>
    %get3A_979 = arith.constant 2 : i64
    %get3A_980 = arith.index_cast %get3A_979 : i64 to index
    %get3A_981 = arith.constant 96 : index
    %get3A_982 = tpu.vector_load %arg4[%get3A_980, %get3A_981] {strides = array<i32>} : memref<32x128xi32, #tpu.memory_space<vmem>>, vector<16xi32>,
    %or3A_983 = arith.ori %or3A_978, %get3A_982 : vector<16xi32>
    %get3A_984 = arith.constant 3 : i64
    %get3A_985 = arith.index_cast %get3A_984 : i64 to index
    %get3A_986 = arith.constant 96 : index
    %get3A_987 = tpu.vector_load %arg4[%get3A_985, %get3A_986] {strides = array<i32>} : memref<32x128xi32, #tpu.memory_space<vmem>>, vector<16xi32>,
    %or3A_988 = arith.ori %or3A_983, %get3A_987 : vector<16xi32>
    %get3A_989 = arith.constant 4 : i64
    %get3A_990 = arith.index_cast %get3A_989 : i64 to index
    %get3A_991 = arith.constant 96 : index
    %get3A_992 = tpu.vector_load %arg4[%get3A_990, %get3A_991] {strides = array<i32>} : memref<32x128xi32, #tpu.memory_space<vmem>>, vector<16xi32>,
    %or3A_993 = arith.ori %or3A_988, %get3A_992 : vector<16xi32>
    %get3A_994 = arith.constant 5 : i64
    %get3A_995 = arith.index_cast %get3A_994 : i64 to index
    %get3A_996 = arith.constant 96 : index
    %get3A_997 = tpu.vector_load %arg4[%get3A_995, %get3A_996] {strides = array<i32>} : memref<32x128xi32, #tpu.memory_space<vmem>>, vector<16xi32>,
    %or3A_998 = arith.ori %or3A_993, %get3A_997 : vector<16xi32>
    %get3A_999 = arith.constant 6 : i64
    %get3A_1000 = arith.index_cast %get3A_999 : i64 to index
    %get3A_1001 = arith.constant 96 : index
    %get3A_1002 = tpu.vector_load %arg4[%get3A_1000, %get3A_1001] {strides = array<i32>} : memref<32x128xi32, #tpu.memory_space<vmem>>, vector<16xi32>,
    %or3A_1003 = arith.ori %or3A_998, %get3A_1002 : vector<16xi32>
    %get3A_1004 = arith.constant 7 : i64
    %get3A_1005 = arith.index_cast %get3A_1004 : i64 to index
    %get3A_1006 = arith.constant 96 : index
    %get3A_1007 = tpu.vector_load %arg4[%get3A_1005, %get3A_1006] {strides = array<i32>} : memref<32x128xi32, #tpu.memory_space<vmem>>, vector<16xi32>,
    %or3A_1008 = arith.ori %or3A_1003, %get3A_1007 : vector<16xi32>
    %get3A_1009 = arith.constant 8 : i64
    %get3A_1010 = arith.index_cast %get3A_1009 : i64 to index
    %get3A_1011 = arith.constant 96 : index
    %get3A_1012 = tpu.vector_load %arg4[%get3A_1010, %get3A_1011] {strides = array<i32>} : memref<32x128xi32, #tpu.memory_space<vmem>>, vector<16xi32>,
    %or3A_1013 = arith.ori %or3A_1008, %get3A_1012 : vector<16xi32>
    %get3A_1014 = arith.constant 9 : i64
    %get3A_1015 = arith.index_cast %get3A_1014 : i64 to index
    %get3A_1016 = arith.constant 96 : index
    %get3A_1017 = tpu.vector_load %arg4[%get3A_1015, %get3A_1016] {strides = array<i32>} : memref<32x128xi32, #tpu.memory_space<vmem>>, vector<16xi32>,
    %or3A_1018 = arith.ori %or3A_1013, %get3A_1017 : vector<16xi32>
    %get3A_1019 = arith.constant 10 : i64
    %get3A_1020 = arith.index_cast %get3A_1019 : i64 to index
    %get3A_1021 = arith.constant 96 : index
    %get3A_1022 = tpu.vector_load %arg4[%get3A_1020, %get3A_1021] {strides = array<i32>} : memref<32x128xi32, #tpu.memory_space<vmem>>, vector<16xi32>,
    %or3A_1023 = arith.ori %or3A_1018, %get3A_1022 : vector<16xi32>
    %get3A_1024 = arith.constant 11 : i64
    %get3A_1025 = arith.index_cast %get3A_1024 : i64 to index
    %get3A_1026 = arith.constant 96 : index
    %get3A_1027 = tpu.vector_load %arg4[%get3A_1025, %get3A_1026] {strides = array<i32>} : memref<32x128xi32, #tpu.memory_space<vmem>>, vector<16xi32>,
    %or3A_1028 = arith.ori %or3A_1023, %get3A_1027 : vector<16xi32>
    %get3A_1029 = arith.constant 12 : i64
    %get3A_1030 = arith.index_cast %get3A_1029 : i64 to index
    %get3A_1031 = arith.constant 96 : index
    %get3A_1032 = tpu.vector_load %arg4[%get3A_1030, %get3A_1031] {strides = array<i32>} : memref<32x128xi32, #tpu.memory_space<vmem>>, vector<16xi32>,
    %or3A_1033 = arith.ori %or3A_1028, %get3A_1032 : vector<16xi32>
    %get3A_1034 = arith.constant 13 : i64
    %get3A_1035 = arith.index_cast %get3A_1034 : i64 to index
    %get3A_1036 = arith.constant 96 : index
    %get3A_1037 = tpu.vector_load %arg4[%get3A_1035, %get3A_1036] {strides = array<i32>} : memref<32x128xi32, #tpu.memory_space<vmem>>, vector<16xi32>,
    %or3A_1038 = arith.ori %or3A_1033, %get3A_1037 : vector<16xi32>
    %get3A_1039 = arith.constant 14 : i64
    %get3A_1040 = arith.index_cast %get3A_1039 : i64 to index
    %get3A_1041 = arith.constant 96 : index
    %get3A_1042 = tpu.vector_load %arg4[%get3A_1040, %get3A_1041] {strides = array<i32>} : memref<32x128xi32, #tpu.memory_space<vmem>>, vector<16xi32>,
    %or3A_1043 = arith.ori %or3A_1038, %get3A_1042 : vector<16xi32>
    %get3A_1044 = arith.constant 15 : i64
    %get3A_1045 = arith.index_cast %get3A_1044 : i64 to index
    %get3A_1046 = arith.constant 96 : index
    %get3A_1047 = tpu.vector_load %arg4[%get3A_1045, %get3A_1046] {strides = array<i32>} : memref<32x128xi32, #tpu.memory_space<vmem>>, vector<16xi32>,
    %or3A_1048 = arith.ori %or3A_1043, %get3A_1047 : vector<16xi32>
    %get3A_1049 = arith.constant 16 : i64
    %get3A_1050 = arith.index_cast %get3A_1049 : i64 to index
    %get3A_1051 = arith.constant 96 : index
    %get3A_1052 = tpu.vector_load %arg4[%get3A_1050, %get3A_1051] {strides = array<i32>} : memref<32x128xi32, #tpu.memory_space<vmem>>, vector<16xi32>,
    %or3A_1053 = arith.ori %or3A_1048, %get3A_1052 : vector<16xi32>
    %get3A_1054 = arith.constant 17 : i64
    %get3A_1055 = arith.index_cast %get3A_1054 : i64 to index
    %get3A_1056 = arith.constant 96 : index
    %get3A_1057 = tpu.vector_load %arg4[%get3A_1055, %get3A_1056] {strides = array<i32>} : memref<32x128xi32, #tpu.memory_space<vmem>>, vector<16xi32>,
    %or3A_1058 = arith.ori %or3A_1053, %get3A_1057 : vector<16xi32>
    %get3A_1059 = arith.constant 18 : i64
    %get3A_1060 = arith.index_cast %get3A_1059 : i64 to index
    %get3A_1061 = arith.constant 96 : index
    %get3A_1062 = tpu.vector_load %arg4[%get3A_1060, %get3A_1061] {strides = array<i32>} : memref<32x128xi32, #tpu.memory_space<vmem>>, vector<16xi32>,
    %or3A_1063 = arith.ori %or3A_1058, %get3A_1062 : vector<16xi32>
    %get3A_1064 = arith.constant 19 : i64
    %get3A_1065 = arith.index_cast %get3A_1064 : i64 to index
    %get3A_1066 = arith.constant 96 : index
    %get3A_1067 = tpu.vector_load %arg4[%get3A_1065, %get3A_1066] {strides = array<i32>} : memref<32x128xi32, #tpu.memory_space<vmem>>, vector<16xi32>,
    %or3A_1068 = arith.ori %or3A_1063, %get3A_1067 : vector<16xi32>
    %get3A_1069 = arith.constant 20 : i64
    %get3A_1070 = arith.index_cast %get3A_1069 : i64 to index
    %get3A_1071 = arith.constant 96 : index
    %get3A_1072 = tpu.vector_load %arg4[%get3A_1070, %get3A_1071] {strides = array<i32>} : memref<32x128xi32, #tpu.memory_space<vmem>>, vector<16xi32>,
    %or3A_1073 = arith.ori %or3A_1068, %get3A_1072 : vector<16xi32>
    %get3A_1074 = arith.constant 21 : i64
    %get3A_1075 = arith.index_cast %get3A_1074 : i64 to index
    %get3A_1076 = arith.constant 96 : index
    %get3A_1077 = tpu.vector_load %arg4[%get3A_1075, %get3A_1076] {strides = array<i32>} : memref<32x128xi32, #tpu.memory_space<vmem>>, vector<16xi32>,
    %or3A_1078 = arith.ori %or3A_1073, %get3A_1077 : vector<16xi32>
    %get3A_1079 = arith.constant 22 : i64
    %get3A_1080 = arith.index_cast %get3A_1079 : i64 to index
    %get3A_1081 = arith.constant 96 : index
    %get3A_1082 = tpu.vector_load %arg4[%get3A_1080, %get3A_1081] {strides = array<i32>} : memref<32x128xi32, #tpu.memory_space<vmem>>, vector<16xi32>,
    %or3A_1083 = arith.ori %or3A_1078, %get3A_1082 : vector<16xi32>
    %get3A_1084 = arith.constant 23 : i64
    %get3A_1085 = arith.index_cast %get3A_1084 : i64 to index
    %get3A_1086 = arith.constant 96 : index
    %get3A_1087 = tpu.vector_load %arg4[%get3A_1085, %get3A_1086] {strides = array<i32>} : memref<32x128xi32, #tpu.memory_space<vmem>>, vector<16xi32>,
    %or3A_1088 = arith.ori %or3A_1083, %get3A_1087 : vector<16xi32>
    %get3A_1089 = arith.constant 24 : i64
    %get3A_1090 = arith.index_cast %get3A_1089 : i64 to index
    %get3A_1091 = arith.constant 96 : index
    %get3A_1092 = tpu.vector_load %arg4[%get3A_1090, %get3A_1091] {strides = array<i32>} : memref<32x128xi32, #tpu.memory_space<vmem>>, vector<16xi32>,
    %or3A_1093 = arith.ori %or3A_1088, %get3A_1092 : vector<16xi32>
    %get3A_1094 = arith.constant 25 : i64
    %get3A_1095 = arith.index_cast %get3A_1094 : i64 to index
    %get3A_1096 = arith.constant 96 : index
    %get3A_1097 = tpu.vector_load %arg4[%get3A_1095, %get3A_1096] {strides = array<i32>} : memref<32x128xi32, #tpu.memory_space<vmem>>, vector<16xi32>,
    %or3A_1098 = arith.ori %or3A_1093, %get3A_1097 : vector<16xi32>
    %get3A_1099 = arith.constant 26 : i64
    %get3A_1100 = arith.index_cast %get3A_1099 : i64 to index
    %get3A_1101 = arith.constant 96 : index
    %get3A_1102 = tpu.vector_load %arg4[%get3A_1100, %get3A_1101] {strides = array<i32>} : memref<32x128xi32, #tpu.memory_space<vmem>>, vector<16xi32>,
    %or3A_1103 = arith.ori %or3A_1098, %get3A_1102 : vector<16xi32>
    %get3A_1104 = arith.constant 27 : i64
    %get3A_1105 = arith.index_cast %get3A_1104 : i64 to index
    %get3A_1106 = arith.constant 96 : index
    %get3A_1107 = tpu.vector_load %arg4[%get3A_1105, %get3A_1106] {strides = array<i32>} : memref<32x128xi32, #tpu.memory_space<vmem>>, vector<16xi32>,
    %or3A_1108 = arith.ori %or3A_1103, %get3A_1107 : vector<16xi32>
    %get3A_1109 = arith.constant 28 : i64
    %get3A_1110 = arith.index_cast %get3A_1109 : i64 to index
    %get3A_1111 = arith.constant 96 : index
    %get3A_1112 = tpu.vector_load %arg4[%get3A_1110, %get3A_1111] {strides = array<i32>} : memref<32x128xi32, #tpu.memory_space<vmem>>, vector<16xi32>,
    %or3A_1113 = arith.ori %or3A_1108, %get3A_1112 : vector<16xi32>
    %get3A_1114 = arith.constant 29 : i64
    %get3A_1115 = arith.index_cast %get3A_1114 : i64 to index
    %get3A_1116 = arith.constant 96 : index
    %get3A_1117 = tpu.vector_load %arg4[%get3A_1115, %get3A_1116] {strides = array<i32>} : memref<32x128xi32, #tpu.memory_space<vmem>>, vector<16xi32>,
    %or3A_1118 = arith.ori %or3A_1113, %get3A_1117 : vector<16xi32>
    %get3A_1119 = arith.constant 30 : i64
    %get3A_1120 = arith.index_cast %get3A_1119 : i64 to index
    %get3A_1121 = arith.constant 96 : index
    %get3A_1122 = tpu.vector_load %arg4[%get3A_1120, %get3A_1121] {strides = array<i32>} : memref<32x128xi32, #tpu.memory_space<vmem>>, vector<16xi32>,
    %or3A_1123 = arith.ori %or3A_1118, %get3A_1122 : vector<16xi32>
    %get3A_1124 = arith.constant 31 : i64
    %get3A_1125 = arith.index_cast %get3A_1124 : i64 to index
    %get3A_1126 = arith.constant 96 : index
    %get3A_1127 = tpu.vector_load %arg4[%get3A_1125, %get3A_1126] {strides = array<i32>} : memref<32x128xi32, #tpu.memory_space<vmem>>, vector<16xi32>,
    %or3A_1128 = arith.ori %or3A_1123, %get3A_1127 : vector<16xi32>
    %gt3A_1129 = arith.constant 0 : i32
    %gt3A_1130 = vector.broadcast %gt3A_1129 : i32 to vector<16xi32>
    %gt3A_1131 = arith.cmpi sgt, %or3A_1128, %gt3A_1130 : vector<16xi32>
    %get3A_1132 = arith.constant 0 : i64
    %get3A_1133 = arith.index_cast %get3A_1132 : i64 to index
    %get3A_1134 = arith.constant 112 : index
    %get3A_1135 = tpu.vector_load %arg4[%get3A_1133, %get3A_1134] {strides = array<i32>} : memref<32x128xi32, #tpu.memory_space<vmem>>, vector<16xi32>,
    %get3A_1136 = arith.constant 1 : i64
    %get3A_1137 = arith.index_cast %get3A_1136 : i64 to index
    %get3A_1138 = arith.constant 112 : index
    %get3A_1139 = tpu.vector_load %arg4[%get3A_1137, %get3A_1138] {strides = array<i32>} : memref<32x128xi32, #tpu.memory_space<vmem>>, vector<16xi32>,
    %or3A_1140 = arith.ori %get3A_1135, %get3A_1139 : vector<16xi32>
    %get3A_1141 = arith.constant 2 : i64
    %get3A_1142 = arith.index_cast %get3A_1141 : i64 to index
    %get3A_1143 = arith.constant 112 : index
    %get3A_1144 = tpu.vector_load %arg4[%get3A_1142, %get3A_1143] {strides = array<i32>} : memref<32x128xi32, #tpu.memory_space<vmem>>, vector<16xi32>,
    %or3A_1145 = arith.ori %or3A_1140, %get3A_1144 : vector<16xi32>
    %get3A_1146 = arith.constant 3 : i64
    %get3A_1147 = arith.index_cast %get3A_1146 : i64 to index
    %get3A_1148 = arith.constant 112 : index
    %get3A_1149 = tpu.vector_load %arg4[%get3A_1147, %get3A_1148] {strides = array<i32>} : memref<32x128xi32, #tpu.memory_space<vmem>>, vector<16xi32>,
    %or3A_1150 = arith.ori %or3A_1145, %get3A_1149 : vector<16xi32>
    %get3A_1151 = arith.constant 4 : i64
    %get3A_1152 = arith.index_cast %get3A_1151 : i64 to index
    %get3A_1153 = arith.constant 112 : index
    %get3A_1154 = tpu.vector_load %arg4[%get3A_1152, %get3A_1153] {strides = array<i32>} : memref<32x128xi32, #tpu.memory_space<vmem>>, vector<16xi32>,
    %or3A_1155 = arith.ori %or3A_1150, %get3A_1154 : vector<16xi32>
    %get3A_1156 = arith.constant 5 : i64
    %get3A_1157 = arith.index_cast %get3A_1156 : i64 to index
    %get3A_1158 = arith.constant 112 : index
    %get3A_1159 = tpu.vector_load %arg4[%get3A_1157, %get3A_1158] {strides = array<i32>} : memref<32x128xi32, #tpu.memory_space<vmem>>, vector<16xi32>,
    %or3A_1160 = arith.ori %or3A_1155, %get3A_1159 : vector<16xi32>
    %get3A_1161 = arith.constant 6 : i64
    %get3A_1162 = arith.index_cast %get3A_1161 : i64 to index
    %get3A_1163 = arith.constant 112 : index
    %get3A_1164 = tpu.vector_load %arg4[%get3A_1162, %get3A_1163] {strides = array<i32>} : memref<32x128xi32, #tpu.memory_space<vmem>>, vector<16xi32>,
    %or3A_1165 = arith.ori %or3A_1160, %get3A_1164 : vector<16xi32>
    %get3A_1166 = arith.constant 7 : i64
    %get3A_1167 = arith.index_cast %get3A_1166 : i64 to index
    %get3A_1168 = arith.constant 112 : index
    %get3A_1169 = tpu.vector_load %arg4[%get3A_1167, %get3A_1168] {strides = array<i32>} : memref<32x128xi32, #tpu.memory_space<vmem>>, vector<16xi32>,
    %or3A_1170 = arith.ori %or3A_1165, %get3A_1169 : vector<16xi32>
    %get3A_1171 = arith.constant 8 : i64
    %get3A_1172 = arith.index_cast %get3A_1171 : i64 to index
    %get3A_1173 = arith.constant 112 : index
    %get3A_1174 = tpu.vector_load %arg4[%get3A_1172, %get3A_1173] {strides = array<i32>} : memref<32x128xi32, #tpu.memory_space<vmem>>, vector<16xi32>,
    %or3A_1175 = arith.ori %or3A_1170, %get3A_1174 : vector<16xi32>
    %get3A_1176 = arith.constant 9 : i64
    %get3A_1177 = arith.index_cast %get3A_1176 : i64 to index
    %get3A_1178 = arith.constant 112 : index
    %get3A_1179 = tpu.vector_load %arg4[%get3A_1177, %get3A_1178] {strides = array<i32>} : memref<32x128xi32, #tpu.memory_space<vmem>>, vector<16xi32>,
    %or3A_1180 = arith.ori %or3A_1175, %get3A_1179 : vector<16xi32>
    %get3A_1181 = arith.constant 10 : i64
    %get3A_1182 = arith.index_cast %get3A_1181 : i64 to index
    %get3A_1183 = arith.constant 112 : index
    %get3A_1184 = tpu.vector_load %arg4[%get3A_1182, %get3A_1183] {strides = array<i32>} : memref<32x128xi32, #tpu.memory_space<vmem>>, vector<16xi32>,
    %or3A_1185 = arith.ori %or3A_1180, %get3A_1184 : vector<16xi32>
    %get3A_1186 = arith.constant 11 : i64
    %get3A_1187 = arith.index_cast %get3A_1186 : i64 to index
    %get3A_1188 = arith.constant 112 : index
    %get3A_1189 = tpu.vector_load %arg4[%get3A_1187, %get3A_1188] {strides = array<i32>} : memref<32x128xi32, #tpu.memory_space<vmem>>, vector<16xi32>,
    %or3A_1190 = arith.ori %or3A_1185, %get3A_1189 : vector<16xi32>
    %get3A_1191 = arith.constant 12 : i64
    %get3A_1192 = arith.index_cast %get3A_1191 : i64 to index
    %get3A_1193 = arith.constant 112 : index
    %get3A_1194 = tpu.vector_load %arg4[%get3A_1192, %get3A_1193] {strides = array<i32>} : memref<32x128xi32, #tpu.memory_space<vmem>>, vector<16xi32>,
    %or3A_1195 = arith.ori %or3A_1190, %get3A_1194 : vector<16xi32>
    %get3A_1196 = arith.constant 13 : i64
    %get3A_1197 = arith.index_cast %get3A_1196 : i64 to index
    %get3A_1198 = arith.constant 112 : index
    %get3A_1199 = tpu.vector_load %arg4[%get3A_1197, %get3A_1198] {strides = array<i32>} : memref<32x128xi32, #tpu.memory_space<vmem>>, vector<16xi32>,
    %or3A_1200 = arith.ori %or3A_1195, %get3A_1199 : vector<16xi32>
    %get3A_1201 = arith.constant 14 : i64
    %get3A_1202 = arith.index_cast %get3A_1201 : i64 to index
    %get3A_1203 = arith.constant 112 : index
    %get3A_1204 = tpu.vector_load %arg4[%get3A_1202, %get3A_1203] {strides = array<i32>} : memref<32x128xi32, #tpu.memory_space<vmem>>, vector<16xi32>,
    %or3A_1205 = arith.ori %or3A_1200, %get3A_1204 : vector<16xi32>
    %get3A_1206 = arith.constant 15 : i64
    %get3A_1207 = arith.index_cast %get3A_1206 : i64 to index
    %get3A_1208 = arith.constant 112 : index
    %get3A_1209 = tpu.vector_load %arg4[%get3A_1207, %get3A_1208] {strides = array<i32>} : memref<32x128xi32, #tpu.memory_space<vmem>>, vector<16xi32>,
    %or3A_1210 = arith.ori %or3A_1205, %get3A_1209 : vector<16xi32>
    %get3A_1211 = arith.constant 16 : i64
    %get3A_1212 = arith.index_cast %get3A_1211 : i64 to index
    %get3A_1213 = arith.constant 112 : index
    %get3A_1214 = tpu.vector_load %arg4[%get3A_1212, %get3A_1213] {strides = array<i32>} : memref<32x128xi32, #tpu.memory_space<vmem>>, vector<16xi32>,
    %or3A_1215 = arith.ori %or3A_1210, %get3A_1214 : vector<16xi32>
    %get3A_1216 = arith.constant 17 : i64
    %get3A_1217 = arith.index_cast %get3A_1216 : i64 to index
    %get3A_1218 = arith.constant 112 : index
    %get3A_1219 = tpu.vector_load %arg4[%get3A_1217, %get3A_1218] {strides = array<i32>} : memref<32x128xi32, #tpu.memory_space<vmem>>, vector<16xi32>,
    %or3A_1220 = arith.ori %or3A_1215, %get3A_1219 : vector<16xi32>
    %get3A_1221 = arith.constant 18 : i64
    %get3A_1222 = arith.index_cast %get3A_1221 : i64 to index
    %get3A_1223 = arith.constant 112 : index
    %get3A_1224 = tpu.vector_load %arg4[%get3A_1222, %get3A_1223] {strides = array<i32>} : memref<32x128xi32, #tpu.memory_space<vmem>>, vector<16xi32>,
    %or3A_1225 = arith.ori %or3A_1220, %get3A_1224 : vector<16xi32>
    %get3A_1226 = arith.constant 19 : i64
    %get3A_1227 = arith.index_cast %get3A_1226 : i64 to index
    %get3A_1228 = arith.constant 112 : index
    %get3A_1229 = tpu.vector_load %arg4[%get3A_1227, %get3A_1228] {strides = array<i32>} : memref<32x128xi32, #tpu.memory_space<vmem>>, vector<16xi32>,
    %or3A_1230 = arith.ori %or3A_1225, %get3A_1229 : vector<16xi32>
    %get3A_1231 = arith.constant 20 : i64
    %get3A_1232 = arith.index_cast %get3A_1231 : i64 to index
    %get3A_1233 = arith.constant 112 : index
    %get3A_1234 = tpu.vector_load %arg4[%get3A_1232, %get3A_1233] {strides = array<i32>} : memref<32x128xi32, #tpu.memory_space<vmem>>, vector<16xi32>,
    %or3A_1235 = arith.ori %or3A_1230, %get3A_1234 : vector<16xi32>
    %get3A_1236 = arith.constant 21 : i64
    %get3A_1237 = arith.index_cast %get3A_1236 : i64 to index
    %get3A_1238 = arith.constant 112 : index
    %get3A_1239 = tpu.vector_load %arg4[%get3A_1237, %get3A_1238] {strides = array<i32>} : memref<32x128xi32, #tpu.memory_space<vmem>>, vector<16xi32>,
    %or3A_1240 = arith.ori %or3A_1235, %get3A_1239 : vector<16xi32>
    %get3A_1241 = arith.constant 22 : i64
    %get3A_1242 = arith.index_cast %get3A_1241 : i64 to index
    %get3A_1243 = arith.constant 112 : index
    %get3A_1244 = tpu.vector_load %arg4[%get3A_1242, %get3A_1243] {strides = array<i32>} : memref<32x128xi32, #tpu.memory_space<vmem>>, vector<16xi32>,
    %or3A_1245 = arith.ori %or3A_1240, %get3A_1244 : vector<16xi32>
    %get3A_1246 = arith.constant 23 : i64
    %get3A_1247 = arith.index_cast %get3A_1246 : i64 to index
    %get3A_1248 = arith.constant 112 : index
    %get3A_1249 = tpu.vector_load %arg4[%get3A_1247, %get3A_1248] {strides = array<i32>} : memref<32x128xi32, #tpu.memory_space<vmem>>, vector<16xi32>,
    %or3A_1250 = arith.ori %or3A_1245, %get3A_1249 : vector<16xi32>
    %get3A_1251 = arith.constant 24 : i64
    %get3A_1252 = arith.index_cast %get3A_1251 : i64 to index
    %get3A_1253 = arith.constant 112 : index
    %get3A_1254 = tpu.vector_load %arg4[%get3A_1252, %get3A_1253] {strides = array<i32>} : memref<32x128xi32, #tpu.memory_space<vmem>>, vector<16xi32>,
    %or3A_1255 = arith.ori %or3A_1250, %get3A_1254 : vector<16xi32>
    %get3A_1256 = arith.constant 25 : i64
    %get3A_1257 = arith.index_cast %get3A_1256 : i64 to index
    %get3A_1258 = arith.constant 112 : index
    %get3A_1259 = tpu.vector_load %arg4[%get3A_1257, %get3A_1258] {strides = array<i32>} : memref<32x128xi32, #tpu.memory_space<vmem>>, vector<16xi32>,
    %or3A_1260 = arith.ori %or3A_1255, %get3A_1259 : vector<16xi32>
    %get3A_1261 = arith.constant 26 : i64
    %get3A_1262 = arith.index_cast %get3A_1261 : i64 to index
    %get3A_1263 = arith.constant 112 : index
    %get3A_1264 = tpu.vector_load %arg4[%get3A_1262, %get3A_1263] {strides = array<i32>} : memref<32x128xi32, #tpu.memory_space<vmem>>, vector<16xi32>,
    %or3A_1265 = arith.ori %or3A_1260, %get3A_1264 : vector<16xi32>
    %get3A_1266 = arith.constant 27 : i64
    %get3A_1267 = arith.index_cast %get3A_1266 : i64 to index
    %get3A_1268 = arith.constant 112 : index
    %get3A_1269 = tpu.vector_load %arg4[%get3A_1267, %get3A_1268] {strides = array<i32>} : memref<32x128xi32, #tpu.memory_space<vmem>>, vector<16xi32>,
    %or3A_1270 = arith.ori %or3A_1265, %get3A_1269 : vector<16xi32>
    %get3A_1271 = arith.constant 28 : i64
    %get3A_1272 = arith.index_cast %get3A_1271 : i64 to index
    %get3A_1273 = arith.constant 112 : index
    %get3A_1274 = tpu.vector_load %arg4[%get3A_1272, %get3A_1273] {strides = array<i32>} : memref<32x128xi32, #tpu.memory_space<vmem>>, vector<16xi32>,
    %or3A_1275 = arith.ori %or3A_1270, %get3A_1274 : vector<16xi32>
    %get3A_1276 = arith.constant 29 : i64
    %get3A_1277 = arith.index_cast %get3A_1276 : i64 to index
    %get3A_1278 = arith.constant 112 : index
    %get3A_1279 = tpu.vector_load %arg4[%get3A_1277, %get3A_1278] {strides = array<i32>} : memref<32x128xi32, #tpu.memory_space<vmem>>, vector<16xi32>,
    %or3A_1280 = arith.ori %or3A_1275, %get3A_1279 : vector<16xi32>
    %get3A_1281 = arith.constant 30 : i64
    %get3A_1282 = arith.index_cast %get3A_1281 : i64 to index
    %get3A_1283 = arith.constant 112 : index
    %get3A_1284 = tpu.vector_load %arg4[%get3A_1282, %get3A_1283] {strides = array<i32>} : memref<32x128xi32, #tpu.memory_space<vmem>>, vector<16xi32>,
    %or3A_1285 = arith.ori %or3A_1280, %get3A_1284 : vector<16xi32>
    %get3A_1286 = arith.constant 31 : i64
    %get3A_1287 = arith.index_cast %get3A_1286 : i64 to index
    %get3A_1288 = arith.constant 112 : index
    %get3A_1289 = tpu.vector_load %arg4[%get3A_1287, %get3A_1288] {strides = array<i32>} : memref<32x128xi32, #tpu.memory_space<vmem>>, vector<16xi32>,
    %or3A_1290 = arith.ori %or3A_1285, %get3A_1289 : vector<16xi32>
    %gt3A_1291 = arith.constant 0 : i32
    %gt3A_1292 = vector.broadcast %gt3A_1291 : i32 to vector<16xi32>
    %gt3A_1293 = arith.cmpi sgt, %or3A_1290, %gt3A_1292 : vector<16xi32>
    %add3A_1294 = arith.constant 0 : i32
    %add3A_1295 = vector.broadcast %add3A_1294 : i32 to vector<16xi32>
    %add3A_1296 = arith.addi %iota3A, %add3A_1295 : vector<16xi32>
    %jit3A = arith.constant -1 : i64
    %convert_element_type3A = arith.trunci %jit3A : i64 to i32
    %broadcast_in_dim3A = vector.broadcast %convert_element_type3A : i32 to vector<16xi32>
    %select_n3A = arith.select %gt3A_159, %add3A_1296, %broadcast_in_dim3A : vector<16xi1>, vector<16xi32>
    %reduce_max3A = arith.constant true
    %reduce_max3A_1297 = vector.broadcast %reduce_max3A : i1 to vector<16xi1>
    %reduce_max3A_1298 = arith.constant -2147483648 : i32
    %reduce_max3A_1299 = vector.broadcast %reduce_max3A_1298 : i32 to vector<16xi32>
    %reduce_max3A_1300 = arith.xori %select_n3A, %reduce_max3A_1299 : vector<16xi32>
    %reduce_max3A_1301 = tpu.scan <max>, %reduce_max3A_1300 masked %reduce_max3A_1297 : vector<16xi32>, vector<16xi1> -> vector<16xi32>
    %reduce_max3A_1302 = arith.xori %reduce_max3A_1301, %reduce_max3A_1299 : vector<16xi32>
    %reduce_max3A_1303 = vector.extract %reduce_max3A_1302[15] : i32 from vector<16xi32>
    %max3A = arith.constant -1 : i32
    %max3A_1304 = arith.maxsi %max3A, %reduce_max3A_1303 : i32
    %add3A_1305 = arith.constant 16 : i32
    %add3A_1306 = vector.broadcast %add3A_1305 : i32 to vector<16xi32>
    %add3A_1307 = arith.addi %iota3A, %add3A_1306 : vector<16xi32>
    %jit3A_1308 = arith.constant -1 : i64
    %convert_element_type3A_1309 = arith.trunci %jit3A_1308 : i64 to i32
    %broadcast_in_dim3A_1310 = vector.broadcast %convert_element_type3A_1309 : i32 to vector<16xi32>
    %select_n3A_1311 = arith.select %gt3A_321, %add3A_1307, %broadcast_in_dim3A_1310 : vector<16xi1>, vector<16xi32>
    %reduce_max3A_1312 = arith.constant true
    %reduce_max3A_1313 = vector.broadcast %reduce_max3A_1312 : i1 to vector<16xi1>
    %reduce_max3A_1314 = arith.constant -2147483648 : i32
    %reduce_max3A_1315 = vector.broadcast %reduce_max3A_1314 : i32 to vector<16xi32>
    %reduce_max3A_1316 = arith.xori %select_n3A_1311, %reduce_max3A_1315 : vector<16xi32>
    %reduce_max3A_1317 = tpu.scan <max>, %reduce_max3A_1316 masked %reduce_max3A_1313 : vector<16xi32>, vector<16xi1> -> vector<16xi32>
    %reduce_max3A_1318 = arith.xori %reduce_max3A_1317, %reduce_max3A_1315 : vector<16xi32>
    %reduce_max3A_1319 = vector.extract %reduce_max3A_1318[15] : i32 from vector<16xi32>
    %max3A_1320 = arith.maxsi %max3A_1304, %reduce_max3A_1319 : i32
    %add3A_1321 = arith.constant 32 : i32
    %add3A_1322 = vector.broadcast %add3A_1321 : i32 to vector<16xi32>
    %add3A_1323 = arith.addi %iota3A, %add3A_1322 : vector<16xi32>
    %jit3A_1324 = arith.constant -1 : i64
    %convert_element_type3A_1325 = arith.trunci %jit3A_1324 : i64 to i32
    %broadcast_in_dim3A_1326 = vector.broadcast %convert_element_type3A_1325 : i32 to vector<16xi32>
    %select_n3A_1327 = arith.select %gt3A_483, %add3A_1323, %broadcast_in_dim3A_1326 : vector<16xi1>, vector<16xi32>
    %reduce_max3A_1328 = arith.constant true
    %reduce_max3A_1329 = vector.broadcast %reduce_max3A_1328 : i1 to vector<16xi1>
    %reduce_max3A_1330 = arith.constant -2147483648 : i32
    %reduce_max3A_1331 = vector.broadcast %reduce_max3A_1330 : i32 to vector<16xi32>
    %reduce_max3A_1332 = arith.xori %select_n3A_1327, %reduce_max3A_1331 : vector<16xi32>
    %reduce_max3A_1333 = tpu.scan <max>, %reduce_max3A_1332 masked %reduce_max3A_1329 : vector<16xi32>, vector<16xi1> -> vector<16xi32>
    %reduce_max3A_1334 = arith.xori %reduce_max3A_1333, %reduce_max3A_1331 : vector<16xi32>
    %reduce_max3A_1335 = vector.extract %reduce_max3A_1334[15] : i32 from vector<16xi32>
    %max3A_1336 = arith.maxsi %max3A_1320, %reduce_max3A_1335 : i32
    %add3A_1337 = arith.constant 48 : i32
    %add3A_1338 = vector.broadcast %add3A_1337 : i32 to vector<16xi32>
    %add3A_1339 = arith.addi %iota3A, %add3A_1338 : vector<16xi32>
    %jit3A_1340 = arith.constant -1 : i64
    %convert_element_type3A_1341 = arith.trunci %jit3A_1340 : i64 to i32
    %broadcast_in_dim3A_1342 = vector.broadcast %convert_element_type3A_1341 : i32 to vector<16xi32>
    %select_n3A_1343 = arith.select %gt3A_645, %add3A_1339, %broadcast_in_dim3A_1342 : vector<16xi1>, vector<16xi32>
    %reduce_max3A_1344 = arith.constant true
    %reduce_max3A_1345 = vector.broadcast %reduce_max3A_1344 : i1 to vector<16xi1>
    %reduce_max3A_1346 = arith.constant -2147483648 : i32
    %reduce_max3A_1347 = vector.broadcast %reduce_max3A_1346 : i32 to vector<16xi32>
    %reduce_max3A_1348 = arith.xori %select_n3A_1343, %reduce_max3A_1347 : vector<16xi32>
    %reduce_max3A_1349 = tpu.scan <max>, %reduce_max3A_1348 masked %reduce_max3A_1345 : vector<16xi32>, vector<16xi1> -> vector<16xi32>
    %reduce_max3A_1350 = arith.xori %reduce_max3A_1349, %reduce_max3A_1347 : vector<16xi32>
    %reduce_max3A_1351 = vector.extract %reduce_max3A_1350[15] : i32 from vector<16xi32>
    %max3A_1352 = arith.maxsi %max3A_1336, %reduce_max3A_1351 : i32
    %add3A_1353 = arith.constant 64 : i32
    %add3A_1354 = vector.broadcast %add3A_1353 : i32 to vector<16xi32>
    %add3A_1355 = arith.addi %iota3A, %add3A_1354 : vector<16xi32>
    %jit3A_1356 = arith.constant -1 : i64
    %convert_element_type3A_1357 = arith.trunci %jit3A_1356 : i64 to i32
    %broadcast_in_dim3A_1358 = vector.broadcast %convert_element_type3A_1357 : i32 to vector<16xi32>
    %select_n3A_1359 = arith.select %gt3A_807, %add3A_1355, %broadcast_in_dim3A_1358 : vector<16xi1>, vector<16xi32>
    %reduce_max3A_1360 = arith.constant true
    %reduce_max3A_1361 = vector.broadcast %reduce_max3A_1360 : i1 to vector<16xi1>
    %reduce_max3A_1362 = arith.constant -2147483648 : i32
    %reduce_max3A_1363 = vector.broadcast %reduce_max3A_1362 : i32 to vector<16xi32>
    %reduce_max3A_1364 = arith.xori %select_n3A_1359, %reduce_max3A_1363 : vector<16xi32>
    %reduce_max3A_1365 = tpu.scan <max>, %reduce_max3A_1364 masked %reduce_max3A_1361 : vector<16xi32>, vector<16xi1> -> vector<16xi32>
    %reduce_max3A_1366 = arith.xori %reduce_max3A_1365, %reduce_max3A_1363 : vector<16xi32>
    %reduce_max3A_1367 = vector.extract %reduce_max3A_1366[15] : i32 from vector<16xi32>
    %max3A_1368 = arith.maxsi %max3A_1352, %reduce_max3A_1367 : i32
    %add3A_1369 = arith.constant 80 : i32
    %add3A_1370 = vector.broadcast %add3A_1369 : i32 to vector<16xi32>
    %add3A_1371 = arith.addi %iota3A, %add3A_1370 : vector<16xi32>
    %jit3A_1372 = arith.constant -1 : i64
    %convert_element_type3A_1373 = arith.trunci %jit3A_1372 : i64 to i32
    %broadcast_in_dim3A_1374 = vector.broadcast %convert_element_type3A_1373 : i32 to vector<16xi32>
    %select_n3A_1375 = arith.select %gt3A_969, %add3A_1371, %broadcast_in_dim3A_1374 : vector<16xi1>, vector<16xi32>
    %reduce_max3A_1376 = arith.constant true
    %reduce_max3A_1377 = vector.broadcast %reduce_max3A_1376 : i1 to vector<16xi1>
    %reduce_max3A_1378 = arith.constant -2147483648 : i32
    %reduce_max3A_1379 = vector.broadcast %reduce_max3A_1378 : i32 to vector<16xi32>
    %reduce_max3A_1380 = arith.xori %select_n3A_1375, %reduce_max3A_1379 : vector<16xi32>
    %reduce_max3A_1381 = tpu.scan <max>, %reduce_max3A_1380 masked %reduce_max3A_1377 : vector<16xi32>, vector<16xi1> -> vector<16xi32>
    %reduce_max3A_1382 = arith.xori %reduce_max3A_1381, %reduce_max3A_1379 : vector<16xi32>
    %reduce_max3A_1383 = vector.extract %reduce_max3A_1382[15] : i32 from vector<16xi32>
    %max3A_1384 = arith.maxsi %max3A_1368, %reduce_max3A_1383 : i32
    %add3A_1385 = arith.constant 96 : i32
    %add3A_1386 = vector.broadcast %add3A_1385 : i32 to vector<16xi32>
    %add3A_1387 = arith.addi %iota3A, %add3A_1386 : vector<16xi32>
    %jit3A_1388 = arith.constant -1 : i64
    %convert_element_type3A_1389 = arith.trunci %jit3A_1388 : i64 to i32
    %broadcast_in_dim3A_1390 = vector.broadcast %convert_element_type3A_1389 : i32 to vector<16xi32>
    %select_n3A_1391 = arith.select %gt3A_1131, %add3A_1387, %broadcast_in_dim3A_1390 : vector<16xi1>, vector<16xi32>
    %reduce_max3A_1392 = arith.constant true
    %reduce_max3A_1393 = vector.broadcast %reduce_max3A_1392 : i1 to vector<16xi1>
    %reduce_max3A_1394 = arith.constant -2147483648 : i32
    %reduce_max3A_1395 = vector.broadcast %reduce_max3A_1394 : i32 to vector<16xi32>
    %reduce_max3A_1396 = arith.xori %select_n3A_1391, %reduce_max3A_1395 : vector<16xi32>
    %reduce_max3A_1397 = tpu.scan <max>, %reduce_max3A_1396 masked %reduce_max3A_1393 : vector<16xi32>, vector<16xi1> -> vector<16xi32>
    %reduce_max3A_1398 = arith.xori %reduce_max3A_1397, %reduce_max3A_1395 : vector<16xi32>
    %reduce_max3A_1399 = vector.extract %reduce_max3A_1398[15] : i32 from vector<16xi32>
    %max3A_1400 = arith.maxsi %max3A_1384, %reduce_max3A_1399 : i32
    %add3A_1401 = arith.constant 112 : i32
    %add3A_1402 = vector.broadcast %add3A_1401 : i32 to vector<16xi32>
    %add3A_1403 = arith.addi %iota3A, %add3A_1402 : vector<16xi32>
    %jit3A_1404 = arith.constant -1 : i64
    %convert_element_type3A_1405 = arith.trunci %jit3A_1404 : i64 to i32
    %broadcast_in_dim3A_1406 = vector.broadcast %convert_element_type3A_1405 : i32 to vector<16xi32>
    %select_n3A_1407 = arith.select %gt3A_1293, %add3A_1403, %broadcast_in_dim3A_1406 : vector<16xi1>, vector<16xi32>
    %reduce_max3A_1408 = arith.constant true
    %reduce_max3A_1409 = vector.broadcast %reduce_max3A_1408 : i1 to vector<16xi1>
    %reduce_max3A_1410 = arith.constant -2147483648 : i32
    %reduce_max3A_1411 = vector.broadcast %reduce_max3A_1410 : i32 to vector<16xi32>
    %reduce_max3A_1412 = arith.xori %select_n3A_1407, %reduce_max3A_1411 : vector<16xi32>
    %reduce_max3A_1413 = tpu.scan <max>, %reduce_max3A_1412 masked %reduce_max3A_1409 : vector<16xi32>, vector<16xi1> -> vector<16xi32>
    %reduce_max3A_1414 = arith.xori %reduce_max3A_1413, %reduce_max3A_1411 : vector<16xi32>
    %reduce_max3A_1415 = vector.extract %reduce_max3A_1414[15] : i32 from vector<16xi32>
    %max3A_1416 = arith.maxsi %max3A_1400, %reduce_max3A_1415 : i32
    %broadcast_in_dim3A_1417 = vector.broadcast %max3A_1416 : i32 to vector<16xi32>
    %swap3A = arith.constant 0 : index
    %swap3A_1418 = tpu.vector_load %arg5[%swap3A] {strides = array<i32>} : memref<128xi32, #tpu.memory_space<vmem>>, vector<16xi32>,
    tpu.vector_store %arg5[%swap3A], %broadcast_in_dim3A_1417 {strides = array<i32>} : memref<128xi32, #tpu.memory_space<vmem>>, vector<16xi32>,
    %broadcast_in_dim3A_1419 = vector.broadcast %max3A_1416 : i32 to vector<16xi32>
    %swap3A_1420 = arith.constant 16 : index
    %swap3A_1421 = tpu.vector_load %arg5[%swap3A_1420] {strides = array<i32>} : memref<128xi32, #tpu.memory_space<vmem>>, vector<16xi32>,
    tpu.vector_store %arg5[%swap3A_1420], %broadcast_in_dim3A_1419 {strides = array<i32>} : memref<128xi32, #tpu.memory_space<vmem>>, vector<16xi32>,
    %broadcast_in_dim3A_1422 = vector.broadcast %max3A_1416 : i32 to vector<16xi32>
    %swap3A_1423 = arith.constant 32 : index
    %swap3A_1424 = tpu.vector_load %arg5[%swap3A_1423] {strides = array<i32>} : memref<128xi32, #tpu.memory_space<vmem>>, vector<16xi32>,
    tpu.vector_store %arg5[%swap3A_1423], %broadcast_in_dim3A_1422 {strides = array<i32>} : memref<128xi32, #tpu.memory_space<vmem>>, vector<16xi32>,
    %broadcast_in_dim3A_1425 = vector.broadcast %max3A_1416 : i32 to vector<16xi32>
    %swap3A_1426 = arith.constant 48 : index
    %swap3A_1427 = tpu.vector_load %arg5[%swap3A_1426] {strides = array<i32>} : memref<128xi32, #tpu.memory_space<vmem>>, vector<16xi32>,
    tpu.vector_store %arg5[%swap3A_1426], %broadcast_in_dim3A_1425 {strides = array<i32>} : memref<128xi32, #tpu.memory_space<vmem>>, vector<16xi32>,
    %broadcast_in_dim3A_1428 = vector.broadcast %max3A_1416 : i32 to vector<16xi32>
    %swap3A_1429 = arith.constant 64 : index
    %swap3A_1430 = tpu.vector_load %arg5[%swap3A_1429] {strides = array<i32>} : memref<128xi32, #tpu.memory_space<vmem>>, vector<16xi32>,
    tpu.vector_store %arg5[%swap3A_1429], %broadcast_in_dim3A_1428 {strides = array<i32>} : memref<128xi32, #tpu.memory_space<vmem>>, vector<16xi32>,
    %broadcast_in_dim3A_1431 = vector.broadcast %max3A_1416 : i32 to vector<16xi32>
    %swap3A_1432 = arith.constant 80 : index
    %swap3A_1433 = tpu.vector_load %arg5[%swap3A_1432] {strides = array<i32>} : memref<128xi32, #tpu.memory_space<vmem>>, vector<16xi32>,
    tpu.vector_store %arg5[%swap3A_1432], %broadcast_in_dim3A_1431 {strides = array<i32>} : memref<128xi32, #tpu.memory_space<vmem>>, vector<16xi32>,
    %broadcast_in_dim3A_1434 = vector.broadcast %max3A_1416 : i32 to vector<16xi32>
    %swap3A_1435 = arith.constant 96 : index
    %swap3A_1436 = tpu.vector_load %arg5[%swap3A_1435] {strides = array<i32>} : memref<128xi32, #tpu.memory_space<vmem>>, vector<16xi32>,
    tpu.vector_store %arg5[%swap3A_1435], %broadcast_in_dim3A_1434 {strides = array<i32>} : memref<128xi32, #tpu.memory_space<vmem>>, vector<16xi32>,
    %broadcast_in_dim3A_1437 = vector.broadcast %max3A_1416 : i32 to vector<16xi32>
    %swap3A_1438 = arith.constant 112 : index
    %swap3A_1439 = tpu.vector_load %arg5[%swap3A_1438] {strides = array<i32>} : memref<128xi32, #tpu.memory_space<vmem>>, vector<16xi32>,
    tpu.vector_store %arg5[%swap3A_1438], %broadcast_in_dim3A_1437 {strides = array<i32>} : memref<128xi32, #tpu.memory_space<vmem>>, vector<16xi32>,
    %convert_element_type3A_1440 = arith.extui %gt3A_159 : vector<16xi1> to vector<16xi32>
    %broadcast_in_dim3A_1441 = arith.constant true
    %broadcast_in_dim3A_1442 = vector.broadcast %broadcast_in_dim3A_1441 : i1 to vector<16xi1>
    %masked_cumsum3A = tpu.scan <sum>, %convert_element_type3A_1440 masked %broadcast_in_dim3A_1442 : vector<16xi32>, vector<16xi1> -> vector<16xi32>
    %add3A_1443 = arith.constant 0 : i32
    %add3A_1444 = vector.broadcast %add3A_1443 : i32 to vector<16xi32>
    %add3A_1445 = arith.addi %masked_cumsum3A, %add3A_1444 : vector<16xi32>
    %sub3A = arith.constant 1 : i32
    %sub3A_1446 = vector.broadcast %sub3A : i32 to vector<16xi32>
    %sub3A_1447 = arith.subi %add3A_1445, %sub3A_1446 : vector<16xi32>
    %reduce_sum3A = arith.constant true
    %reduce_sum3A_1448 = vector.broadcast %reduce_sum3A : i1 to vector<16xi1>
    %reduce_sum3A_1449 = tpu.scan <sum>, %convert_element_type3A_1440 masked %reduce_sum3A_1448 : vector<16xi32>, vector<16xi1> -> vector<16xi32>
    %reduce_sum3A_1450 = vector.extract %reduce_sum3A_1449[15] : i32 from vector<16xi32>
    %add3A_1451 = arith.constant 0 : i32
    %add3A_1452 = arith.addi %add3A_1451, %reduce_sum3A_1450 : i32
    %add3A_1453 = arith.constant 0 : i32
    %add3A_1454 = vector.broadcast %add3A_1453 : i32 to vector<16xi32>
    %add3A_1455 = arith.addi %iota3A, %add3A_1454 : vector<16xi32>
    tpu.vector_store_idx %arg5[%sub3A_1447], %add3A_1455 masked %gt3A_159 : memref<128xi32, #tpu.memory_space<vmem>>[vector<16xi32>], vector<16xi32>, vector<16xi1>
    %convert_element_type3A_1456 = arith.extui %gt3A_321 : vector<16xi1> to vector<16xi32>
    %broadcast_in_dim3A_1457 = arith.constant true
    %broadcast_in_dim3A_1458 = vector.broadcast %broadcast_in_dim3A_1457 : i1 to vector<16xi1>
    %masked_cumsum3A_1459 = tpu.scan <sum>, %convert_element_type3A_1456 masked %broadcast_in_dim3A_1458 : vector<16xi32>, vector<16xi1> -> vector<16xi32>
    %add3A_1460 = vector.broadcast %add3A_1452 : i32 to vector<16xi32>
    %add3A_1461 = arith.addi %masked_cumsum3A_1459, %add3A_1460 : vector<16xi32>
    %sub3A_1462 = arith.constant 1 : i32
    %sub3A_1463 = vector.broadcast %sub3A_1462 : i32 to vector<16xi32>
    %sub3A_1464 = arith.subi %add3A_1461, %sub3A_1463 : vector<16xi32>
    %reduce_sum3A_1465 = arith.constant true
    %reduce_sum3A_1466 = vector.broadcast %reduce_sum3A_1465 : i1 to vector<16xi1>
    %reduce_sum3A_1467 = tpu.scan <sum>, %convert_element_type3A_1456 masked %reduce_sum3A_1466 : vector<16xi32>, vector<16xi1> -> vector<16xi32>
    %reduce_sum3A_1468 = vector.extract %reduce_sum3A_1467[15] : i32 from vector<16xi32>
    %add3A_1469 = arith.addi %add3A_1452, %reduce_sum3A_1468 : i32
    %add3A_1470 = arith.constant 16 : i32
    %add3A_1471 = vector.broadcast %add3A_1470 : i32 to vector<16xi32>
    %add3A_1472 = arith.addi %iota3A, %add3A_1471 : vector<16xi32>
    tpu.vector_store_idx %arg5[%sub3A_1464], %add3A_1472 masked %gt3A_321 : memref<128xi32, #tpu.memory_space<vmem>>[vector<16xi32>], vector<16xi32>, vector<16xi1>
    %convert_element_type3A_1473 = arith.extui %gt3A_483 : vector<16xi1> to vector<16xi32>
    %broadcast_in_dim3A_1474 = arith.constant true
    %broadcast_in_dim3A_1475 = vector.broadcast %broadcast_in_dim3A_1474 : i1 to vector<16xi1>
    %masked_cumsum3A_1476 = tpu.scan <sum>, %convert_element_type3A_1473 masked %broadcast_in_dim3A_1475 : vector<16xi32>, vector<16xi1> -> vector<16xi32>
    %add3A_1477 = vector.broadcast %add3A_1469 : i32 to vector<16xi32>
    %add3A_1478 = arith.addi %masked_cumsum3A_1476, %add3A_1477 : vector<16xi32>
    %sub3A_1479 = arith.constant 1 : i32
    %sub3A_1480 = vector.broadcast %sub3A_1479 : i32 to vector<16xi32>
    %sub3A_1481 = arith.subi %add3A_1478, %sub3A_1480 : vector<16xi32>
    %reduce_sum3A_1482 = arith.constant true
    %reduce_sum3A_1483 = vector.broadcast %reduce_sum3A_1482 : i1 to vector<16xi1>
    %reduce_sum3A_1484 = tpu.scan <sum>, %convert_element_type3A_1473 masked %reduce_sum3A_1483 : vector<16xi32>, vector<16xi1> -> vector<16xi32>
    %reduce_sum3A_1485 = vector.extract %reduce_sum3A_1484[15] : i32 from vector<16xi32>
    %add3A_1486 = arith.addi %add3A_1469, %reduce_sum3A_1485 : i32
    %add3A_1487 = arith.constant 32 : i32
    %add3A_1488 = vector.broadcast %add3A_1487 : i32 to vector<16xi32>
    %add3A_1489 = arith.addi %iota3A, %add3A_1488 : vector<16xi32>
    tpu.vector_store_idx %arg5[%sub3A_1481], %add3A_1489 masked %gt3A_483 : memref<128xi32, #tpu.memory_space<vmem>>[vector<16xi32>], vector<16xi32>, vector<16xi1>
    %convert_element_type3A_1490 = arith.extui %gt3A_645 : vector<16xi1> to vector<16xi32>
    %broadcast_in_dim3A_1491 = arith.constant true
    %broadcast_in_dim3A_1492 = vector.broadcast %broadcast_in_dim3A_1491 : i1 to vector<16xi1>
    %masked_cumsum3A_1493 = tpu.scan <sum>, %convert_element_type3A_1490 masked %broadcast_in_dim3A_1492 : vector<16xi32>, vector<16xi1> -> vector<16xi32>
    %add3A_1494 = vector.broadcast %add3A_1486 : i32 to vector<16xi32>
    %add3A_1495 = arith.addi %masked_cumsum3A_1493, %add3A_1494 : vector<16xi32>
    %sub3A_1496 = arith.constant 1 : i32
    %sub3A_1497 = vector.broadcast %sub3A_1496 : i32 to vector<16xi32>
    %sub3A_1498 = arith.subi %add3A_1495, %sub3A_1497 : vector<16xi32>
    %reduce_sum3A_1499 = arith.constant true
    %reduce_sum3A_1500 = vector.broadcast %reduce_sum3A_1499 : i1 to vector<16xi1>
    %reduce_sum3A_1501 = tpu.scan <sum>, %convert_element_type3A_1490 masked %reduce_sum3A_1500 : vector<16xi32>, vector<16xi1> -> vector<16xi32>
    %reduce_sum3A_1502 = vector.extract %reduce_sum3A_1501[15] : i32 from vector<16xi32>
    %add3A_1503 = arith.addi %add3A_1486, %reduce_sum3A_1502 : i32
    %add3A_1504 = arith.constant 48 : i32
    %add3A_1505 = vector.broadcast %add3A_1504 : i32 to vector<16xi32>
    %add3A_1506 = arith.addi %iota3A, %add3A_1505 : vector<16xi32>
    tpu.vector_store_idx %arg5[%sub3A_1498], %add3A_1506 masked %gt3A_645 : memref<128xi32, #tpu.memory_space<vmem>>[vector<16xi32>], vector<16xi32>, vector<16xi1>
    %convert_element_type3A_1507 = arith.extui %gt3A_807 : vector<16xi1> to vector<16xi32>
    %broadcast_in_dim3A_1508 = arith.constant true
    %broadcast_in_dim3A_1509 = vector.broadcast %broadcast_in_dim3A_1508 : i1 to vector<16xi1>
    %masked_cumsum3A_1510 = tpu.scan <sum>, %convert_element_type3A_1507 masked %broadcast_in_dim3A_1509 : vector<16xi32>, vector<16xi1> -> vector<16xi32>
    %add3A_1511 = vector.broadcast %add3A_1503 : i32 to vector<16xi32>
    %add3A_1512 = arith.addi %masked_cumsum3A_1510, %add3A_1511 : vector<16xi32>
    %sub3A_1513 = arith.constant 1 : i32
    %sub3A_1514 = vector.broadcast %sub3A_1513 : i32 to vector<16xi32>
    %sub3A_1515 = arith.subi %add3A_1512, %sub3A_1514 : vector<16xi32>
    %reduce_sum3A_1516 = arith.constant true
    %reduce_sum3A_1517 = vector.broadcast %reduce_sum3A_1516 : i1 to vector<16xi1>
    %reduce_sum3A_1518 = tpu.scan <sum>, %convert_element_type3A_1507 masked %reduce_sum3A_1517 : vector<16xi32>, vector<16xi1> -> vector<16xi32>
    %reduce_sum3A_1519 = vector.extract %reduce_sum3A_1518[15] : i32 from vector<16xi32>
    %add3A_1520 = arith.addi %add3A_1503, %reduce_sum3A_1519 : i32
    %add3A_1521 = arith.constant 64 : i32
    %add3A_1522 = vector.broadcast %add3A_1521 : i32 to vector<16xi32>
    %add3A_1523 = arith.addi %iota3A, %add3A_1522 : vector<16xi32>
    tpu.vector_store_idx %arg5[%sub3A_1515], %add3A_1523 masked %gt3A_807 : memref<128xi32, #tpu.memory_space<vmem>>[vector<16xi32>], vector<16xi32>, vector<16xi1>
    %convert_element_type3A_1524 = arith.extui %gt3A_969 : vector<16xi1> to vector<16xi32>
    %broadcast_in_dim3A_1525 = arith.constant true
    %broadcast_in_dim3A_1526 = vector.broadcast %broadcast_in_dim3A_1525 : i1 to vector<16xi1>
    %masked_cumsum3A_1527 = tpu.scan <sum>, %convert_element_type3A_1524 masked %broadcast_in_dim3A_1526 : vector<16xi32>, vector<16xi1> -> vector<16xi32>
    %add3A_1528 = vector.broadcast %add3A_1520 : i32 to vector<16xi32>
    %add3A_1529 = arith.addi %masked_cumsum3A_1527, %add3A_1528 : vector<16xi32>
    %sub3A_1530 = arith.constant 1 : i32
    %sub3A_1531 = vector.broadcast %sub3A_1530 : i32 to vector<16xi32>
    %sub3A_1532 = arith.subi %add3A_1529, %sub3A_1531 : vector<16xi32>
    %reduce_sum3A_1533 = arith.constant true
    %reduce_sum3A_1534 = vector.broadcast %reduce_sum3A_1533 : i1 to vector<16xi1>
    %reduce_sum3A_1535 = tpu.scan <sum>, %convert_element_type3A_1524 masked %reduce_sum3A_1534 : vector<16xi32>, vector<16xi1> -> vector<16xi32>
    %reduce_sum3A_1536 = vector.extract %reduce_sum3A_1535[15] : i32 from vector<16xi32>
    %add3A_1537 = arith.addi %add3A_1520, %reduce_sum3A_1536 : i32
    %add3A_1538 = arith.constant 80 : i32
    %add3A_1539 = vector.broadcast %add3A_1538 : i32 to vector<16xi32>
    %add3A_1540 = arith.addi %iota3A, %add3A_1539 : vector<16xi32>
    tpu.vector_store_idx %arg5[%sub3A_1532], %add3A_1540 masked %gt3A_969 : memref<128xi32, #tpu.memory_space<vmem>>[vector<16xi32>], vector<16xi32>, vector<16xi1>
    %convert_element_type3A_1541 = arith.extui %gt3A_1131 : vector<16xi1> to vector<16xi32>
    %broadcast_in_dim3A_1542 = arith.constant true
    %broadcast_in_dim3A_1543 = vector.broadcast %broadcast_in_dim3A_1542 : i1 to vector<16xi1>
    %masked_cumsum3A_1544 = tpu.scan <sum>, %convert_element_type3A_1541 masked %broadcast_in_dim3A_1543 : vector<16xi32>, vector<16xi1> -> vector<16xi32>
    %add3A_1545 = vector.broadcast %add3A_1537 : i32 to vector<16xi32>
    %add3A_1546 = arith.addi %masked_cumsum3A_1544, %add3A_1545 : vector<16xi32>
    %sub3A_1547 = arith.constant 1 : i32
    %sub3A_1548 = vector.broadcast %sub3A_1547 : i32 to vector<16xi32>
    %sub3A_1549 = arith.subi %add3A_1546, %sub3A_1548 : vector<16xi32>
    %reduce_sum3A_1550 = arith.constant true
    %reduce_sum3A_1551 = vector.broadcast %reduce_sum3A_1550 : i1 to vector<16xi1>
    %reduce_sum3A_1552 = tpu.scan <sum>, %convert_element_type3A_1541 masked %reduce_sum3A_1551 : vector<16xi32>, vector<16xi1> -> vector<16xi32>
    %reduce_sum3A_1553 = vector.extract %reduce_sum3A_1552[15] : i32 from vector<16xi32>
    %add3A_1554 = arith.addi %add3A_1537, %reduce_sum3A_1553 : i32
    %add3A_1555 = arith.constant 96 : i32
    %add3A_1556 = vector.broadcast %add3A_1555 : i32 to vector<16xi32>
    %add3A_1557 = arith.addi %iota3A, %add3A_1556 : vector<16xi32>
    tpu.vector_store_idx %arg5[%sub3A_1549], %add3A_1557 masked %gt3A_1131 : memref<128xi32, #tpu.memory_space<vmem>>[vector<16xi32>], vector<16xi32>, vector<16xi1>
    %convert_element_type3A_1558 = arith.extui %gt3A_1293 : vector<16xi1> to vector<16xi32>
    %broadcast_in_dim3A_1559 = arith.constant true
    %broadcast_in_dim3A_1560 = vector.broadcast %broadcast_in_dim3A_1559 : i1 to vector<16xi1>
    %masked_cumsum3A_1561 = tpu.scan <sum>, %convert_element_type3A_1558 masked %broadcast_in_dim3A_1560 : vector<16xi32>, vector<16xi1> -> vector<16xi32>
    %add3A_1562 = vector.broadcast %add3A_1554 : i32 to vector<16xi32>
    %add3A_1563 = arith.addi %masked_cumsum3A_1561, %add3A_1562 : vector<16xi32>
    %sub3A_1564 = arith.constant 1 : i32
    %sub3A_1565 = vector.broadcast %sub3A_1564 : i32 to vector<16xi32>
    %sub3A_1566 = arith.subi %add3A_1563, %sub3A_1565 : vector<16xi32>
    %reduce_sum3A_1567 = arith.constant true
    %reduce_sum3A_1568 = vector.broadcast %reduce_sum3A_1567 : i1 to vector<16xi1>
    %reduce_sum3A_1569 = tpu.scan <sum>, %convert_element_type3A_1558 masked %reduce_sum3A_1568 : vector<16xi32>, vector<16xi1> -> vector<16xi32>
    %reduce_sum3A_1570 = vector.extract %reduce_sum3A_1569[15] : i32 from vector<16xi32>
    %add3A_1571 = arith.addi %add3A_1554, %reduce_sum3A_1570 : i32
    %add3A_1572 = arith.constant 112 : i32
    %add3A_1573 = vector.broadcast %add3A_1572 : i32 to vector<16xi32>
    %add3A_1574 = arith.addi %iota3A, %add3A_1573 : vector<16xi32>
    tpu.vector_store_idx %arg5[%sub3A_1566], %add3A_1574 masked %gt3A_1293 : memref<128xi32, #tpu.memory_space<vmem>>[vector<16xi32>], vector<16xi32>, vector<16xi1>
    %eq3A = arith.constant 0 : i32
    %eq3A_1575 = arith.cmpi eq, %add3A, %eq3A : i32
    %convert_element_type3A_1576 = arith.extui %eq3A_1575 : i1 to i32
    %cond3A = arith.constant 0 : i32
    %cond3A_1577 = arith.cmpi ne, %convert_element_type3A_1576, %cond3A : i32
    scf.if %cond3A_1577 {
      "tpu.region"() ({
        %run_scoped3A = tpu.sem_alloc : memref<!tpu.dma_semaphore, #tpu.memory_space<semaphore_mem>>
        tpu.enqueue_dma source(%arg5 : memref<128xi32, #tpu.memory_space<vmem>>) target(%arg3 : memref<128xi32, #tpu.memory_space<hbm>>) target_semaphore(%run_scoped3A : memref<!tpu.dma_semaphore, #tpu.memory_space<semaphore_mem>>)
        tpu.wait_dma2 semaphore(%run_scoped3A : memref<!tpu.dma_semaphore, #tpu.memory_space<semaphore_mem>>) src(%arg5 : memref<128xi32, #tpu.memory_space<vmem>>) dst(%arg3 : memref<128xi32, #tpu.memory_space<hbm>>)
        tpu.yield
      }) : () -> ()
    } else {
    }
    return
  }
}

#map = affine_map<(d0, d1) -> (0)>
#map1 = affine_map<(d0, d1) -> (0, 0)>
module attributes {stable_mosaic.version = 14 : i64} {
  func.func @_sc_presence_body(%arg0: i32, %arg1: i32, %arg2: memref<262144xi32, #tpu.memory_space<hbm>>, %arg3: memref<32x128xi32, #tpu.memory_space<hbm>>, %arg4: memref<8192xi32, #tpu.memory_space<vmem>>, %arg5: memref<128xi32, #tpu.memory_space<vmem>>) attributes {dimension_semantics = [#tpu.dimension_semantics<core_parallel>, #tpu.dimension_semantics<subcore_parallel>], iteration_bounds = array<i64: 2, 16>, scalar_prefetch = 0 : i64, scratch_operands = 2 : i64, tpu.core_type = #tpu.core_type<sc_vector_subcore>, window_params = [{transform_indices = #map}, {transform_indices = #map1}]} {
    %mul3A = arith.constant 2 : i32
    %mul3A_0 = arith.muli %arg1, %mul3A : i32
    %add3A = arith.addi %mul3A_0, %arg0 : i32
    %mul3A_1 = arith.constant 8192 : i32
    %mul3A_2 = arith.muli %add3A, %mul3A_1 : i32
    "tpu.region"() ({
      %run_scoped3A = tpu.sem_alloc : memref<!tpu.dma_semaphore, #tpu.memory_space<semaphore_mem>>
      %dma_start3A = tpu.memref_slice %arg2[%mul3A_2] : memref<262144xi32, #tpu.memory_space<hbm>> -> memref<8192xi32, #tpu.memory_space<hbm>>
      %dma_start3A_31 = tpu.memref_slice %arg2[%mul3A_2] : memref<262144xi32, #tpu.memory_space<hbm>> -> memref<8192xi32, #tpu.memory_space<hbm>>
      tpu.enqueue_dma source(%dma_start3A_31 : memref<8192xi32, #tpu.memory_space<hbm>>) target(%arg4 : memref<8192xi32, #tpu.memory_space<vmem>>) target_semaphore(%run_scoped3A : memref<!tpu.dma_semaphore, #tpu.memory_space<semaphore_mem>>)
      %dma_wait3A = tpu.memref_slice %arg2[%mul3A_2] : memref<262144xi32, #tpu.memory_space<hbm>> -> memref<8192xi32, #tpu.memory_space<hbm>>
      %dma_wait3A_32 = tpu.memref_slice %arg2[%mul3A_2] : memref<262144xi32, #tpu.memory_space<hbm>> -> memref<8192xi32, #tpu.memory_space<hbm>>
      tpu.wait_dma2 semaphore(%run_scoped3A : memref<!tpu.dma_semaphore, #tpu.memory_space<semaphore_mem>>) src(%dma_wait3A_32 : memref<8192xi32, #tpu.memory_space<hbm>>) dst(%arg4 : memref<8192xi32, #tpu.memory_space<vmem>>)
      tpu.yield
    }) : () -> ()
    %broadcast_in_dim3A = arith.constant 0 : i32
    %broadcast_in_dim3A_3 = vector.broadcast %broadcast_in_dim3A : i32 to vector<16xi32>
    %broadcast_in_dim3A_4 = arith.constant 1 : i32
    %broadcast_in_dim3A_5 = vector.broadcast %broadcast_in_dim3A_4 : i32 to vector<16xi32>
    %swap3A = arith.constant 0 : index
    %swap3A_6 = tpu.vector_load %arg5[%swap3A] {strides = array<i32>} : memref<128xi32, #tpu.memory_space<vmem>>, vector<16xi32>,
    tpu.vector_store %arg5[%swap3A], %broadcast_in_dim3A_3 {strides = array<i32>} : memref<128xi32, #tpu.memory_space<vmem>>, vector<16xi32>,
    %swap3A_7 = arith.constant 16 : index
    %swap3A_8 = tpu.vector_load %arg5[%swap3A_7] {strides = array<i32>} : memref<128xi32, #tpu.memory_space<vmem>>, vector<16xi32>,
    tpu.vector_store %arg5[%swap3A_7], %broadcast_in_dim3A_3 {strides = array<i32>} : memref<128xi32, #tpu.memory_space<vmem>>, vector<16xi32>,
    %swap3A_9 = arith.constant 32 : index
    %swap3A_10 = tpu.vector_load %arg5[%swap3A_9] {strides = array<i32>} : memref<128xi32, #tpu.memory_space<vmem>>, vector<16xi32>,
    tpu.vector_store %arg5[%swap3A_9], %broadcast_in_dim3A_3 {strides = array<i32>} : memref<128xi32, #tpu.memory_space<vmem>>, vector<16xi32>,
    %swap3A_11 = arith.constant 48 : index
    %swap3A_12 = tpu.vector_load %arg5[%swap3A_11] {strides = array<i32>} : memref<128xi32, #tpu.memory_space<vmem>>, vector<16xi32>,
    tpu.vector_store %arg5[%swap3A_11], %broadcast_in_dim3A_3 {strides = array<i32>} : memref<128xi32, #tpu.memory_space<vmem>>, vector<16xi32>,
    %swap3A_13 = arith.constant 64 : index
    %swap3A_14 = tpu.vector_load %arg5[%swap3A_13] {strides = array<i32>} : memref<128xi32, #tpu.memory_space<vmem>>, vector<16xi32>,
    tpu.vector_store %arg5[%swap3A_13], %broadcast_in_dim3A_3 {strides = array<i32>} : memref<128xi32, #tpu.memory_space<vmem>>, vector<16xi32>,
    %swap3A_15 = arith.constant 80 : index
    %swap3A_16 = tpu.vector_load %arg5[%swap3A_15] {strides = array<i32>} : memref<128xi32, #tpu.memory_space<vmem>>, vector<16xi32>,
    tpu.vector_store %arg5[%swap3A_15], %broadcast_in_dim3A_3 {strides = array<i32>} : memref<128xi32, #tpu.memory_space<vmem>>, vector<16xi32>,
    %swap3A_17 = arith.constant 96 : index
    %swap3A_18 = tpu.vector_load %arg5[%swap3A_17] {strides = array<i32>} : memref<128xi32, #tpu.memory_space<vmem>>, vector<16xi32>,
    tpu.vector_store %arg5[%swap3A_17], %broadcast_in_dim3A_3 {strides = array<i32>} : memref<128xi32, #tpu.memory_space<vmem>>, vector<16xi32>,
    %swap3A_19 = arith.constant 112 : index
    %swap3A_20 = tpu.vector_load %arg5[%swap3A_19] {strides = array<i32>} : memref<128xi32, #tpu.memory_space<vmem>>, vector<16xi32>,
    tpu.vector_store %arg5[%swap3A_19], %broadcast_in_dim3A_3 {strides = array<i32>} : memref<128xi32, #tpu.memory_space<vmem>>, vector<16xi32>,
    %while3A = arith.constant 0 : i32
    %while3A_21 = arith.constant 0 : i32
    %while3A_22 = arith.constant 512 : i32
    %while3A_23 = arith.subi %while3A_22, %while3A_21 : i32
    %while3A_24 = arith.addi %while3A_21, %while3A_23 : i32
    %while3A_25 = arith.constant 1 : i32
    %while3A_26 = arith.divsi %while3A_23, %while3A_25 : i32
    %while3A_27 = arith.muli %while3A_26, %while3A_25 : i32
    %while3A_28 = arith.addi %while3A_21, %while3A_27 : i32
    %while3A_29 = arith.constant 1 : i32
    scf.for %while3A_31 = %while3A_21 to %while3A_28 step %while3A_29  : i32 {
      %mul3A_32 = arith.constant 16 : i32
      %mul3A_33 = arith.muli %while3A_31, %mul3A_32 : i32
      %get3A = arith.index_cast %mul3A_33 : i32 to index
      %get3A_34 = tpu.vector_load %arg4[%get3A] {strides = array<i32>} : memref<8192xi32, #tpu.memory_space<vmem>>, vector<16xi32>,
      tpu.vector_store_idx %arg5[%get3A_34], %broadcast_in_dim3A_5 : memref<128xi32, #tpu.memory_space<vmem>>[vector<16xi32>], vector<16xi32>,
    }
    %while3A_30 = arith.constant 1 : i32
    scf.for %while3A_31 = %while3A_28 to %while3A_24 step %while3A_30  : i32 {
      %mul3A_32 = arith.constant 16 : i32
      %mul3A_33 = arith.muli %while3A_31, %mul3A_32 : i32
      %get3A = arith.index_cast %mul3A_33 : i32 to index
      %get3A_34 = tpu.vector_load %arg4[%get3A] {strides = array<i32>} : memref<8192xi32, #tpu.memory_space<vmem>>, vector<16xi32>,
      tpu.vector_store_idx %arg5[%get3A_34], %broadcast_in_dim3A_5 : memref<128xi32, #tpu.memory_space<vmem>>[vector<16xi32>], vector<16xi32>,
    }
    "tpu.region"() ({
      %run_scoped3A = tpu.sem_alloc : memref<!tpu.dma_semaphore, #tpu.memory_space<semaphore_mem>>
      %dma_start3A = arith.constant 0 : i32
      %dma_start3A_31 = tpu.memref_slice %arg3[%add3A, %dma_start3A] : memref<32x128xi32, #tpu.memory_space<hbm>> -> memref<1x128xi32, #tpu.memory_space<hbm>>
      %dma_start3A_32 = tpu.memref_squeeze %dma_start3A_31 : memref<1x128xi32, #tpu.memory_space<hbm>> -> memref<128xi32, #tpu.memory_space<hbm>>
      %dma_start3A_33 = arith.constant 0 : i32
      %dma_start3A_34 = tpu.memref_slice %arg3[%add3A, %dma_start3A_33] : memref<32x128xi32, #tpu.memory_space<hbm>> -> memref<1x128xi32, #tpu.memory_space<hbm>>
      %dma_start3A_35 = tpu.memref_squeeze %dma_start3A_34 : memref<1x128xi32, #tpu.memory_space<hbm>> -> memref<128xi32, #tpu.memory_space<hbm>>
      tpu.enqueue_dma source(%arg5 : memref<128xi32, #tpu.memory_space<vmem>>) target(%dma_start3A_35 : memref<128xi32, #tpu.memory_space<hbm>>) target_semaphore(%run_scoped3A : memref<!tpu.dma_semaphore, #tpu.memory_space<semaphore_mem>>)
      %dma_wait3A = arith.constant 0 : i32
      %dma_wait3A_36 = tpu.memref_slice %arg3[%add3A, %dma_wait3A] : memref<32x128xi32, #tpu.memory_space<hbm>> -> memref<1x128xi32, #tpu.memory_space<hbm>>
      %dma_wait3A_37 = tpu.memref_squeeze %dma_wait3A_36 : memref<1x128xi32, #tpu.memory_space<hbm>> -> memref<128xi32, #tpu.memory_space<hbm>>
      %dma_wait3A_38 = arith.constant 0 : i32
      %dma_wait3A_39 = tpu.memref_slice %arg3[%add3A, %dma_wait3A_38] : memref<32x128xi32, #tpu.memory_space<hbm>> -> memref<1x128xi32, #tpu.memory_space<hbm>>
      %dma_wait3A_40 = tpu.memref_squeeze %dma_wait3A_39 : memref<1x128xi32, #tpu.memory_space<hbm>> -> memref<128xi32, #tpu.memory_space<hbm>>
      tpu.wait_dma2 semaphore(%run_scoped3A : memref<!tpu.dma_semaphore, #tpu.memory_space<semaphore_mem>>) src(%arg5 : memref<128xi32, #tpu.memory_space<vmem>>) dst(%dma_wait3A_40 : memref<128xi32, #tpu.memory_space<hbm>>)
      tpu.yield
    }) : () -> ()
    return
  }
}

module attributes {stable_mosaic.version = 14 : i64} {
  func.func @_sweep_body(%arg0: i32, %arg1: memref<16384x128xf32, #tpu.memory_space<vmem>>, %arg2: memref<1x1x16384xi32, #tpu.memory_space<vmem>>, %arg3: memref<16384x128xf32, #tpu.memory_space<vmem>>, %arg4: memref<128x16384xbf16, #tpu.memory_space<vmem>>, %arg5: memref<8x16384xbf16, #tpu.memory_space<vmem>>, %arg6: memref<384x128xf32, #tpu.memory_space<vmem>>) attributes {dimension_semantics = [#tpu.dimension_semantics<arbitrary>], iteration_bounds = array<i64: 16>, scalar_prefetch = 0 : i64, scratch_operands = 0 : i64, tpu.core_type = #tpu.core_type<tc>, window_params = [{transform_indices = @transform_0, window_bounds = array<i64: 16384, 128>}, {transform_indices = @transform_1, window_bounds = array<i64: 1, 1, 16384>}, {pipeline_mode = #tpu.pipeline_mode<synchronous>, transform_indices = @transform_2, window_bounds = array<i64: 16384, 128>}, {pipeline_mode = #tpu.pipeline_mode<synchronous>, transform_indices = @transform_3, window_bounds = array<i64: 128, 16384>}, {pipeline_mode = #tpu.pipeline_mode<synchronous>, transform_indices = @transform_4, window_bounds = array<i64: 8, 16384>}, {pipeline_mode = #tpu.pipeline_mode<synchronous>, transform_indices = @transform_5, window_bounds = array<i64: 384, 128>}]} {
    %get3A = arith.constant 0 : index
    %get3A_0 = arith.constant 0 : index
    %get3A_1 = vector.load %arg1[%get3A, %get3A_0] : memref<16384x128xf32, #tpu.memory_space<vmem>>, vector<16384x128xf32>
    %reduce_max3A = arith.constant dense<0xFF800000> : vector<16384xf32>
    %reduce_max3A_2 = vector.multi_reduction <maximumf>, %get3A_1, %reduce_max3A [1] : vector<16384x128xf32> to vector<16384xf32>
    %broadcast_in_dim3A = vector.shape_cast %reduce_max3A_2 : vector<16384xf32> to vector<16384x1xf32>
    %get3A_3 = arith.constant 0 : index
    %get3A_4 = arith.constant 0 : index
    %get3A_5 = vector.load %arg3[%get3A_3, %get3A_4] : memref<16384x128xf32, #tpu.memory_space<vmem>>, vector<16384x128xf32>
    %eq3A = vector.broadcast %broadcast_in_dim3A : vector<16384x1xf32> to vector<16384x128xf32>
    %eq3A_6 = arith.cmpf oeq, %get3A_1, %eq3A : vector<16384x128xf32>
    %jit3A = arith.constant 1.280000e+02 : f32
    %broadcast_in_dim3A_7 = vector.broadcast %jit3A : f32 to vector<16384x128xf32>
    %select_n3A = arith.select %eq3A_6, %get3A_5, %broadcast_in_dim3A_7 : vector<16384x128xi1>, vector<16384x128xf32>
    %reduce_min3A = arith.constant dense<0x7F800000> : vector<16384xf32>
    %reduce_min3A_8 = vector.multi_reduction <minimumf>, %select_n3A, %reduce_min3A [1] : vector<16384x128xf32> to vector<16384xf32>
    %broadcast_in_dim3A_9 = vector.shape_cast %reduce_min3A_8 : vector<16384xf32> to vector<16384x1xf32>
    %eq3A_10 = vector.broadcast %broadcast_in_dim3A_9 : vector<16384x1xf32> to vector<16384x128xf32>
    %eq3A_11 = arith.cmpf oeq, %get3A_5, %eq3A_10 : vector<16384x128xf32>
    %convert_element_type3A = arith.extui %eq3A_11 : vector<16384x128xi1> to vector<16384x128xi32>
    %convert_element_type3A_12 = arith.sitofp %convert_element_type3A : vector<16384x128xi32> to vector<16384x128xf32>
    %convert_element_type3A_13 = arith.truncf %convert_element_type3A_12 : vector<16384x128xf32> to vector<16384x128xbf16>
    %get3A_14 = arith.constant 0 : index
    %get3A_15 = arith.constant 0 : index
    %get3A_16 = arith.constant 0 : index
    %get3A_17 = vector.load %arg2[%get3A_14, %get3A_15, %get3A_16] : memref<1x1x16384xi32, #tpu.memory_space<vmem>>, vector<1x1x16384xi32>
    %get3A_18 = vector.shape_cast %get3A_17 : vector<1x1x16384xi32> to vector<16384xi32>
    %convert_element_type3A_19 = arith.sitofp %get3A_18 : vector<16384xi32> to vector<16384xbf16>
    %get3A_20 = arith.constant 0 : index
    %get3A_21 = arith.constant 0 : index
    %get3A_22 = vector.load %arg4[%get3A_20, %get3A_21] : memref<128x16384xbf16, #tpu.memory_space<vmem>>, vector<128x16384xbf16>
    %broadcast_in_dim3A_23 = vector.shape_cast %convert_element_type3A_19 : vector<16384xbf16> to vector<1x16384xbf16>
    %eq3A_24 = vector.broadcast %broadcast_in_dim3A_23 : vector<1x16384xbf16> to vector<128x16384xbf16>
    %eq3A_25 = arith.cmpf oeq, %get3A_22, %eq3A_24 : vector<128x16384xbf16>
    %convert_element_type3A_26 = arith.extui %eq3A_25 : vector<128x16384xi1> to vector<128x16384xi32>
    %convert_element_type3A_27 = arith.sitofp %convert_element_type3A_26 : vector<128x16384xi32> to vector<128x16384xf32>
    %convert_element_type3A_28 = arith.truncf %convert_element_type3A_27 : vector<128x16384xf32> to vector<128x16384xbf16>
    %get3A_29 = arith.constant 0 : index
    %get3A_30 = arith.constant 0 : index
    %get3A_31 = vector.load %arg5[%get3A_29, %get3A_30] : memref<8x16384xbf16, #tpu.memory_space<vmem>>, vector<1x16384xbf16>
    %mul3A = vector.broadcast %get3A_31 : vector<1x16384xbf16> to vector<128x16384xbf16>
    %mul3A_32 = arith.mulf %convert_element_type3A_28, %mul3A : vector<128x16384xbf16>
    %get3A_33 = arith.constant 1 : index
    %get3A_34 = arith.constant 0 : index
    %get3A_35 = vector.load %arg5[%get3A_33, %get3A_34] : memref<8x16384xbf16, #tpu.memory_space<vmem>>, vector<1x16384xbf16>
    %mul3A_36 = vector.broadcast %get3A_35 : vector<1x16384xbf16> to vector<128x16384xbf16>
    %mul3A_37 = arith.mulf %convert_element_type3A_28, %mul3A_36 : vector<128x16384xbf16>
    %concatenate3A = tpu.concatenate %convert_element_type3A_28, %mul3A_37, %mul3A_32 in 0 : vector<128x16384xbf16>, vector<128x16384xbf16>, vector<128x16384xbf16> -> vector<384x16384xbf16>
    %dot_general3A = arith.constant dense<0.000000e+00> : vector<384x128xf32>
    %dot_general3A_38 = tpu.matmul %concatenate3A, %convert_element_type3A_13, %dot_general3A {dimension_numbers = #tpu.dot_dimension_numbers<[1], [0], [0], [1], [0, 0, 1, 1], [], []>, transpose_lhs_hint = false} : vector<384x16384xbf16>, vector<16384x128xbf16>, vector<384x128xf32> -> vector<384x128xf32>
    %convert_element_type3A_39 = arith.sitofp %arg0 : i32 to f32
    %eq3A_40 = arith.constant 0 : i32
    %eq3A_41 = arith.cmpi eq, %arg0, %eq3A_40 : i32
    %convert_element_type3A_42 = arith.extui %eq3A_41 : i1 to i32
    %cond3A = arith.constant 0 : i32
    %cond3A_43 = arith.cmpi ne, %convert_element_type3A_42, %cond3A : i32
    scf.if %cond3A_43 {
      %broadcast_in_dim3A_48 = arith.constant 0.000000e+00 : f32
      %broadcast_in_dim3A_49 = vector.broadcast %broadcast_in_dim3A_48 : f32 to vector<128x128xf32>
      %swap3A = arith.constant 0 : index
      %swap3A_50 = arith.constant 0 : index
      %swap3A_51 = vector.load %arg6[%swap3A, %swap3A_50] : memref<384x128xf32, #tpu.memory_space<vmem>>, vector<128x128xf32>
      tpu.vector_store %arg6[%swap3A, %swap3A_50], %broadcast_in_dim3A_49 {strides = array<i32>} : memref<384x128xf32, #tpu.memory_space<vmem>>, vector<128x128xf32>,
      %slice3A = vector.extract_strided_slice %dot_general3A_38 {offsets = [128, 0], sizes = [128, 128], strides = [1, 1]} : vector<384x128xf32> to vector<128x128xf32>
      %swap3A_52 = arith.constant 128 : index
      %swap3A_53 = arith.constant 0 : index
      %swap3A_54 = vector.load %arg6[%swap3A_52, %swap3A_53] : memref<384x128xf32, #tpu.memory_space<vmem>>, vector<128x128xf32>
      tpu.vector_store %arg6[%swap3A_52, %swap3A_53], %slice3A {strides = array<i32>} : memref<384x128xf32, #tpu.memory_space<vmem>>, vector<128x128xf32>,
      %slice3A_55 = vector.extract_strided_slice %dot_general3A_38 {offsets = [256, 0], sizes = [128, 128], strides = [1, 1]} : vector<384x128xf32> to vector<128x128xf32>
      %swap3A_56 = arith.constant 256 : index
      %swap3A_57 = arith.constant 0 : index
      %swap3A_58 = vector.load %arg6[%swap3A_56, %swap3A_57] : memref<384x128xf32, #tpu.memory_space<vmem>>, vector<128x128xf32>
      tpu.vector_store %arg6[%swap3A_56, %swap3A_57], %slice3A_55 {strides = array<i32>} : memref<384x128xf32, #tpu.memory_space<vmem>>, vector<128x128xf32>,
    } else {
    }
    %ne3A = arith.constant 0 : i32
    %ne3A_44 = arith.cmpi ne, %arg0, %ne3A : i32
    %convert_element_type3A_45 = arith.extui %ne3A_44 : i1 to i32
    %cond3A_46 = arith.constant 0 : i32
    %cond3A_47 = arith.cmpi ne, %convert_element_type3A_45, %cond3A_46 : i32
    scf.if %cond3A_47 {
      %get3A_48 = arith.constant 0 : index
      %get3A_49 = arith.constant 0 : index
      %get3A_50 = vector.load %arg6[%get3A_48, %get3A_49] : memref<384x128xf32, #tpu.memory_space<vmem>>, vector<128x128xf32>
      %slice3A = vector.extract_strided_slice %dot_general3A_38 {offsets = [0, 0], sizes = [128, 128], strides = [1, 1]} : vector<384x128xf32> to vector<128x128xf32>
      %mul3A_51 = vector.broadcast %convert_element_type3A_39 : f32 to vector<128x128xf32>
      %mul3A_52 = arith.mulf %mul3A_51, %slice3A : vector<128x128xf32>
      %add3A = arith.addf %get3A_50, %mul3A_52 : vector<128x128xf32>
      %swap3A = arith.constant 0 : index
      %swap3A_53 = arith.constant 0 : index
      %swap3A_54 = vector.load %arg6[%swap3A, %swap3A_53] : memref<384x128xf32, #tpu.memory_space<vmem>>, vector<128x128xf32>
      tpu.vector_store %arg6[%swap3A, %swap3A_53], %add3A {strides = array<i32>} : memref<384x128xf32, #tpu.memory_space<vmem>>, vector<128x128xf32>,
      %get3A_55 = arith.constant 128 : index
      %get3A_56 = arith.constant 0 : index
      %get3A_57 = vector.load %arg6[%get3A_55, %get3A_56] : memref<384x128xf32, #tpu.memory_space<vmem>>, vector<128x128xf32>
      %slice3A_58 = vector.extract_strided_slice %dot_general3A_38 {offsets = [128, 0], sizes = [128, 128], strides = [1, 1]} : vector<384x128xf32> to vector<128x128xf32>
      %add3A_59 = arith.addf %get3A_57, %slice3A_58 : vector<128x128xf32>
      %swap3A_60 = arith.constant 128 : index
      %swap3A_61 = arith.constant 0 : index
      %swap3A_62 = vector.load %arg6[%swap3A_60, %swap3A_61] : memref<384x128xf32, #tpu.memory_space<vmem>>, vector<128x128xf32>
      tpu.vector_store %arg6[%swap3A_60, %swap3A_61], %add3A_59 {strides = array<i32>} : memref<384x128xf32, #tpu.memory_space<vmem>>, vector<128x128xf32>,
      %get3A_63 = arith.constant 256 : index
      %get3A_64 = arith.constant 0 : index
      %get3A_65 = vector.load %arg6[%get3A_63, %get3A_64] : memref<384x128xf32, #tpu.memory_space<vmem>>, vector<128x128xf32>
      %slice3A_66 = vector.extract_strided_slice %dot_general3A_38 {offsets = [256, 0], sizes = [128, 128], strides = [1, 1]} : vector<384x128xf32> to vector<128x128xf32>
      %add3A_67 = arith.addf %get3A_65, %slice3A_66 : vector<128x128xf32>
      %swap3A_68 = arith.constant 256 : index
      %swap3A_69 = arith.constant 0 : index
      %swap3A_70 = vector.load %arg6[%swap3A_68, %swap3A_69] : memref<384x128xf32, #tpu.memory_space<vmem>>, vector<128x128xf32>
      tpu.vector_store %arg6[%swap3A_68, %swap3A_69], %add3A_67 {strides = array<i32>} : memref<384x128xf32, #tpu.memory_space<vmem>>, vector<128x128xf32>,
    } else {
    }
    return
  }
  func.func @transform_0(%arg0: i32) -> (i32, i32) {
    %c0_i32 = arith.constant 0 : i32
    %c0_i32_0 = arith.constant 0 : i32
    return %arg0, %c0_i32 : i32, i32
  }
  func.func @transform_1(%arg0: i32) -> (i32, i32, i32) {
    %c0_i32 = arith.constant 0 : i32
    %c0_i32_0 = arith.constant 0 : i32
    %c0_i32_1 = arith.constant 0 : i32
    return %arg0, %c0_i32, %c0_i32_0 : i32, i32, i32
  }
  func.func @transform_2(%arg0: i32) -> (i32, i32) {
    %c0_i32 = arith.constant 0 : i32
    %c0_i32_0 = arith.constant 0 : i32
    %c0_i32_1 = arith.constant 0 : i32
    return %c0_i32, %c0_i32_0 : i32, i32
  }
  func.func @transform_3(%arg0: i32) -> (i32, i32) {
    %c0_i32 = arith.constant 0 : i32
    %c0_i32_0 = arith.constant 0 : i32
    %c0_i32_1 = arith.constant 0 : i32
    return %c0_i32, %c0_i32_0 : i32, i32
  }
  func.func @transform_4(%arg0: i32) -> (i32, i32) {
    %c0_i32 = arith.constant 0 : i32
    %c0_i32_0 = arith.constant 0 : i32
    %c0_i32_1 = arith.constant 0 : i32
    return %c0_i32, %c0_i32_0 : i32, i32
  }
  func.func @transform_5(%arg0: i32) -> (i32, i32) {
    %c0_i32 = arith.constant 0 : i32
    %c0_i32_0 = arith.constant 0 : i32
    %c0_i32_1 = arith.constant 0 : i32
    return %c0_i32, %c0_i32_0 : i32, i32
  }
}

module attributes {stable_mosaic.version = 14 : i64} {
  func.func @_fold_body(%arg0: memref<384x128xf32, #tpu.memory_space<vmem>>, %arg1: memref<1x128xi32, #tpu.memory_space<vmem>>, %arg2: memref<1x1xf32, #tpu.memory_space<vmem>>) attributes {dimension_semantics = [], scalar_prefetch = 0 : i64, scratch_operands = 0 : i64, tpu.core_type = #tpu.core_type<tc>} {
    %get3A = arith.constant 0 : index
    %get3A_0 = arith.constant 0 : index
    %get3A_1 = vector.load %arg1[%get3A, %get3A_0] : memref<1x128xi32, #tpu.memory_space<vmem>>, vector<1x128xi32>
    %get3A_2 = vector.shape_cast %get3A_1 : vector<1x128xi32> to vector<128xi32>
    %iota3A = tpu.iota {dimensions = array<i32: 0>} : vector<128x128xi32>
    %broadcast_in_dim3A = vector.shape_cast %get3A_2 : vector<128xi32> to vector<1x128xi32>
    %eq3A = vector.broadcast %broadcast_in_dim3A : vector<1x128xi32> to vector<128x128xi32>
    %eq3A_3 = arith.cmpi eq, %iota3A, %eq3A : vector<128x128xi32>
    %convert_element_type3A = arith.extui %eq3A_3 : vector<128x128xi1> to vector<128x128xi32>
    %convert_element_type3A_4 = arith.sitofp %convert_element_type3A : vector<128x128xi32> to vector<128x128xf32>
    %get3A_5 = arith.constant 0 : index
    %get3A_6 = arith.constant 0 : index
    %get3A_7 = vector.load %arg0[%get3A_5, %get3A_6] : memref<384x128xf32, #tpu.memory_space<vmem>>, vector<128x128xf32>
    %mul3A = arith.constant 1.638400e+04 : f32
    %mul3A_8 = vector.broadcast %mul3A : f32 to vector<128x128xf32>
    %mul3A_9 = arith.mulf %mul3A_8, %get3A_7 : vector<128x128xf32>
    %get3A_10 = arith.constant 128 : index
    %get3A_11 = arith.constant 0 : index
    %get3A_12 = vector.load %arg0[%get3A_10, %get3A_11] : memref<384x128xf32, #tpu.memory_space<vmem>>, vector<128x128xf32>
    %mul3A_13 = arith.constant 1.280000e+02 : f32
    %mul3A_14 = vector.broadcast %mul3A_13 : f32 to vector<128x128xf32>
    %mul3A_15 = arith.mulf %mul3A_14, %get3A_12 : vector<128x128xf32>
    %add3A = arith.addf %mul3A_9, %mul3A_15 : vector<128x128xf32>
    %get3A_16 = arith.constant 256 : index
    %get3A_17 = arith.constant 0 : index
    %get3A_18 = vector.load %arg0[%get3A_16, %get3A_17] : memref<384x128xf32, #tpu.memory_space<vmem>>, vector<128x128xf32>
    %add3A_19 = arith.addf %add3A, %get3A_18 : vector<128x128xf32>
    %mul3A_20 = arith.mulf %convert_element_type3A_4, %add3A_19 : vector<128x128xf32>
    %reduce_sum3A = vector.shape_cast %mul3A_20 : vector<128x128xf32> to vector<1x128x128xf32>
    %reduce_sum3A_21 = arith.constant dense<0.000000e+00> : vector<1xf32>
    %reduce_sum3A_22 = vector.multi_reduction <add>, %reduce_sum3A, %reduce_sum3A_21 [1, 2] : vector<1x128x128xf32> to vector<1xf32>
    %reduce_sum3A_23 = vector.shape_cast %reduce_sum3A_22 : vector<1xf32> to vector<1x1x1xf32>
    %reduce_sum3A_24 = vector.extract %reduce_sum3A_23[0, 0, 0] : f32 from vector<1x1x1xf32>
    %mul3A_25 = arith.constant 3.81469727E-6 : f32
    %mul3A_26 = arith.mulf %reduce_sum3A_24, %mul3A_25 : f32
    %sub3A = arith.constant 1.000000e+00 : f32
    %sub3A_27 = arith.subf %sub3A, %mul3A_26 : f32
    %broadcast_in_dim3A_28 = vector.broadcast %sub3A_27 : f32 to vector<1x1xf32>
    %swap3A = arith.constant 0 : index
    %swap3A_29 = arith.constant 0 : index
    %swap3A_30 = vector.load %arg2[%swap3A, %swap3A_29] : memref<1x1xf32, #tpu.memory_space<vmem>>, vector<1x1xf32>
    tpu.vector_store %arg2[%swap3A, %swap3A_29], %broadcast_in_dim3A_28 {strides = array<i32>} : memref<1x1xf32, #tpu.memory_space<vmem>>, vector<1x1xf32>,
    return
  }
}

</mosaic_0001>

<sc_bundles>
// kernel: kernel.6.cloned.1.call-start
scs
__scs_entry_jumppad:
0x0: {  	(pc) =	sbr.rel $0x88, $3  }
0x1: {  	(tag) =	ssettag $0x0;
	lr =	simm.s32 $0x1  }
0x2: {  	[smem:$0x3F9F] =	sst lr;
	_ =	strace $0xD0000000  }
0x3: {  	_ = 	snop  }
0x4: {  	_ = 	snop  }
0x5: {  	_ = 	snop  }
0x6: {  	_ = 	snop  }
0x7: {  	_ = 	snop  }
__scs_overlays_trampoline_lowered:
0x8: {  	[smem:$0x3FAE] =	sst s0  }
0x9: {  	[smem:$0x3FAF] =	sst s1  }
0xa: {  	[smem:$0x3FB0] =	sst s2  }
0xb: {  	[smem:$0x3FB1] =	sst s3  }
0xc: {  	[smem:$0x3FB2] =	sst s4  }
0xd: {  	[smem:$0x3FB3] =	sst s5  }
0xe: {  	[smem:$0x3FB4] =	sst s6  }
0xf: {  	[smem:$0x3FB5] =	sst s7  }
0x10: {  	[smem:$0x3FB6] =	sst s8  }
0x11: {  	[smem:$0x3FB7] =	sst s9;
	s0 =	simm.s32 @!p0 $0x0  }
0x12: {  	s1 =	sld [smem:$0x3F9D];
	s0 =	simm.s32 @p0 $0x1  }
0x13: {  	[smem:$0x3FB8] =	sst s0;
	s0 =	simm.s32 @!p1 $0x0  }
0x14: {  	s2 =	sld [smem:$0x3F9C];
	s0 =	simm.s32 @p1 $0x1  }
0x15: {  	[smem:$0x3FB9] =	sst s0;
	s0 =	simm.s32 @!p2 $0x0  }
0x16: {  	s3 =	sld [smem:$0x3FDB];
	s0 =	simm.s32 @p2 $0x1  }
0x17: {  	s4 =	simm.s32 $0x1BF5;
	[smem:$0x3FBB] =	sst s0  }
0x18: {  	s0 =	sld [smem:$0x3F9E];
	_ =	swait.ge [sflag:s4], $0x0  }
0x19: {  	s7 =	sld [smem:$0x3F9F]  }
0x1a: {  	s8 =	sadd.s32 $0xFFFFE003, lr  }
0x1b: {  	s9 =	sadd.s32 $0xFFFFFEF7, lr;
	s5 =	simm.s32 $0xFFFFFFFF;
	p2 =	slt.u32 s8, $0xFFFFF086  }
0x1c: {  	p1 =	slt.u32 s9, $0xF7A;
	s5 =	simm.s32 @!p2 $0x0  }
0x1d: {  	s5 =	simm.s32 @p1 $0x1;
	p0 =	seq.s32 s7, s2  }
0x1e: {  	s7 =	smul.u32 @!p0 $0xF7A, s2;
	p2 =	seq.s32 @!p0 s5, $0x0  }
0x1f: {  	s9 =	smul.u32 $0xF7A, s1;
	s8 =	simm.s32 @!p0 $0x1BF5;
	p2 =	por !p2, p0  }
0x20: {  	[sflag:s8] =	ssyncset.s32 @!p0 $0xFFFFF086;
	s6 =	sadd.s32 @!p0 s3, s7;
	s7 =	simm.s32 @!p0 $0x108  }
0x21: {  	s3 =	sadd.s32 s3, s9;
	s6 =	sadd.s32 @!p0 $0x88, s6;
	s7 =	simm.s32 @p2 $0x1082  }
0x22: {  	[simem:s7], [sflag:s8] =	dma.local @!p0 [hbm:s6], $0xF7A  }
0x23: {  	s9 =	sor.u32 $0xD0000000, s2;
	s6 =	simm.s32 $0x108;
	_ =	swait.ge @!p0 [sflag:s8], $0x0  }
0x24: {  	s3 =	sadd.s32 $0x88, s3;
	s6 =	simm.s32 @!p1 $0x1082;
	[sflag:s4] =	ssyncset.s32 $0xFFFFF086  }
0x25: {  	[simem:s6], [sflag:s4] =	dma.local [hbm:s3], $0xF7A  }
0x26: {  	[smem:$0x3F9F] =	sst s1;
	(tag) =	ssettag s2;
	_ =	strace s9  }
0x27: {  	s1 =	sld [smem:$0x3FAF]  }
0x28: {  	s2 =	sld [smem:$0x3FB0]  }
0x29: {  	s4 =	sld [smem:$0x3FB2]  }
0x2a: {  	p0 =	seq.s32 s5, $0x0;
	s5 =	sld [smem:$0x3FB3]  }
0x2b: {  	s6 =	sld [smem:$0x3FB4]  }
0x2c: {  	s7 =	sld [smem:$0x3FB5]  }
0x2d: {  	s3 =	simm.s32 $0x108;
	s8 =	sld [smem:$0x3FB6]  }
0x2e: {  	s3 =	simm.s32 @!p0 $0x1082;
	s9 =	sld [smem:$0x3FB7]  }
0x2f: {  	lr =	sadd.s32 s0, s3;
	s0 =	sld [smem:$0x3FAE]  }
0x30: {  	s3 =	sld [smem:$0x3FB1]  }
0x31: {  	[smem:$0x3FBA] =	sst s10  }
0x32: {  	s10 =	sld [smem:$0x3FB8];
	_ =	sdelay $0x3  }
0x33: {  	p0 =	seq.s32 s10, $0x1;
	s10 =	sld [smem:$0x3FBA];
	_ =	sdelay $0x3  }
0x34: {  	[smem:$0x3FBA] =	sst s10  }
0x35: {  	s10 =	sld [smem:$0x3FB9];
	_ =	sdelay $0x3  }
0x36: {  	p1 =	seq.s32 s10, $0x1;
	s10 =	sld [smem:$0x3FBA];
	_ =	sdelay $0x3  }
0x37: {  	[smem:$0x3FBA] =	sst s10  }
0x38: {  	s10 =	sld [smem:$0x3FBB]  }
0x39: {  	_ = 	snop;
	(pc) =	sbr.ind lr, $3  }
0x3a: {  	_ = 	snop  }
0x3b: {  	_ = 	snop  }
0x3c: {  	p2 =	seq.s32 s10, $0x1;
	s10 =	sld [smem:$0x3FBA]  }
0x3d: {  	_ =	shalt  }
0x3e: {  	_ =	shalt  }
0x3f: {  	_ =	shalt  }
0x40: {  	_ =	shalt  }
0x41: {  	_ =	shalt  }
0x42: {  	_ =	shalt  }
0x43: {  	_ =	shalt  }
0x44: {  	_ =	shalt  }
0x45: {  	_ =	shalt  }
0x46: {  	_ =	shalt  }
0x47: {  	_ =	shalt  }
0x48: {  	_ =	shalt  }
0x49: {  	_ =	shalt  }
0x4a: {  	_ =	shalt  }
0x4b: {  	_ =	shalt  }
0x4c: {  	_ =	shalt  }
0x4d: {  	_ =	shalt  }
0x4e: {  	_ =	shalt  }
0x4f: {  	_ =	shalt  }
0x50: {  	_ =	shalt  }
0x51: {  	_ =	shalt  }
0x52: {  	_ =	shalt  }
0x53: {  	_ =	shalt  }
0x54: {  	_ =	shalt  }
0x55: {  	_ =	shalt  }
0x56: {  	_ =	shalt  }
0x57: {  	_ =	shalt  }
0x58: {  	_ =	shalt  }
0x59: {  	_ =	shalt  }
0x5a: {  	_ =	shalt  }
0x5b: {  	_ =	shalt  }
0x5c: {  	_ =	shalt  }
0x5d: {  	_ =	shalt  }
0x5e: {  	_ =	shalt  }
0x5f: {  	_ =	shalt  }
0x60: {  	_ =	shalt  }
0x61: {  	_ =	shalt  }
0x62: {  	_ =	shalt  }
0x63: {  	_ =	shalt  }
0x64: {  	_ =	shalt  }
0x65: {  	_ =	shalt  }
0x66: {  	_ =	shalt  }
0x67: {  	_ =	shalt  }
0x68: {  	_ =	shalt  }
0x69: {  	_ =	shalt  }
0x6a: {  	_ =	shalt  }
0x6b: {  	_ =	shalt  }
0x6c: {  	_ =	shalt  }
0x6d: {  	_ =	shalt  }
0x6e: {  	_ =	shalt  }
0x6f: {  	_ =	shalt  }
0x70: {  	_ =	shalt  }
0x71: {  	_ =	shalt  }
0x72: {  	_ =	shalt  }
0x73: {  	_ =	shalt  }
0x74: {  	_ =	shalt  }
0x75: {  	_ =	shalt  }
0x76: {  	_ =	shalt  }
0x77: {  	_ =	shalt  }
0x78: {  	_ =	shalt  }
0x79: {  	_ =	shalt  }
0x7a: {  	_ =	shalt  }
0x7b: {  	_ =	shalt  }
0x7c: {  	_ =	shalt  }
0x7d: {  	_ =	shalt  }
0x7e: {  	_ =	shalt  }
0x7f: {  	_ =	shalt  }
0x80: {  	_ =	shalt  }
0x81: {  	_ =	shalt  }
0x82: {  	_ =	shalt  }
0x83: {  	_ =	shalt  }
0x84: {  	_ =	shalt  }
0x85: {  	_ =	shalt  }
0x86: {  	_ =	shalt  }
0x87: {  	_ =	shalt  }
.Lfunc_end0:
.L_simem_size_0:
called_computation_lowered:
.L_overlay_start_0:
0x88: {  	s2 =	sld [smem:$0x3FD9]  }
0x89: {  	s3 =	sld [smem:$0x3FFE];
	_ =	sdelay $0x1  }
0x8a: {  	s1 =	srdreg.scid  }
0x8b: {  	s0 =	sand.u32 $0x1, s1  }
0x8c: {  	s16 =	sshll.u32 s0, $0xA;
	s2 =	sadd.s32 s3, s2  }
0x8d: {  	s2 =	sadd.s32 s2, s16  }
0x8e: {  	[smem:$0x3FC6] =	sst s2  }
0x8f: {  	_ = 	snop  }
0x90: {  	(tm) =	ssettm $0x1  }
0x91: {  	s17 =	sld [smem:$0x3FFB];
	_ =	sdelay $0x3  }
0x92: {  	_ =	strace s17  }
0x93: {  	s2 =	sld [smem:$0x3FFC];
	_ =	sdelay $0x3  }
0x94: {  	_ =	strace s2  }
0x95: {  	s2 =	sld [smem:$0x3FFD];
	_ =	sdelay $0x3  }
0x96: {  	_ =	strace s2  }
0x97: {  	_ =	strace $0x8FFFFFFF  }
0x98: {  	s18 =	sld [smem:$0x3FDB];
	_ =	sdelay $0x1  }
0x99: {  	s19 =	simm.s32 $_scs_section_size  }
0x9a: {  	s4 =	simm.s32 $_size__tile_overlayer_lowered;
	s5 =	simm.s32 $_tile_overlayer_lowered  }
0x9b: {  	s22 =	simm.s32 $0x1BFF;
	s21 =	sshll.u32 s5, $0x1;
	s2 =	sadd.s32 s19, s18  }
0x9c: {  	s6 =	simm.s32 $0x0;
	s20 =	sshll.u32 s4, $0x1;
	s4 =	sadd.s32 s21, s2  }
0x9d: {  	[timem:s6], [sflag:s22] =	dma.local [hbm:s4], s20  }
0x9e: {  	_ =	swait.ge [sflag:s22], s20  }
0x9f: {  	s3 =	ssub.s32 $0x0, s20;
	[sflag:s22] =	ssyncset.done $0x0  }
0xa0: {  	[sflag:s22] =	ssyncadd.s32 s3;
	_ =	sdelay $0x1  }
0xa1: {  	s23 =	simm.s32 $0x1B8B  }
0xa2: {  	_ =	swait.ge [sflag:s23], $0x1  }
0xa3: {  	[sflag:s23] =	ssyncset.done $0x0  }
0xa4: {  	s25 =	simm.s32 $0x1B8E;
	s24 =	sld [smem:$0x3FFE];
	[sflag:s23] =	ssyncadd.s32 $0xFFFFFFFF  }
0xa5: {  	s26 =	simm.s32 $execute0_lowered;
	[smem:$0x3FD2] =	sst s25  }
0xa6: {  	s4 =	sshll.u32 s26, $0x1;
	_ =	strace $0x80000046;
	[dreg:$0x1] =	wrdreg $0xFFFFFFFF  }
0xa7: {  	s28 =	simm.s32 $_size_execute0_lowered;
	s2 =	sadd.s32 s2, s4;
	[dreg:$0x0] =	wrdreg $0x0  }
0xa8: {  	s4 =	sshll.u32 s28, $0x1;
	[dreg:$0x2] =	wrdreg s2  }
0xa9: {  	[dreg:$0x3] =	wrdreg s4  }
0xaa: {  	[dreg:$0x4] =	wrdreg $0xC0  }
0xab: {  	_ =	task [dreg:s6], $0x5FFFF  }
0xac: {  	[dreg:$0x1] =	wrdreg $0xFFFFFFFF  }
0xad: {  	[dreg:$0x0] =	wrdreg $0x60  }
0xae: {  	[dreg:$0x2] =	wrdreg s24  }
0xaf: {  	[dreg:$0x3] =	wrdreg $0x9  }
0xb0: {  	_ =	task.clear_ibuf [dreg:s6], $0x4FFFF;
	_ =	strace $0x90000046  }
0xb1: {  	s29 =	simm.s32 $0x9;
	_ =	strace $0x80000048  }
0xb2: {  	_ =	swait.ge [sflag:s29], $0x1  }
0xb3: {  	[sflag:s29] =	ssyncadd.s32 $0xFFFFFFFF  }
0xb4: {  	_ =	strace $0x90000048  }
0xb5: {  	_ =	sfence  }
0xb6: {  	s30 =	sld [smem:$0x0];
	_ =	sdelay $0x2  }
0xb7: {  	s31 =	sshll.u32 s1, $0xD;
	s1 =	sshrl.u32 s1, $0x2  }
0xb8: {  	s3 =	sand.u32 $0x4000, s31;
	s1 =	sadd.s32 s1, s30  }
0xb9: {  	s0 =	sor.u32 s3, s0;
	s1 =	sshll.u32 s1, $0x11  }
0xba: {  	s0 =	sor.u32 s1, s0  }
0xbb: {  	s0 =	sadd.s32 $0x8F2B, s0  }
0xbc: {  	[sflag:s0] =	ssyncadd.remote.s32 $0x1  }
0xbd: {  	_ =	sfence.sel $0xFFFF  }
0xbe: {  	[dreg:$0x0] =	wrdreg $0xFFFFFFFF;
	(pc) =	sbr.abs _section_cstart, $3  }
0xbf: {  	[dreg:$0x1] =	wrdreg $0xFFFFFFFF  }
0xc0: {  	_ =	task.clear_ibuf [dreg:s6], $0x2FFFF;
	_ =	strace $0x9FFFFFFF  }
0xc1: {  	(tm) =	ssettm $0x7FFFFFFF  }
tec
execute0_lowered:
.L_overlay_start_1:
0x0: {  	(tag) =	ssettag $0x1  }
0x1: {  	s3 =	rddreg [dreg:$0x0]  }
0x2: {  	s0 =	rddreg [dreg:$0x1]  }
0x3: {  	s2 =	simm.s32 $0x0;
	s4 =	srdreg.scid;
	s1 =	stileid.u32  }
0x4: {  	[smem:$0x7FF] =	sst s2;
	s4 =	sand.u32 $0x1, s4;
	s5 =	sshll.u32 s1, $0x1  }
0x5: {  	s8 =	simm.s32 $0x0;
	_ =	strace $0x80000047;
	s5 =	sor.u32 s4, s5  }
0x6: {  	s4 =	ssub.s32 $0x2, s4;
	s6 =	sshll.u32 s5, $0xA;
	s5 =	sshll.u32 s5, $0x4  }
0x7: {  	s7 =	sshrl.u32 s4, $0x1;
	s6 =	sadd.s32 s6, s3;
	s5 =	sadd.s32 s5, s3  }
0x8: {  	s7 =	ssub.s32 s4, s7;
	s3 =	sadd.s32 $0xE00, s6;
	s4 =	sadd.s32 $0x8E00, s5  }
0x9: {  	v0 =	vimm.s32 $0x0;
	v1 =	vimm.s32 $0x1;
	s5 =	smax.u32 s7, $0x1;
	s6 =	simm.s32 $0x1;
	s7 =	simm.s32 $0x2000  }
.LBB2_1:
0xa: {  	[tilespmem:s2], [sflag:$0x1] =	stream.linear.gather [hbm4b:s3+s2], $0x2000, $0x38;
	[tilespmem:$0x2080] =	vst v63  }
0xb: {  	_ =	swait.ge [sflag:s6], $0x2000  }
0xc: {  	[sflag:s6] =	ssyncset.done $0x0  }
0xd: {  	[sflag:s6] =	ssyncadd.s32 $0xFFFFE000  }
0xe: {  	[tilespmem:$0x2000] =	vst v0  }
0xf: {  	[tilespmem:$0x2010] =	vst v0  }
0x10: {  	[tilespmem:$0x2020] =	vst v0  }
0x11: {  	[tilespmem:$0x2030] =	vst v0  }
0x12: {  	[tilespmem:$0x2040] =	vst v0  }
0x13: {  	[tilespmem:$0x2050] =	vst v0  }
0x14: {  	[tilespmem:$0x2060] =	vst v0  }
0x15: {  	s10 =	simm.s32 $0x0;
	s9 =	simm.s32 $0x40;
	[tilespmem:$0x2070] =	vst v0  }
.LBB2_2:
0x16: {  	p0 =	sne.s32 s9, $0x7FC0;
	v2 =	vld [tilespmem:s10+$0x0];
	_ =	sdelay $0x3  }
.Ltmp0:
0x17: {  	(pc) =	sbr.rel @p0 .LBB2_2-.Ltmp0, $2  }
0x18: {  	_ =	sdelay $0x2  }
0x19: {  	s10 =	sshra.s32 s9, $0x2;
	s9 =	sadd.s32 $0x40, s9;
	[tilespmem:v2+s7+$0x0] =	vst.idx.msk $0xffff, v1  }
0x1a: {  	v2 =	vld [tilespmem:s10+$0x0];
	_ =	sdelay $0x5  }
0x1b: {  	s8 =	sadd.s32 $0x1, s8  }
0x1c: {  	p0 =	sne.s32 s8, s5  }
.Ltmp1:
0x1d: {  	[tilespmem:v2+s7+$0x0] =	vst.idx.msk $0xffff, v1;
	(pc) =	sbr.rel @p0 .LBB2_1-.Ltmp1, $4  }
0x1e: {  	[hbm4b:s4+s2] =	stream.linear.scatter [tilespmem:s7], [sflag:$0x1], $0x80, $0x38;
	[tilespmem:$0x2080] =	vst v63  }
0x1f: {  	_ =	swait.ge [sflag:s6], $0x80  }
0x20: {  	[sflag:s6] =	ssyncset.done $0x0  }
0x21: {  	[sflag:s6] =	ssyncadd.s32 $0xFFFFFF80  }
0x22: {  	_ =	sfence.sel $0x180000  }
0x23: {  	[bflag:$0x0] =	sbarrier.arrive $0xFFFF  }
0x24: {  	p0 =	sne.s32 s1, $0x0;
	_ =	strace $0x90000047  }
0x25: {  	s0 =	sadd.s32 @!p0 $0x100000, s0;
	[bflag:$0x2] =	sbarrier.arrive $0xFFFF  }
0x26: {  	[sflag:s0] =	ssyncadd.tile.s32 @!p0 $0x1;
	_ =	shalt  }
.Lfunc_end2:
_tile_overlayer_lowered:
.L_overlay_start_2:
0x27: {  	(tag) =	ssettag $0x2  }
0x28: {  	s0 =	rddreg [dreg:$0x0];
	s2 =	stileid.u32  }
0x29: {  	s1 =	rddreg [dreg:$0x1];
	p0 =	sne.s32 s2, $0x0  }
0x2a: {  	s3 =	rddreg [dreg:$0x2];
	[bflag:$0x3] =	sbarrier.arrive $0xFFFF;
	s2 =	simm.s32 @!p0 $0x1C01  }
0x2b: {  	[timem:s3], [sflag:s2] =	dma.local @!p0 [hbm:s0], s1  }
0x2c: {  	s0 =	simm.s32 @!p0 $0x1  }
0x2d: {  	_ =	swait.ge @!p0 [sflag:s0], s1  }
0x2e: {  	s1 =	ssub.s32 @!p0 $0x0, s1;
	[sflag:s0] =	ssyncset.done @!p0 $0x0  }
0x2f: {  	[sflag:s0] =	ssyncadd.s32 @!p0 s1  }
0x30: {  	[bflag:$0x3] =	sbarrier.arrive $0xFFFF  }
0x31: {  	_ =	shalt  }

// kernel: kernel.9.cloned.1.call-start
scs
__scs_entry_jumppad:
0x0: {  	(pc) =	sbr.rel $0x88, $3  }
0x1: {  	(tag) =	ssettag $0x0;
	lr =	simm.s32 $0x1  }
0x2: {  	[smem:$0x3F9F] =	sst lr;
	_ =	strace $0xD0000000  }
0x3: {  	_ = 	snop  }
0x4: {  	_ = 	snop  }
0x5: {  	_ = 	snop  }
0x6: {  	_ = 	snop  }
0x7: {  	_ = 	snop  }
__scs_overlays_trampoline_lowered:
0x8: {  	[smem:$0x3FAE] =	sst s0  }
0x9: {  	[smem:$0x3FAF] =	sst s1  }
0xa: {  	[smem:$0x3FB0] =	sst s2  }
0xb: {  	[smem:$0x3FB1] =	sst s3  }
0xc: {  	[smem:$0x3FB2] =	sst s4  }
0xd: {  	[smem:$0x3FB3] =	sst s5  }
0xe: {  	[smem:$0x3FB4] =	sst s6  }
0xf: {  	[smem:$0x3FB5] =	sst s7  }
0x10: {  	[smem:$0x3FB6] =	sst s8  }
0x11: {  	[smem:$0x3FB7] =	sst s9;
	s0 =	simm.s32 @!p0 $0x0  }
0x12: {  	s1 =	sld [smem:$0x3F9D];
	s0 =	simm.s32 @p0 $0x1  }
0x13: {  	[smem:$0x3FB8] =	sst s0;
	s0 =	simm.s32 @!p1 $0x0  }
0x14: {  	s2 =	sld [smem:$0x3F9C];
	s0 =	simm.s32 @p1 $0x1  }
0x15: {  	[smem:$0x3FB9] =	sst s0;
	s0 =	simm.s32 @!p2 $0x0  }
0x16: {  	s3 =	sld [smem:$0x3FDB];
	s0 =	simm.s32 @p2 $0x1  }
0x17: {  	s4 =	simm.s32 $0x1BF5;
	[smem:$0x3FBB] =	sst s0  }
0x18: {  	s0 =	sld [smem:$0x3F9E];
	_ =	swait.ge [sflag:s4], $0x0  }
0x19: {  	s7 =	sld [smem:$0x3F9F]  }
0x1a: {  	s8 =	sadd.s32 $0xFFFFE003, lr  }
0x1b: {  	s9 =	sadd.s32 $0xFFFFFEF7, lr;
	s5 =	simm.s32 $0xFFFFFFFF;
	p2 =	slt.u32 s8, $0xFFFFF086  }
0x1c: {  	p1 =	slt.u32 s9, $0xF7A;
	s5 =	simm.s32 @!p2 $0x0  }
0x1d: {  	s5 =	simm.s32 @p1 $0x1;
	p0 =	seq.s32 s7, s2  }
0x1e: {  	s7 =	smul.u32 @!p0 $0xF7A, s2;
	p2 =	seq.s32 @!p0 s5, $0x0  }
0x1f: {  	s9 =	smul.u32 $0xF7A, s1;
	s8 =	simm.s32 @!p0 $0x1BF5;
	p2 =	por !p2, p0  }
0x20: {  	[sflag:s8] =	ssyncset.s32 @!p0 $0xFFFFF086;
	s6 =	sadd.s32 @!p0 s3, s7;
	s7 =	simm.s32 @!p0 $0x108  }
0x21: {  	s3 =	sadd.s32 s3, s9;
	s6 =	sadd.s32 @!p0 $0x88, s6;
	s7 =	simm.s32 @p2 $0x1082  }
0x22: {  	[simem:s7], [sflag:s8] =	dma.local @!p0 [hbm:s6], $0xF7A  }
0x23: {  	s9 =	sor.u32 $0xD0000000, s2;
	s6 =	simm.s32 $0x108;
	_ =	swait.ge @!p0 [sflag:s8], $0x0  }
0x24: {  	s3 =	sadd.s32 $0x88, s3;
	s6 =	simm.s32 @!p1 $0x1082;
	[sflag:s4] =	ssyncset.s32 $0xFFFFF086  }
0x25: {  	[simem:s6], [sflag:s4] =	dma.local [hbm:s3], $0xF7A  }
0x26: {  	[smem:$0x3F9F] =	sst s1;
	(tag) =	ssettag s2;
	_ =	strace s9  }
0x27: {  	s1 =	sld [smem:$0x3FAF]  }
0x28: {  	s2 =	sld [smem:$0x3FB0]  }
0x29: {  	s4 =	sld [smem:$0x3FB2]  }
0x2a: {  	p0 =	seq.s32 s5, $0x0;
	s5 =	sld [smem:$0x3FB3]  }
0x2b: {  	s6 =	sld [smem:$0x3FB4]  }
0x2c: {  	s7 =	sld [smem:$0x3FB5]  }
0x2d: {  	s3 =	simm.s32 $0x108;
	s8 =	sld [smem:$0x3FB6]  }
0x2e: {  	s3 =	simm.s32 @!p0 $0x1082;
	s9 =	sld [smem:$0x3FB7]  }
0x2f: {  	lr =	sadd.s32 s0, s3;
	s0 =	sld [smem:$0x3FAE]  }
0x30: {  	s3 =	sld [smem:$0x3FB1]  }
0x31: {  	[smem:$0x3FBA] =	sst s10  }
0x32: {  	s10 =	sld [smem:$0x3FB8];
	_ =	sdelay $0x3  }
0x33: {  	p0 =	seq.s32 s10, $0x1;
	s10 =	sld [smem:$0x3FBA];
	_ =	sdelay $0x3  }
0x34: {  	[smem:$0x3FBA] =	sst s10  }
0x35: {  	s10 =	sld [smem:$0x3FB9];
	_ =	sdelay $0x3  }
0x36: {  	p1 =	seq.s32 s10, $0x1;
	s10 =	sld [smem:$0x3FBA];
	_ =	sdelay $0x3  }
0x37: {  	[smem:$0x3FBA] =	sst s10  }
0x38: {  	s10 =	sld [smem:$0x3FBB]  }
0x39: {  	_ = 	snop;
	(pc) =	sbr.ind lr, $3  }
0x3a: {  	_ = 	snop  }
0x3b: {  	_ = 	snop  }
0x3c: {  	p2 =	seq.s32 s10, $0x1;
	s10 =	sld [smem:$0x3FBA]  }
0x3d: {  	_ =	shalt  }
0x3e: {  	_ =	shalt  }
0x3f: {  	_ =	shalt  }
0x40: {  	_ =	shalt  }
0x41: {  	_ =	shalt  }
0x42: {  	_ =	shalt  }
0x43: {  	_ =	shalt  }
0x44: {  	_ =	shalt  }
0x45: {  	_ =	shalt  }
0x46: {  	_ =	shalt  }
0x47: {  	_ =	shalt  }
0x48: {  	_ =	shalt  }
0x49: {  	_ =	shalt  }
0x4a: {  	_ =	shalt  }
0x4b: {  	_ =	shalt  }
0x4c: {  	_ =	shalt  }
0x4d: {  	_ =	shalt  }
0x4e: {  	_ =	shalt  }
0x4f: {  	_ =	shalt  }
0x50: {  	_ =	shalt  }
0x51: {  	_ =	shalt  }
0x52: {  	_ =	shalt  }
0x53: {  	_ =	shalt  }
0x54: {  	_ =	shalt  }
0x55: {  	_ =	shalt  }
0x56: {  	_ =	shalt  }
0x57: {  	_ =	shalt  }
0x58: {  	_ =	shalt  }
0x59: {  	_ =	shalt  }
0x5a: {  	_ =	shalt  }
0x5b: {  	_ =	shalt  }
0x5c: {  	_ =	shalt  }
0x5d: {  	_ =	shalt  }
0x5e: {  	_ =	shalt  }
0x5f: {  	_ =	shalt  }
0x60: {  	_ =	shalt  }
0x61: {  	_ =	shalt  }
0x62: {  	_ =	shalt  }
0x63: {  	_ =	shalt  }
0x64: {  	_ =	shalt  }
0x65: {  	_ =	shalt  }
0x66: {  	_ =	shalt  }
0x67: {  	_ =	shalt  }
0x68: {  	_ =	shalt  }
0x69: {  	_ =	shalt  }
0x6a: {  	_ =	shalt  }
0x6b: {  	_ =	shalt  }
0x6c: {  	_ =	shalt  }
0x6d: {  	_ =	shalt  }
0x6e: {  	_ =	shalt  }
0x6f: {  	_ =	shalt  }
0x70: {  	_ =	shalt  }
0x71: {  	_ =	shalt  }
0x72: {  	_ =	shalt  }
0x73: {  	_ =	shalt  }
0x74: {  	_ =	shalt  }
0x75: {  	_ =	shalt  }
0x76: {  	_ =	shalt  }
0x77: {  	_ =	shalt  }
0x78: {  	_ =	shalt  }
0x79: {  	_ =	shalt  }
0x7a: {  	_ =	shalt  }
0x7b: {  	_ =	shalt  }
0x7c: {  	_ =	shalt  }
0x7d: {  	_ =	shalt  }
0x7e: {  	_ =	shalt  }
0x7f: {  	_ =	shalt  }
0x80: {  	_ =	shalt  }
0x81: {  	_ =	shalt  }
0x82: {  	_ =	shalt  }
0x83: {  	_ =	shalt  }
0x84: {  	_ =	shalt  }
0x85: {  	_ =	shalt  }
0x86: {  	_ =	shalt  }
0x87: {  	_ =	shalt  }
.Lfunc_end0:
.L_simem_size_0:
called_computation.1_lowered:
.L_overlay_start_0:
0x88: {  	s2 =	sld [smem:$0x3FD9]  }
0x89: {  	s3 =	sld [smem:$0x3FFE];
	_ =	sdelay $0x1  }
0x8a: {  	s1 =	srdreg.scid  }
0x8b: {  	s0 =	sand.u32 $0x1, s1  }
0x8c: {  	s17 =	sshll.u32 s0, $0xA;
	s2 =	sadd.s32 s3, s2  }
0x8d: {  	s2 =	sadd.s32 s2, s17  }
0x8e: {  	[smem:$0x3FC6] =	sst s2  }
0x8f: {  	_ = 	snop  }
0x90: {  	s2 =	sld [smem:$0x3FD0];
	(tm) =	ssettm $0x1  }
0x91: {  	s18 =	sld [smem:$0x3FFB];
	_ =	sdelay $0x3  }
0x92: {  	_ =	strace s18  }
0x93: {  	s3 =	sld [smem:$0x3FFC];
	_ =	sdelay $0x3  }
0x94: {  	_ =	strace s3  }
0x95: {  	s3 =	sld [smem:$0x3FFD];
	_ =	sdelay $0x3  }
0x96: {  	_ =	strace s3  }
0x97: {  	_ =	strace $0x8FFFFFFF  }
0x98: {  	s19 =	sld [smem:$0x3FDB];
	_ =	sdelay $0x1  }
0x99: {  	s4 =	simm.s32 $_scs_section_size  }
0x9a: {  	s5 =	simm.s32 $_size__tile_overlayer_lowered;
	s6 =	simm.s32 $_tile_overlayer_lowered  }
0x9b: {  	s22 =	simm.s32 $0x1BFF;
	s21 =	sshll.u32 s6, $0x1;
	s3 =	sadd.s32 s4, s19  }
0x9c: {  	s7 =	simm.s32 $0x0;
	s20 =	sshll.u32 s5, $0x1;
	s5 =	sadd.s32 s21, s3  }
0x9d: {  	[timem:s7], [sflag:s22] =	dma.local [hbm:s5], s20  }
0x9e: {  	_ =	swait.ge [sflag:s22], s20  }
0x9f: {  	s4 =	ssub.s32 $0x0, s20;
	[sflag:s22] =	ssyncset.done $0x0  }
0xa0: {  	[sflag:s22] =	ssyncadd.s32 s4;
	_ =	sdelay $0x1  }
0xa1: {  	s23 =	simm.s32 $0x1B8B  }
0xa2: {  	_ =	swait.ge [sflag:s23], $0x1  }
0xa3: {  	[sflag:s23] =	ssyncset.done $0x0  }
0xa4: {  	s25 =	simm.s32 $0x1B8E;
	s24 =	sld [smem:$0x3FFE];
	[sflag:s23] =	ssyncadd.s32 $0xFFFFFFFF  }
0xa5: {  	s26 =	simm.s32 $execute0_lowered;
	[smem:$0x3FD2] =	sst s25  }
0xa6: {  	s5 =	sshll.u32 s26, $0x1;
	_ =	strace $0x80000049;
	[dreg:$0x1] =	wrdreg $0xFFFFFFFF  }
0xa7: {  	s28 =	simm.s32 $_size_execute0_lowered;
	s3 =	sadd.s32 s3, s5;
	[dreg:$0x0] =	wrdreg $0x0  }
0xa8: {  	s5 =	sshll.u32 s28, $0x1;
	[dreg:$0x2] =	wrdreg s3  }
0xa9: {  	[dreg:$0x3] =	wrdreg s5  }
0xaa: {  	[dreg:$0x4] =	wrdreg $0xC0  }
0xab: {  	_ =	task [dreg:s7], $0x5FFFF  }
0xac: {  	[dreg:$0x1] =	wrdreg $0xFFFFFFFF  }
0xad: {  	[dreg:$0x0] =	wrdreg $0x60  }
0xae: {  	[dreg:$0x2] =	wrdreg s24  }
0xaf: {  	[dreg:$0x3] =	wrdreg s2  }
0xb0: {  	[dreg:$0x4] =	wrdreg $0x9  }
0xb1: {  	_ =	task.clear_ibuf [dreg:s7], $0x5FFFF;
	_ =	strace $0x90000049  }
0xb2: {  	s29 =	simm.s32 $0x9;
	_ =	strace $0x8000004B  }
0xb3: {  	_ =	swait.ge [sflag:s29], $0x1  }
0xb4: {  	[sflag:s29] =	ssyncadd.s32 $0xFFFFFFFF  }
0xb5: {  	_ =	strace $0x9000004B  }
0xb6: {  	_ =	sfence  }
0xb7: {  	s30 =	sld [smem:$0x0];
	_ =	sdelay $0x2  }
0xb8: {  	s31 =	sshll.u32 s1, $0xD;
	s1 =	sshrl.u32 s1, $0x2  }
0xb9: {  	s3 =	sand.u32 $0x4000, s31;
	s1 =	sadd.s32 s1, s30  }
0xba: {  	s0 =	sor.u32 s3, s0;
	s1 =	sshll.u32 s1, $0x11  }
0xbb: {  	s0 =	sor.u32 s1, s0  }
0xbc: {  	s0 =	sadd.s32 $0x8F2B, s0  }
0xbd: {  	[sflag:s0] =	ssyncadd.remote.s32 $0x1  }
0xbe: {  	_ =	sfence.sel $0xFFFF  }
0xbf: {  	[dreg:$0x0] =	wrdreg $0xFFFFFFFF;
	(pc) =	sbr.abs _section_cstart, $3  }
0xc0: {  	[dreg:$0x1] =	wrdreg $0xFFFFFFFF  }
0xc1: {  	_ =	task.clear_ibuf [dreg:s7], $0x2FFFF;
	_ =	strace $0x9FFFFFFF  }
0xc2: {  	(tm) =	ssettm $0x7FFFFFFF  }
0xc3: {  	_ =	shalt  }
tec
execute0_lowered:
.L_overlay_start_1:
0x0: {  	(tag) =	ssettag $0x1  }
0x1: {  	s1 =	rddreg [dreg:$0x0]  }
0x2: {  	s0 =	rddreg [dreg:$0x1];
	v0 =	vlaneseq.u32  }
0x3: {  	[dreg:$0x4] =	wrdreg s0;
	v1 =	vor.u32 $0x80000000, v0  }
0x4: {  	s0 =	rddreg [dreg:$0x2];
	v51 =	vor.u32 $0x80000010, v0;
	_ =	strace $0x8000004A;
	[tilespmem:$0x1FF10] =	vst v1  }
0x5: {  	v52 =	vor.u32 $0x80000020, v0;
	[tilespmem:$0x1FF20] =	vst v51  }
0x6: {  	v53 =	vor.u32 $0x80000030, v0;
	[tilespmem:$0x1FF30] =	vst v52  }
0x7: {  	v54 =	vor.u32 $0x80000040, v0;
	[tilespmem:$0x1FF40] =	vst v53  }
0x8: {  	v55 =	vor.u32 $0x80000050, v0;
	[tilespmem:$0x1FF50] =	vst v54  }
0x9: {  	v56 =	vor.u32 $0x80000060, v0;
	[tilespmem:$0x1FF60] =	vst v55  }
0xa: {  	v57 =	vor.u32 $0x80000070, v0;
	[tilespmem:$0x1FF70] =	vst v56  }
0xb: {  	v58 =	vor.u32 $0x10, v0;
	[tilespmem:$0x1FF80] =	vst v57  }
0xc: {  	v59 =	vor.u32 $0x20, v0;
	[tilespmem:$0x1FF90] =	vst v58  }
0xd: {  	s2 =	srdreg.scid;
	v60 =	vor.u32 $0x30, v0;
	[tilespmem:$0x1FFA0] =	vst v59  }
0xe: {  	s3 =	sadd.s32 $0x8E00, s1;
	s2 =	sand.u32 $0x1, s2;
	s1 =	stileid.u32;
	v61 =	vor.u32 $0x40, v0;
	[tilespmem:$0x1FFB0] =	vst v60  }
0xf: {  	v62 =	vor.u32 $0x50, v0;
	s4 =	ssub.s32 $0x2, s2;
	s31 =	sshll.u32 s1, $0x1;
	[tilespmem:$0x1FFC0] =	vst v61  }
0x10: {  	v63 =	vor.u32 $0x60, v0;
	s6 =	ssub.s32 $0x0, s2;
	[dreg:$0x3] =	wrdreg s3;
	[tilespmem:$0x1FFD0] =	vst v62;
	s5 =	sshrl.u32 s4, $0x1  }
0x11: {  	v0 =	vor.u32 $0x70, v0;
	s3 =	simm.s32 $0x0;
	[tilespmem:$0x1FFE0] =	vst v63;
	p0 =	sne.s32 s31, s6;
	s4 =	ssub.s32 s4, s5  }
0x12: {  	[tilespmem:$0x1FFF0] =	vst v0;
	s5 =	simm.s32 $0x1000;
	s2 =	smax.u32 s4, $0x1;
	s4 =	simm.s32 $0x1  }
.LBB2_1:
0x13: {  	s6 =	rddreg [dreg:$0x3]  }
0x14: {  	[tilespmem:s3], [sflag:$0x1] =	stream.linear.gather [hbm4b:s6+s3], $0x1000, $0x38;
	[tilespmem:$0x1080] =	vst v63  }
0x15: {  	_ =	swait.ge [sflag:s4], $0x1000  }
0x16: {  	[sflag:s4] =	ssyncset.done $0x0  }
0x17: {  	[sflag:s4] =	ssyncadd.s32 $0xFFFFF000  }
0x18: {  	v24 =	vld [tilespmem:$0x0]  }
0x19: {  	v20 =	vld [tilespmem:$0x80]  }
0x1a: {  	v21 =	vld [tilespmem:$0x100]  }
0x1b: {  	v25 =	vld [tilespmem:$0x180]  }
0x1c: {  	v26 =	vld [tilespmem:$0x200]  }
0x1d: {  	v30 =	vld [tilespmem:$0x280]  }
0x1e: {  	v32 =	vld [tilespmem:$0x300]  }
0x1f: {  	v36 =	vld [tilespmem:$0x380]  }
0x20: {  	v42 =	vld [tilespmem:$0x400]  }
0x21: {  	v48 =	vld [tilespmem:$0x480]  }
0x22: {  	v51 =	vld [tilespmem:$0x500]  }
0x23: {  	v54 =	vld [tilespmem:$0x580]  }
0x24: {  	v60 =	vld [tilespmem:$0x600]  }
0x25: {  	v62 =	vld [tilespmem:$0x680]  }
0x26: {  	v0 =	vld [tilespmem:$0x700]  }
0x27: {  	v13 =	vld [tilespmem:$0x780]  }
0x28: {  	v14 =	vld [tilespmem:$0x800]  }
0x29: {  	v15 =	vld [tilespmem:$0x880]  }
0x2a: {  	v16 =	vld [tilespmem:$0x900]  }
0x2b: {  	v17 =	vld [tilespmem:$0x980]  }
0x2c: {  	v18 =	vld [tilespmem:$0xA00]  }
0x2d: {  	v19 =	vld [tilespmem:$0xA80]  }
0x2e: {  	v22 =	vld [tilespmem:$0xB00]  }
0x2f: {  	v23 =	vld [tilespmem:$0xB80]  }
0x30: {  	v27 =	vld [tilespmem:$0xC00]  }
0x31: {  	v28 =	vld [tilespmem:$0xC80]  }
0x32: {  	v29 =	vld [tilespmem:$0xD00]  }
0x33: {  	v31 =	vld [tilespmem:$0xD80]  }
0x34: {  	v33 =	vld [tilespmem:$0xE00]  }
0x35: {  	v34 =	vld [tilespmem:$0xE80]  }
0x36: {  	v35 =	vld [tilespmem:$0xF00]  }
0x37: {  	v37 =	vld [tilespmem:$0xF80]  }
0x38: {  	v1 =	vld [tilespmem:$0x10]  }
0x39: {  	v2 =	vld [tilespmem:$0x110]  }
0x3a: {  	v3 =	vld [tilespmem:$0x190]  }
0x3b: {  	v4 =	vld [tilespmem:$0x210]  }
0x3c: {  	v5 =	vld [tilespmem:$0x290]  }
0x3d: {  	v6 =	vld [tilespmem:$0x310]  }
0x3e: {  	v8 =	vld [tilespmem:$0x390];
	[tilespmem:$0x1F7E0] =	vst v0  }
0x3f: {  	v10 =	vld [tilespmem:$0x410];
	[tilespmem:$0x1F7F0] =	vst v13  }
0x40: {  	v12 =	vld [tilespmem:$0x490];
	[tilespmem:$0x1F800] =	vst v14  }
0x41: {  	v43 =	vld [tilespmem:$0x990];
	[tilespmem:$0x1F810] =	vst v15  }
0x42: {  	v45 =	vld [tilespmem:$0xA10];
	[tilespmem:$0x1F820] =	vst v16  }
0x43: {  	v50 =	vld [tilespmem:$0xA90];
	[tilespmem:$0x1F830] =	vst v17  }
0x44: {  	v55 =	vld [tilespmem:$0xB10];
	[tilespmem:$0x1F840] =	vst v18  }
0x45: {  	v57 =	vld [tilespmem:$0xB90];
	[tilespmem:$0x1F850] =	vst v19  }
0x46: {  	v7 =	vld [tilespmem:$0xC10];
	[tilespmem:$0x1F860] =	vst v22  }
0x47: {  	v38 =	vld [tilespmem:$0xC90];
	[tilespmem:$0x1F870] =	vst v23  }
0x48: {  	v39 =	vld [tilespmem:$0xD10];
	[tilespmem:$0x1F880] =	vst v27  }
0x49: {  	v40 =	vld [tilespmem:$0xD90];
	[tilespmem:$0x1F890] =	vst v28  }
0x4a: {  	v41 =	vld [tilespmem:$0xE10];
	[tilespmem:$0x1F8A0] =	vst v29  }
0x4b: {  	[tilespmem:$0x1F8B0] =	vst v31;
	v0 =	vld [tilespmem:$0x90]  }
0x4c: {  	[tilespmem:$0x1F8D0] =	vst v33;
	v14 =	vld [tilespmem:$0x510]  }
0x4d: {  	[tilespmem:$0x1F8F0] =	vst v34;
	v16 =	vld [tilespmem:$0x590]  }
0x4e: {  	[tilespmem:$0x1F910] =	vst v35;
	v17 =	vld [tilespmem:$0x610]  }
0x4f: {  	[tilespmem:$0x1F940] =	vst v37;
	v19 =	vld [tilespmem:$0x690]  }
0x50: {  	v22 =	vld [tilespmem:$0x710];
	[tilespmem:$0x1F8C0] =	vst v7  }
0x51: {  	v27 =	vld [tilespmem:$0x790];
	[tilespmem:$0x1F8E0] =	vst v38  }
0x52: {  	v29 =	vld [tilespmem:$0x810];
	[tilespmem:$0x1F900] =	vst v39  }
0x53: {  	v33 =	vld [tilespmem:$0x890];
	[tilespmem:$0x1F920] =	vst v40  }
0x54: {  	v37 =	vld [tilespmem:$0x910];
	[tilespmem:$0x1F950] =	vst v41  }
0x55: {  	v7 =	vld [tilespmem:$0xE90]  }
0x56: {  	v44 =	vld [tilespmem:$0xF10]  }
0x57: {  	v46 =	vld [tilespmem:$0xF90]  }
0x58: {  	v41 =	vld [tilespmem:$0x20]  }
0x59: {  	v40 =	vld [tilespmem:$0xA0]  }
0x5a: {  	v52 =	vld [tilespmem:$0x1A0]  }
0x5b: {  	v58 =	vld [tilespmem:$0x220]  }
0x5c: {  	v47 =	vld [tilespmem:$0x2A0]  }
0x5d: {  	v49 =	vld [tilespmem:$0x320]  }
0x5e: {  	v53 =	vld [tilespmem:$0x3A0]  }
0x5f: {  	v56 =	vld [tilespmem:$0x420]  }
0x60: {  	v59 =	vld [tilespmem:$0x4A0]  }
0x61: {  	v61 =	vld [tilespmem:$0x520]  }
0x62: {  	v63 =	vld [tilespmem:$0x5A0]  }
0x63: {  	v9 =	vld [tilespmem:$0x620]  }
0x64: {  	v11 =	vld [tilespmem:$0x6A0]  }
0x65: {  	v13 =	vld [tilespmem:$0x720]  }
0x66: {  	v15 =	vld [tilespmem:$0x7A0]  }
0x67: {  	v18 =	vld [tilespmem:$0x820]  }
0x68: {  	v23 =	vld [tilespmem:$0x8A0]  }
0x69: {  	v28 =	vld [tilespmem:$0x920]  }
0x6a: {  	v31 =	vld [tilespmem:$0x9A0]  }
0x6b: {  	v34 =	vld [tilespmem:$0xA20]  }
0x6c: {  	v35 =	vld [tilespmem:$0xAA0]  }
0x6d: {  	v38 =	vld [tilespmem:$0xB20]  }
0x6e: {  	v20 =	vor.u32 v24, v20;
	v39 =	vld [tilespmem:$0xBA0]  }
0x6f: {  	v20 =	vor.u32 v21, v20;
	v24 =	vld [tilespmem:$0x2D0]  }
0x70: {  	v21 =	vld [tilespmem:$0x8D0];
	v20 =	vor.u32 v25, v20  }
0x71: {  	v25 =	vld [tilespmem:$0x350];
	v20 =	vor.u32 v26, v20  }
0x72: {  	v26 =	vor.u32 v30, v20;
	v30 =	vld [tilespmem:$0x3D0]  }
0x73: {  	v20 =	vld [tilespmem:$0x1F7F0]  }
0x74: {  	v0 =	vor.u32 v1, v0;
	v1 =	vor.u32 v32, v26;
	v32 =	vld [tilespmem:$0x450]  }
0x75: {  	v26 =	vld [tilespmem:$0x1F820]  }
0x76: {  	[tilespmem:$0x1F9B0] =	vst v46;
	v46 =	vld [tilespmem:$0x120]  }
0x77: {  	[tilespmem:$0x1F990] =	vst v44;
	v44 =	vld [tilespmem:$0xC20]  }
0x78: {  	[tilespmem:$0x1F930] =	vst v47;
	v47 =	vld [tilespmem:$0xCA0]  }
0x79: {  	[tilespmem:$0x1F960] =	vst v49;
	v49 =	vld [tilespmem:$0xD20]  }
0x7a: {  	[tilespmem:$0x1F980] =	vst v53;
	v53 =	vld [tilespmem:$0xDA0]  }
0x7b: {  	[tilespmem:$0x1F9A0] =	vst v56;
	v56 =	vld [tilespmem:$0xE20]  }
0x7c: {  	[tilespmem:$0x1F9C0] =	vst v59;
	v59 =	vld [tilespmem:$0xEA0]  }
0x7d: {  	[tilespmem:$0x1F9D0] =	vst v61;
	v61 =	vld [tilespmem:$0xF20]  }
0x7e: {  	[tilespmem:$0x1F9E0] =	vst v63;
	v63 =	vld [tilespmem:$0xFA0]  }
0x7f: {  	[tilespmem:$0x1FAD0] =	vst v34;
	v34 =	vld [tilespmem:$0x30]  }
0x80: {  	[tilespmem:$0x1FAB0] =	vst v31;
	v31 =	vld [tilespmem:$0xB0]  }
0x81: {  	[tilespmem:$0x1FB10] =	vst v38;
	v38 =	vld [tilespmem:$0x130]  }
0x82: {  	[tilespmem:$0x1F9F0] =	vst v9;
	v9 =	vld [tilespmem:$0x3B0]  }
0x83: {  	[tilespmem:$0x1FA00] =	vst v11;
	v11 =	vld [tilespmem:$0x430]  }
0x84: {  	[tilespmem:$0x1FA10] =	vst v13;
	v13 =	vld [tilespmem:$0x4B0]  }
0x85: {  	[tilespmem:$0x1FA30] =	vst v15;
	v15 =	vld [tilespmem:$0x530]  }
0x86: {  	[tilespmem:$0x1FA50] =	vst v18;
	v18 =	vld [tilespmem:$0x5B0]  }
0x87: {  	[tilespmem:$0x1FA70] =	vst v23;
	v23 =	vld [tilespmem:$0x630]  }
0x88: {  	[tilespmem:$0x1FA90] =	vst v28;
	v28 =	vld [tilespmem:$0x6B0]  }
0x89: {  	[tilespmem:$0x1FAF0] =	vst v35;
	v35 =	vld [tilespmem:$0x730]  }
0x8a: {  	[tilespmem:$0x1FB30] =	vst v39;
	v39 =	vld [tilespmem:$0x7B0]  }
0x8b: {  	[tilespmem:$0x1F970] =	vst v7;
	v7 =	vld [tilespmem:$0xC0]  }
0x8c: {  	[tilespmem:$0x1FDF0] =	vst v24;
	v24 =	vld [tilespmem:$0x1F800]  }
0x8d: {  	v1 =	vor.u32 v36, v1;
	v36 =	vld [tilespmem:$0x1F850]  }
0x8e: {  	v0 =	vor.u32 v2, v0;
	v2 =	vld [tilespmem:$0xC50]  }
0x8f: {  	[tilespmem:$0x1FF00] =	vst v21;
	v21 =	vld [tilespmem:$0x1F8F0]  }
0x90: {  	[tilespmem:$0x1FE20] =	vst v25;
	v25 =	vld [tilespmem:$0x1F810]  }
0x91: {  	v0 =	vor.u32 v3, v0;
	v1 =	vor.u32 v42, v1;
	v42 =	vld [tilespmem:$0x1F860]  }
0x92: {  	v0 =	vor.u32 v4, v0;
	v4 =	vld [tilespmem:$0x550]  }
0x93: {  	v1 =	vor.u32 v48, v1;
	v48 =	vld [tilespmem:$0xBD0]  }
0x94: {  	v0 =	vor.u32 v5, v0;
	v5 =	vld [tilespmem:$0x5D0]  }
0x95: {  	[tilespmem:$0x1FE40] =	vst v30;
	v30 =	vld [tilespmem:$0x1F830]  }
0x96: {  	v1 =	vor.u32 v51, v1;
	v51 =	vld [tilespmem:$0xB50]  }
0x97: {  	v0 =	vor.u32 v6, v0;
	v6 =	vld [tilespmem:$0x650]  }
0x98: {  	v1 =	vor.u32 v54, v1;
	v54 =	vld [tilespmem:$0xAD0]  }
0x99: {  	[tilespmem:$0x1FE60] =	vst v32;
	v32 =	vld [tilespmem:$0x1F840]  }
0x9a: {  	[tilespmem:$0x1FB60] =	vst v44;
	v44 =	vld [tilespmem:$0x1B0]  }
0x9b: {  	[tilespmem:$0x1FBC0] =	vst v49;
	v49 =	vld [tilespmem:$0x230]  }
0x9c: {  	[tilespmem:$0x1FC20] =	vst v56;
	v56 =	vld [tilespmem:$0x2B0]  }
0x9d: {  	[tilespmem:$0x1FC80] =	vst v61;
	v61 =	vld [tilespmem:$0x330]  }
0x9e: {  	[tilespmem:$0x1FB90] =	vst v47;
	v47 =	vld [tilespmem:$0x830]  }
0x9f: {  	[tilespmem:$0x1FBF0] =	vst v53;
	v53 =	vld [tilespmem:$0x8B0]  }
0xa0: {  	[tilespmem:$0x1FC50] =	vst v59;
	v59 =	vld [tilespmem:$0x930]  }
0xa1: {  	[tilespmem:$0x1FCB0] =	vst v63;
	v63 =	vld [tilespmem:$0x9B0]  }
0xa2: {  	[tilespmem:$0x1FA20] =	vst v9;
	v9 =	vld [tilespmem:$0xA30]  }
0xa3: {  	[tilespmem:$0x1FA40] =	vst v11;
	v11 =	vld [tilespmem:$0xAB0]  }
0xa4: {  	[tilespmem:$0x1FA60] =	vst v13;
	v13 =	vld [tilespmem:$0xB30]  }
0xa5: {  	[tilespmem:$0x1FA80] =	vst v15;
	v15 =	vld [tilespmem:$0xBB0]  }
0xa6: {  	[tilespmem:$0x1FAA0] =	vst v18;
	v18 =	vld [tilespmem:$0xC30]  }
0xa7: {  	[tilespmem:$0x1FAC0] =	vst v23;
	v23 =	vld [tilespmem:$0xCB0]  }
0xa8: {  	[tilespmem:$0x1FAE0] =	vst v28;
	v28 =	vld [tilespmem:$0xD30]  }
0xa9: {  	[tilespmem:$0x1FB00] =	vst v35;
	v35 =	vld [tilespmem:$0xDB0]  }
0xaa: {  	[tilespmem:$0x1FB20] =	vst v39;
	v39 =	vld [tilespmem:$0xE30]  }
0xab: {  	v0 =	vor.u32 v8, v0;
	v8 =	vld [tilespmem:$0x6D0]  }
0xac: {  	v1 =	vor.u32 v60, v1;
	v60 =	vld [tilespmem:$0xA50]  }
0xad: {  	v0 =	vor.u32 v10, v0;
	v10 =	vld [tilespmem:$0x750]  }
0xae: {  	v1 =	vor.u32 v62, v1;
	v62 =	vld [tilespmem:$0x9D0]  }
0xaf: {  	v0 =	vor.u32 v12, v0;
	v12 =	vld [tilespmem:$0x7D0]  }
0xb0: {  	[tilespmem:$0x1FE90] =	vst v4;
	v4 =	vld [tilespmem:$0xD50]  }
0xb1: {  	v0 =	vor.u32 v14, v0;
	v14 =	vld [tilespmem:$0x1F7E0]  }
0xb2: {  	[tilespmem:$0x1FEA0] =	vst v5;
	v5 =	vld [tilespmem:$0xCD0]  }
0xb3: {  	v0 =	vor.u32 v16, v0;
	v16 =	vld [tilespmem:$0x850]  }
0xb4: {  	[tilespmem:$0x1FEB0] =	vst v6;
	v6 =	vld [tilespmem:$0x1F880]  }
0xb5: {  	[tilespmem:$0x1FB40] =	vst v47;
	v47 =	vld [tilespmem:$0xEB0]  }
0xb6: {  	[tilespmem:$0x1FB70] =	vst v53;
	v53 =	vld [tilespmem:$0xF30]  }
0xb7: {  	[tilespmem:$0x1FBA0] =	vst v59;
	v59 =	vld [tilespmem:$0xFB0]  }
0xb8: {  	[tilespmem:$0x1FC00] =	vst v9;
	v9 =	vld [tilespmem:$0x40]  }
0xb9: {  	[tilespmem:$0x1FC30] =	vst v11;
	v11 =	vld [tilespmem:$0x140]  }
0xba: {  	[tilespmem:$0x1FC60] =	vst v13;
	v13 =	vld [tilespmem:$0x1C0]  }
0xbb: {  	[tilespmem:$0x1FC90] =	vst v15;
	v15 =	vld [tilespmem:$0x240]  }
0xbc: {  	[tilespmem:$0x1FCC0] =	vst v18;
	v18 =	vld [tilespmem:$0x2C0]  }
0xbd: {  	[tilespmem:$0x1FCE0] =	vst v23;
	v23 =	vld [tilespmem:$0x340]  }
0xbe: {  	[tilespmem:$0x1FD00] =	vst v28;
	v28 =	vld [tilespmem:$0x3C0]  }
0xbf: {  	[tilespmem:$0x1FD40] =	vst v35;
	v35 =	vld [tilespmem:$0x440]  }
0xc0: {  	[tilespmem:$0x1FD70] =	vst v39;
	v39 =	vld [tilespmem:$0x4C0]  }
0xc1: {  	[tilespmem:$0x1FBD0] =	vst v63;
	v63 =	vld [tilespmem:$0x6C0]  }
0xc2: {  	[tilespmem:$0x1FEC0] =	vst v8;
	v8 =	vld [tilespmem:$0x1F890]  }
0xc3: {  	v0 =	vor.u32 v17, v0;
	v17 =	vld [tilespmem:$0x1F8D0]  }
0xc4: {  	[tilespmem:$0x1FED0] =	vst v10;
	v10 =	vld [tilespmem:$0x1F8A0]  }
0xc5: {  	v0 =	vor.u32 v19, v0;
	v19 =	vld [tilespmem:$0x1F8E0]  }
0xc6: {  	v0 =	vor.u32 v22, v0;
	v22 =	vld [tilespmem:$0x1F900]  }
0xc7: {  	[tilespmem:$0x1FEE0] =	vst v12;
	v12 =	vor.u32 v41, v40;
	v41 =	vld [tilespmem:$0x1F9B0]  }
0xc8: {  	v40 =	vor.u32 v34, v31;
	v31 =	vld [tilespmem:$0x1FA90]  }
0xc9: {  	v34 =	vld [tilespmem:$0x1FAC0]  }
0xca: {  	v1 =	vor.u32 v14, v1;
	v14 =	vld [tilespmem:$0x1F8B0]  }
0xcb: {  	v0 =	vor.u32 v27, v0;
	v27 =	vld [tilespmem:$0x1F940]  }
0xcc: {  	[tilespmem:$0x1FEF0] =	vst v16;
	v16 =	vld [tilespmem:$0x1F8C0]  }
0xcd: {  	v0 =	vor.u32 v29, v0;
	v29 =	vld [tilespmem:$0x1F950]  }
0xce: {  	[tilespmem:$0x1FDA0] =	vst v47;
	v47 =	vld [tilespmem:$0x540]  }
0xcf: {  	[tilespmem:$0x1FDD0] =	vst v53;
	v53 =	vld [tilespmem:$0x5C0]  }
0xd0: {  	[tilespmem:$0x1FE00] =	vst v59;
	v59 =	vld [tilespmem:$0x640]  }
0xd1: {  	v1 =	vor.u32 v20, v1;
	[tilespmem:$0x1FB50] =	vst v63;
	v63 =	vld [tilespmem:$0x740]  }
0xd2: {  	v1 =	vor.u32 v24, v1;
	v24 =	vld [tilespmem:$0x1F910]  }
0xd3: {  	v0 =	vor.u32 v33, v0;
	v33 =	vld [tilespmem:$0x1F980]  }
0xd4: {  	v1 =	vor.u32 v25, v1;
	v25 =	vld [tilespmem:$0x1F920]  }
0xd5: {  	v7 =	vor.u32 v9, v7;
	v0 =	vor.u32 v37, v0;
	v37 =	vld [tilespmem:$0x1F9A0]  }
0xd6: {  	v7 =	vor.u32 v11, v7;
	v11 =	vld [tilespmem:$0xDE0]  }
0xd7: {  	v0 =	vor.u32 v43, v0;
	v43 =	vld [tilespmem:$0x1F870]  }
0xd8: {  	v1 =	vor.u32 v26, v1;
	v26 =	vld [tilespmem:$0x1F930]  }
0xd9: {  	v7 =	vor.u32 v13, v7;
	v13 =	vld [tilespmem:$0x1FA30]  }
0xda: {  	v0 =	vor.u32 v45, v0;
	v45 =	vld [tilespmem:$0xFD0]  }
0xdb: {  	v1 =	vor.u32 v30, v1;
	v30 =	vld [tilespmem:$0x1F960]  }
0xdc: {  	v7 =	vor.u32 v15, v7;
	v15 =	vld [tilespmem:$0x1FA40]  }
0xdd: {  	v1 =	vor.u32 v32, v1;
	v32 =	vld [tilespmem:$0x1F970]  }
0xde: {  	v7 =	vor.u32 v18, v7;
	v18 =	vld [tilespmem:$0x560]  }
0xdf: {  	[tilespmem:$0x1FB80] =	vst v63;
	v63 =	vld [tilespmem:$0x7C0]  }
0xe0: {  	v0 =	vor.u32 v50, v0;
	v1 =	vor.u32 v36, v1;
	v36 =	vld [tilespmem:$0x1F990]  }
0xe1: {  	v0 =	vor.u32 v55, v0;
	v55 =	vld [tilespmem:$0x1F9F0]  }
0xe2: {  	v7 =	vor.u32 v23, v7;
	v23 =	vld [tilespmem:$0x5E0]  }
0xe3: {  	v1 =	vor.u32 v42, v1;
	v42 =	vld [tilespmem:$0x1F9C0]  }
0xe4: {  	v7 =	vor.u32 v28, v7;
	v28 =	vld [tilespmem:$0x760]  }
0xe5: {  	v7 =	vor.u32 v35, v7;
	v35 =	vld [tilespmem:$0x1FAD0]  }
0xe6: {  	v1 =	vor.u32 v43, v1;
	v43 =	vor.u32 v38, v40;
	v38 =	vld [tilespmem:$0x1FB00]  }
0xe7: {  	v40 =	vld [tilespmem:$0x1FB20]  }
0xe8: {  	v7 =	vor.u32 v39, v7;
	v39 =	vld [tilespmem:$0x1FB10]  }
0xe9: {  	v50 =	vor.u32 v44, v43;
	v43 =	vld [tilespmem:$0x1FB50]  }
0xea: {  	v1 =	vor.u32 v6, v1;
	v44 =	vld [tilespmem:$0x1FB60]  }
0xeb: {  	v3 =	vor.u32 v8, v1;
	v1 =	vld [tilespmem:$0xDD0]  }
0xec: {  	v8 =	vor.u32 v46, v12;
	v46 =	vld [tilespmem:$0x1F9D0]  }
0xed: {  	v7 =	vor.u32 v47, v7;
	v47 =	vld [tilespmem:$0x1FB80]  }
0xee: {  	[tilespmem:$0x1FBB0] =	vst v63;
	v63 =	vld [tilespmem:$0x840]  }
0xef: {  	v0 =	vor.u32 v57, v0;
	v6 =	vor.u32 v10, v3;
	v3 =	vld [tilespmem:$0xE50]  }
0xf0: {  	v10 =	vor.u32 v16, v0;
	v0 =	vld [tilespmem:$0xED0]  }
0xf1: {  	v20 =	vor.u32 v52, v8;
	v8 =	vld [tilespmem:$0xF50]  }
0xf2: {  	v52 =	vld [tilespmem:$0x1F9E0]  }
0xf3: {  	v7 =	vor.u32 v53, v7;
	v53 =	vld [tilespmem:$0x1FBC0]  }
0xf4: {  	v10 =	vor.u32 v19, v10;
	v19 =	vld [tilespmem:$0x260]  }
0xf5: {  	v12 =	vor.u32 v58, v20;
	v20 =	vld [tilespmem:$0x2E0]  }
0xf6: {  	v6 =	vor.u32 v14, v6;
	v58 =	vld [tilespmem:$0x1FA00]  }
0xf7: {  	v6 =	vor.u32 v17, v6;
	v17 =	vld [tilespmem:$0x1E0]  }
0xf8: {  	v10 =	vor.u32 v22, v10;
	v22 =	vld [tilespmem:$0x3E0]  }
0xf9: {  	v12 =	vor.u32 v26, v12;
	v26 =	vld [tilespmem:$0x1FA50]  }
0xfa: {  	v14 =	vor.u32 v25, v10;
	v10 =	vld [tilespmem:$0x60]  }
0xfb: {  	v6 =	vor.u32 v21, v6;
	v21 =	vld [tilespmem:$0x360]  }
0xfc: {  	v25 =	vld [tilespmem:$0x4E0]  }
0xfd: {  	v7 =	vor.u32 v59, v7;
	v12 =	vor.u32 v30, v12;
	v30 =	vld [tilespmem:$0x1FA80]  }
0xfe: {  	v7 =	vor.u32 v43, v7;
	v43 =	vld [tilespmem:$0x1FCB0]  }
0xff: {  	v16 =	vor.u32 v29, v14;
	v14 =	vld [tilespmem:$0xE0]  }
0x100: {  	v6 =	vor.u32 v24, v6;
	v24 =	vld [tilespmem:$0x460]  }
0x101: {  	v29 =	vld [tilespmem:$0x1FA70]  }
0x102: {  	v12 =	vor.u32 v33, v12;
	v33 =	vld [tilespmem:$0x1FAB0]  }
0x103: {  	v7 =	vor.u32 v47, v7;
	v47 =	vld [tilespmem:$0x1FCE0]  }
0x104: {  	[tilespmem:$0x1FBE0] =	vst v63;
	v63 =	vld [tilespmem:$0x8C0]  }
0x105: {  	v6 =	vor.u32 v27, v6;
	v27 =	vld [tilespmem:$0x1FA60]  }
0x106: {  	v12 =	vor.u32 v37, v12;
	v37 =	vld [tilespmem:$0x1FAF0]  }
0x107: {  	vm0 =	vgt.s32 v6, $0x0;
	v6 =	vor.u32 v32, v16;
	v16 =	vld [tilespmem:$0x160]  }
0x108: {  	v32 =	vld [tilespmem:$0x1FAA0]  }
0x109: {  	[tilespmem:$0x1FC10] =	vst v63;
	v63 =	vld [tilespmem:$0x940]  }
0x10a: {  	v12 =	vor.u32 v42, v12;
	v42 =	vld [tilespmem:$0x1FB40]  }
0x10b: {  	v6 =	vor.u32 v36, v6;
	v36 =	vld [tilespmem:$0x1FAE0]  }
0x10c: {  	v6 =	vor.u32 v41, v6;
	v41 =	vld [tilespmem:$0x1FB30]  }
0x10d: {  	vm1 =	vgt.s32 v6, $0x0;
	v6 =	vor.u32 v46, v12;
	v46 =	vld [tilespmem:$0x1FB70]  }
0x10e: {  	[tilespmem:$0x1FC40] =	vst v63;
	v63 =	vld [tilespmem:$0x9C0]  }
0x10f: {  	v12 =	vor.u32 v49, v50;
	v49 =	vld [tilespmem:$0x1FB90]  }
0x110: {  	v50 =	vld [tilespmem:$0x1FBA0]  }
0x111: {  	v57 =	vor.u32 v56, v12;
	v12 =	vld [tilespmem:$0x1FA20]  }
0x112: {  	v6 =	vor.u32 v52, v6;
	v52 =	vld [tilespmem:$0x1FBB0]  }
0x113: {  	[tilespmem:$0x1FC70] =	vst v63;
	v63 =	vld [tilespmem:$0xA40]  }
0x114: {  	v56 =	vld [tilespmem:$0x1FBE0]  }
0x115: {  	v9 =	vor.u32 v61, v57;
	v61 =	vld [tilespmem:$0x1FA10]  }
0x116: {  	v6 =	vor.u32 v55, v6;
	v55 =	vld [tilespmem:$0x1FBD0]  }
0x117: {  	v57 =	vld [tilespmem:$0x1FBF0]  }
0x118: {  	[tilespmem:$0x1FCA0] =	vst v63;
	v63 =	vld [tilespmem:$0xAC0]  }
0x119: {  	v59 =	vld [tilespmem:$0x1FC10]  }
0x11a: {  	v6 =	vor.u32 v58, v6;
	v58 =	vld [tilespmem:$0x1FC00]  }
0x11b: {  	v9 =	vor.u32 v12, v9;
	v12 =	vld [tilespmem:$0x1FC30]  }
0x11c: {  	v6 =	vor.u32 v61, v6;
	v61 =	vld [tilespmem:$0x1FC20]  }
0x11d: {  	[tilespmem:$0x1FCD0] =	vst v63;
	v63 =	vld [tilespmem:$0xB40]  }
0x11e: {  	v10 =	vor.u32 v10, v14;
	v7 =	vor.u32 v52, v7;
	v9 =	vor.u32 v15, v9;
	v15 =	vld [tilespmem:$0x1FC50]  }
0x11f: {  	v10 =	vor.u32 v16, v10;
	v7 =	vor.u32 v56, v7;
	v56 =	vld [tilespmem:$0x1FD40]  }
0x120: {  	v10 =	vor.u32 v17, v10;
	v9 =	vor.u32 v27, v9;
	v27 =	vld [tilespmem:$0x6E0]  }
0x121: {  	v10 =	vor.u32 v19, v10;
	v6 =	vor.u32 v13, v6;
	v13 =	vld [tilespmem:$0x1FC40]  }
0x122: {  	v10 =	vor.u32 v20, v10;
	[tilespmem:$0x1FCF0] =	vst v63;
	v63 =	vld [tilespmem:$0xBC0]  }
0x123: {  	v10 =	vor.u32 v21, v10;
	v7 =	vor.u32 v59, v7;
	v59 =	vld [tilespmem:$0x1FD70]  }
0x124: {  	v10 =	vor.u32 v22, v10;
	v6 =	vor.u32 v26, v6;
	v26 =	vld [tilespmem:$0x660]  }
0x125: {  	v10 =	vor.u32 v24, v10;
	v9 =	vor.u32 v30, v9;
	v30 =	vld [tilespmem:$0x860]  }
0x126: {  	v10 =	vor.u32 v25, v10;
	v25 =	vld [tilespmem:$0x6F0]  }
0x127: {  	[tilespmem:$0x1FD10] =	vst v63;
	v63 =	vld [tilespmem:$0xC40]  }
0x128: {  	v6 =	vor.u32 v29, v6;
	v29 =	vld [tilespmem:$0x7E0]  }
0x129: {  	v9 =	vor.u32 v32, v9;
	v32 =	vld [tilespmem:$0x960]  }
0x12a: {  	v6 =	vor.u32 v31, v6;
	v31 =	vld [tilespmem:$0x8E0]  }
0x12b: {  	v9 =	vor.u32 v34, v9;
	v34 =	vld [tilespmem:$0xA60]  }
0x12c: {  	[tilespmem:$0x1FD50] =	vst v63;
	v63 =	vld [tilespmem:$0xCC0]  }
0x12d: {  	v6 =	vor.u32 v33, v6;
	v33 =	vld [tilespmem:$0x9E0]  }
0x12e: {  	v9 =	vor.u32 v36, v9;
	v36 =	vld [tilespmem:$0xB60]  }
0x12f: {  	v6 =	vor.u32 v35, v6;
	v35 =	vld [tilespmem:$0xAE0]  }
0x130: {  	v9 =	vor.u32 v38, v9;
	v38 =	vld [tilespmem:$0x1FC60]  }
0x131: {  	[tilespmem:$0x1FD80] =	vst v63;
	v63 =	vld [tilespmem:$0xD40]  }
0x132: {  	v7 =	vor.u32 v13, v7;
	v13 =	vld [tilespmem:$0xCE0]  }
0x133: {  	v10 =	vor.u32 v18, v10;
	v6 =	vor.u32 v37, v6;
	v37 =	vld [tilespmem:$0xBE0]  }
0x134: {  	v10 =	vor.u32 v23, v10;
	v9 =	vor.u32 v40, v9;
	v40 =	vld [tilespmem:$0x1FC80]  }
0x135: {  	v10 =	vor.u32 v26, v10;
	v26 =	vld [tilespmem:$0x770]  }
0x136: {  	[tilespmem:$0x1FDB0] =	vst v63;
	v63 =	vld [tilespmem:$0xDC0]  }
0x137: {  	v6 =	vor.u32 v39, v6;
	v39 =	vld [tilespmem:$0x1FC70]  }
0x138: {  	v10 =	vor.u32 v27, v10;
	v27 =	vld [tilespmem:$0x7F0]  }
0x139: {  	v6 =	vor.u32 v41, v6;
	v41 =	vld [tilespmem:$0x1FC90]  }
0x13a: {  	v10 =	vor.u32 v28, v10;
	v28 =	vld [tilespmem:$0x870]  }
0x13b: {  	[tilespmem:$0x1FDE0] =	vst v63;
	v63 =	vld [tilespmem:$0xE40]  }
0x13c: {  	v9 =	vor.u32 v42, v9;
	v42 =	vld [tilespmem:$0x1FCA0]  }
0x13d: {  	v9 =	vor.u32 v46, v9;
	v6 =	vor.u32 v44, v6;
	v44 =	vld [tilespmem:$0x1FCC0]  }
0x13e: {  	v9 =	vor.u32 v50, v9;
	v50 =	vld [tilespmem:$0x1FD00]  }
0x13f: {  	v10 =	vor.u32 v29, v10;
	v29 =	vld [tilespmem:$0x8F0]  }
0x140: {  	[tilespmem:$0x1FE10] =	vst v63;
	v63 =	vld [tilespmem:$0xEC0]  }
0x141: {  	v9 =	vor.u32 v55, v9;
	v10 =	vor.u32 v30, v10;
	v30 =	vld [tilespmem:$0x970]  }
0x142: {  	v9 =	vor.u32 v58, v9;
	v10 =	vor.u32 v31, v10;
	v31 =	vld [tilespmem:$0x9F0]  }
0x143: {  	v6 =	vor.u32 v49, v6;
	v9 =	vor.u32 v12, v9;
	v12 =	vld [tilespmem:$0xE60]  }
0x144: {  	v6 =	vor.u32 v53, v6;
	v9 =	vor.u32 v38, v9;
	v38 =	vld [tilespmem:$0xC60]  }
0x145: {  	v6 =	vor.u32 v57, v6;
	[tilespmem:$0x1FE30] =	vst v63;
	v63 =	vld [tilespmem:$0xF40]  }
0x146: {  	v6 =	vor.u32 v61, v6;
	v46 =	vld [tilespmem:$0x1FCD0]  }
0x147: {  	v7 =	vor.u32 v39, v7;
	v6 =	vor.u32 v15, v6;
	v15 =	vld [tilespmem:$0xD60]  }
0x148: {  	v9 =	vor.u32 v41, v9;
	v7 =	vor.u32 v42, v7;
	v42 =	vld [tilespmem:$0x70];
	v6 =	vor.u32 v40, v6  }
0x149: {  	v9 =	vor.u32 v44, v9;
	v6 =	vor.u32 v43, v6;
	v43 =	vld [tilespmem:$0xF0]  }
0x14a: {  	vm2 =	vgt.s32 v6, $0x0;
	v6 =	vor.u32 v47, v9;
	[tilespmem:$0x1FE50] =	vst v63;
	v63 =	vld [tilespmem:$0xFC0]  }
0x14b: {  	v6 =	vor.u32 v50, v6;
	v50 =	vld [tilespmem:$0x1FDD0]  }
0x14c: {  	v49 =	vld [tilespmem:$0x1FCF0]  }
0x14d: {  	v7 =	vor.u32 v46, v7;
	v46 =	vld [tilespmem:$0x1FDA0]  }
0x14e: {  	v39 =	vor.u32 v56, v6;
	v6 =	vld [tilespmem:$0xEE0]  }
0x14f: {  	[tilespmem:$0x1FE70] =	vst v63;
	v63 =	vld [tilespmem:$0x50]  }
0x150: {  	v39 =	vor.u32 v59, v39;
	v59 =	vld [tilespmem:$0x1FE40]  }
0x151: {  	v52 =	vld [tilespmem:$0x1FD10]  }
0x152: {  	v39 =	vor.u32 v46, v39;
	v46 =	vld [tilespmem:$0x1FEB0]  }
0x153: {  	v39 =	vor.u32 v50, v39;
	v50 =	vld [tilespmem:$0x1F0]  }
0x154: {  	[tilespmem:$0x1FD20] =	vst v63;
	v63 =	vld [tilespmem:$0xD0]  }
0x155: {  	v57 =	vld [tilespmem:$0x1FD50]  }
0x156: {  	v61 =	vld [tilespmem:$0x1FD80]  }
0x157: {  	v7 =	vor.u32 v49, v7;
	v47 =	vld [tilespmem:$0x1FDB0]  }
0x158: {  	v7 =	vor.u32 v52, v7;
	v52 =	vld [tilespmem:$0x1FDE0]  }
0x159: {  	[tilespmem:$0x1FD30] =	vst v63;
	v63 =	vld [tilespmem:$0x150]  }
0x15a: {  	v56 =	vld [tilespmem:$0x1FE10]  }
0x15b: {  	v7 =	vor.u32 v57, v7;
	v57 =	vld [tilespmem:$0x1FE20]  }
0x15c: {  	v40 =	vor.u32 v61, v7;
	v7 =	vld [tilespmem:$0xF60]  }
0x15d: {  	v40 =	vor.u32 v47, v40;
	v47 =	vld [tilespmem:$0x3F0]  }
0x15e: {  	v40 =	vor.u32 v52, v40;
	[tilespmem:$0x1FD60] =	vst v63;
	v63 =	vld [tilespmem:$0x1D0]  }
0x15f: {  	v40 =	vor.u32 v56, v40;
	v56 =	vld [tilespmem:$0x1FE90]  }
0x160: {  	v53 =	vld [tilespmem:$0x1FD20]  }
0x161: {  	v55 =	vld [tilespmem:$0x1FD30]  }
0x162: {  	v58 =	vld [tilespmem:$0x1FD60]  }
0x163: {  	[tilespmem:$0x1FD90] =	vst v63;
	v63 =	vld [tilespmem:$0x250]  }
0x164: {  	v61 =	vld [tilespmem:$0x1FE50]  }
0x165: {  	v52 =	vld [tilespmem:$0x1FE70]  }
0x166: {  	v9 =	vor.u32 v53, v55;
	v55 =	vld [tilespmem:$0x1FE00]  }
0x167: {  	v44 =	vld [tilespmem:$0x1FD90]  }
0x168: {  	v9 =	vor.u32 v58, v9;
	v58 =	vld [tilespmem:$0x1FE30];
	[tilespmem:$0x1FDC0] =	vst v63  }
0x169: {  	v49 =	vld [tilespmem:$0x1FDC0]  }
0x16a: {  	v53 =	vld [tilespmem:$0x1FDF0]  }
0x16b: {  	v39 =	vor.u32 v55, v39;
	v55 =	vld [tilespmem:$0x270]  }
0x16c: {  	v63 =	vld [tilespmem:$0x4D0]  }
0x16d: {  	vm3 =	vgt.s32 v39, $0x0;
	v9 =	vor.u32 v44, v9;
	v39 =	vor.u32 v58, v40;
	v58 =	vld [tilespmem:$0x1FEA0]  }
0x16e: {  	v44 =	vld [tilespmem:$0xAF0];
	v41 =	vor.u32 v49, v9  }
0x16f: {  	v39 =	vor.u32 v61, v39;
	v61 =	vld [tilespmem:$0x370];
	v41 =	vor.u32 v53, v41  }
0x170: {  	v49 =	vld [tilespmem:$0x1FE60];
	v41 =	vor.u32 v57, v41  }
0x171: {  	[tilespmem:$0x1FE80] =	vst v63;
	v40 =	vor.u32 v59, v41;
	v41 =	vld [tilespmem:$0x170]  }
0x172: {  	v53 =	vld [tilespmem:$0x1FE80]  }
0x173: {  	v39 =	vor.u32 v52, v39;
	v52 =	vld [tilespmem:$0x1FED0]  }
0x174: {  	v57 =	vld [tilespmem:$0x2F0]  }
0x175: {  	v63 =	vld [tilespmem:$0x950];
	v59 =	vor.u32 v42, v43  }
0x176: {  	v40 =	vor.u32 v49, v40;
	v49 =	vld [tilespmem:$0x1FEC0];
	v19 =	vor.u32 v41, v59  }
0x177: {  	v40 =	vor.u32 v53, v40;
	v59 =	vld [tilespmem:$0x1FF00];
	v14 =	vor.u32 v50, v19  }
0x178: {  	vm4 =	vgt.s32 v39, $0x0;
	v39 =	vor.u32 v56, v40;
	v14 =	vor.u32 v55, v14;
	v55 =	vld [tilespmem:$0x1FEE0]  }
0x179: {  	v39 =	vor.u32 v58, v39;
	v14 =	vor.u32 v57, v14;
	v57 =	vld [tilespmem:$0x1FEF0]  }
0x17a: {  	v39 =	vor.u32 v46, v39;
	v50 =	vld [tilespmem:$0x470]  }
0x17b: {  	v53 =	vld [tilespmem:$0x4F0];
	v39 =	vor.u32 v49, v39  }
0x17c: {  	v56 =	vld [tilespmem:$0x570];
	v21 =	vor.u32 v52, v39  }
0x17d: {  	v58 =	vld [tilespmem:$0x5F0];
	v14 =	vor.u32 v61, v14;
	v21 =	vor.u32 v55, v21  }
0x17e: {  	v61 =	vld [tilespmem:$0x670];
	v14 =	vor.u32 v47, v14;
	v21 =	vor.u32 v57, v21  }
0x17f: {  	v9 =	vld [tilespmem:$0xFE0];
	v14 =	vor.u32 v50, v14;
	v21 =	vor.u32 v59, v21  }
0x180: {  	v41 =	vld [tilespmem:$0xA70];
	v14 =	vor.u32 v53, v14;
	v24 =	vor.u32 v63, v21  }
0x181: {  	v19 =	vld [tilespmem:$0x1FF70];
	v14 =	vor.u32 v56, v14;
	v20 =	vor.u32 v62, v24  }
0x182: {  	v50 =	vld [tilespmem:$0xBF0];
	v14 =	vor.u32 v58, v14;
	v20 =	vor.u32 v60, v20  }
0x183: {  	v55 =	vld [tilespmem:$0x1FF10];
	v14 =	vor.u32 v61, v14;
	v20 =	vor.u32 v54, v20  }
0x184: {  	v53 =	vld [tilespmem:$0xC70];
	v14 =	vor.u32 v25, v14;
	v20 =	vor.u32 v51, v20  }
0x185: {  	v39 =	vor.u32 v32, v10;
	v56 =	vld [tilespmem:$0xD70];
	v14 =	vor.u32 v26, v14;
	v20 =	vor.u32 v48, v20  }
0x186: {  	v42 =	vor.u32 v33, v39;
	v57 =	vld [tilespmem:$0x1FF20];
	v40 =	vor.u32 v27, v14;
	v2 =	vor.u32 v2, v20  }
0x187: {  	v46 =	vor.u32 v34, v42;
	v58 =	vld [tilespmem:$0xDF0];
	v43 =	vor.u32 v28, v40;
	v2 =	vor.u32 v5, v2  }
0x188: {  	v16 =	vnsel vm0, $0x7FFFFFFF, v55;
	v47 =	vor.u32 v29, v43;
	v48 =	vld [tilespmem:$0xB70];
	v2 =	vor.u32 v4, v2  }
0x189: {  	v60 =	vld [tilespmem:$0x1FF30];
	v49 =	vor.u32 v30, v47;
	v1 =	vor.u32 v1, v2;
	v2 =	vor.u32 v35, v46  }
0x18a: {  	v63 =	vld [tilespmem:$0x1FF40];
	v52 =	vor.u32 v31, v49;
	v1 =	vor.u32 v3, v1;
	v51 =	vor.u32 v36, v2  }
0x18b: {  	v54 =	vld [tilespmem:$0xCF0];
	v2 =	vor.u32 v41, v52;
	v0 =	vor.u32 v0, v1;
	v1 =	vor.u32 v37, v51  }
0x18c: {  	v59 =	vld [tilespmem:$0xE70];
	(xrf0) =	vmax.scan.msk.u32 $0xffff, v16;
	v16 =	vnsel vm1, $0x7FFFFFFF, v57;
	v2 =	vor.u32 v44, v2;
	v1 =	vor.u32 v38, v1  }
0x18d: {  	v14 =	vld [tilespmem:$0x1FF50];
	(xrf0) =	vmax.scan.msk.u32 $0xffff, v16;
	v0 =	vor.u32 v8, v0;
	v2 =	vor.u32 v48, v2;
	v1 =	vor.u32 v13, v1  }
0x18e: {  	v16 =	vld [tilespmem:$0x1FF60];
	v8 =	vnsel vm2, $0x7FFFFFFF, v60;
	v2 =	vor.u32 v50, v2;
	v1 =	vor.u32 v15, v1  }
0x18f: {  	v61 =	vld [tilespmem:$0xEF0];
	v0 =	vor.u32 v45, v0;
	(xrf0) =	vmax.scan.msk.u32 $0xffff, v8;
	v2 =	vor.u32 v53, v2;
	v1 =	vor.u32 v11, v1  }
0x190: {  	v62 =	vld [tilespmem:$0xF70];
	v2 =	vor.u32 v54, v2;
	v11 =	vnsel vm3, $0x7FFFFFFF, v63;
	v1 =	vor.u32 v12, v1  }
0x191: {  	vm5 =	vgt.s32 v0, $0x0;
	v10 =	vor.u32 v56, v2;
	v12 =	vld [tilespmem:$0xFF0];
	(xrf0) =	vmax.scan.msk.u32 $0xffff, v11;
	v6 =	vor.u32 v6, v1  }
0x192: {  	v13, _, _ =	vpop (xrf0);
	v1 =	vor.u32 v58, v10;
	v0 =	vor.u32 v7, v6;
	v6 =	vnsel vm4, $0x7FFFFFFF, v14  }
0x193: {  	v21 =	vld [tilespmem:$0x1FF80];
	(v2sf) =	vpush v13, $0xF;
	v15, _, _ =	vpop (xrf0);
	v3 =	vnsel vm5, $0x7FFFFFFF, v16;
	v1 =	vor.u32 v59, v1;
	(xrf0) =	vmax.scan.msk.u32 $0xffff, v6  }
0x194: {  	(v2sf) =	vpush v15, $0xF;
	v0 =	vor.u32 v9, v0;
	v1 =	vor.u32 v61, v1;
	(xrf0) =	vmax.scan.msk.u32 $0xffff, v3  }
0x195: {  	v18, _, _ =	vpop (xrf0);
	vm6 =	vgt.s32 v0, $0x0;
	v17 =	vor.u32 v62, v1  }
0x196: {  	(v2sf) =	vpush v18, $0xF;
	v0 =	vor.u32 v12, v17;
	v1 =	vnsel vm6, $0x7FFFFFFF, v19  }
0x197: {  	vm7 =	vgt.s32 v0, $0x0;
	v20, _, _ =	vpop (xrf0);
	(xrf0) =	vmax.scan.msk.u32 $0xffff, v1  }
0x198: {  	(v2sf) =	vpush v20, $0xF;
	v0 =	vnsel vm7, $0x7FFFFFFF, v21  }
0x199: {  	(xrf0) =	vmax.scan.msk.u32 $0xffff, v0;
	v22, _, _ =	vpop (xrf0)  }
0x19a: {  	v24 =	vimm.s32 $0x0;
	(v2sf) =	vpush v22, $0xF;
	v23, _, _ =	vpop (xrf0)  }
0x19b: {  	v25 =	vsel vm0, $0x1, v24;
	(v2sf) =	vpush v23, $0xF  }
0x19c: {  	v27 =	vsel vm1, $0x1, v24;
	(xrf0) =	vadd.scan.msk.s32 $0xffff, v25  }
0x19d: {  	v28 =	vsel vm2, $0x1, v24;
	v26, _, _ =	vpop (xrf0);
	(xrf0) =	vadd.scan.msk.s32 $0xffff, v27  }
0x19e: {  	(v2sf) =	vpush v26, $0xF;
	(xrf0) =	vadd.scan.msk.s32 $0xffff, v28  }
0x19f: {  	v29, _, _ =	vpop (xrf0)  }
0x1a0: {  	v30 =	vsel vm3, $0x1, v24;
	(v2sf) =	vpush v29, $0xF  }
0x1a1: {  	v31 =	vsel vm4, $0x1, v24;
	(xrf0) =	vadd.scan.msk.s32 $0xffff, v30  }
0x1a2: {  	v33 =	vsel vm5, $0x1, v24;
	s17 =	spop (v2sf);
	v32, _, _ =	vpop (xrf0);
	(xrf0) =	vadd.scan.msk.s32 $0xffff, v31  }
0x1a3: {  	v35 =	vsel vm6, $0x1, v24;
	s7 =	spop (v2sf);
	(v2sf) =	vpush v32, $0xF;
	v34, _, _ =	vpop (xrf0);
	(xrf0) =	vadd.scan.msk.s32 $0xffff, v33  }
0x1a4: {  	s6 =	sxor.u32 $0x80000000, s17;
	s7 =	sxor.u32 $0x80000000, s7;
	(v2sf) =	vpush v34, $0xF;
	v36, _, _ =	vpop (xrf0);
	(xrf0) =	vadd.scan.msk.s32 $0xffff, v35  }
0x1a5: {  	p1 =	sgt.s32 s6, s7;
	s8 =	spop (v2sf);
	(v2sf) =	vpush v36, $0xF  }
0x1a6: {  	s7 =	smov.u32 @p1 s6;
	s6 =	sxor.u32 $0x80000000, s8  }
0x1a7: {  	v37, _, _ =	vpop (xrf0);
	p1 =	sgt.s32 s7, s6;
	s18 =	spop (v2sf)  }
0x1a8: {  	s6 =	smov.u32 @p1 s7;
	v38, _, _ =	vpop (xrf0);
	(v2sf) =	vpush v37, $0xF;
	s7 =	sxor.u32 $0x80000000, s18  }
0x1a9: {  	p1 =	sgt.s32 s6, s7;
	v39, _, _ =	vpop (xrf0);
	s19 =	spop (v2sf);
	(v2sf) =	vpush v38, $0xF  }
0x1aa: {  	s7 =	smov.u32 @p1 s6;
	v40, _, _ =	vpop (xrf0);
	s6 =	sxor.u32 $0x80000000, s19;
	s20 =	spop (v2sf);
	(v2sf) =	vpush v39, $0xF  }
0x1ab: {  	p1 =	sgt.s32 s7, s6;
	(v2sf) =	vpush v40, $0xF  }
0x1ac: {  	s6 =	smov.u32 @p1 s7;
	s7 =	sxor.u32 $0x80000000, s20  }
0x1ad: {  	s21 =	spop (v2sf);
	p1 =	sgt.s32 s6, s7  }
0x1ae: {  	s7 =	smov.u32 @p1 s6;
	s6 =	sxor.u32 $0x80000000, s21  }
0x1af: {  	s22 =	spop (v2sf);
	p1 =	sgt.s32 s7, s6  }
0x1b0: {  	s6 =	smov.u32 @p1 s7;
	s7 =	sxor.u32 $0x80000000, s22  }
0x1b1: {  	p1 =	sgt.s32 s6, s7  }
0x1b2: {  	s23 =	spop (v2sf);
	s7 =	smov.u32 @p1 s6  }
0x1b3: {  	s25 =	spop (v2sf);
	s24 =	sshra.s32 s7, $0x1F  }
0x1b4: {  	s26 =	spop (v2sf);
	s6 =	sadd.s32 s23, s25;
	s7 =	sor.u32 s24, s7  }
0x1b5: {  	v1 =	vadd.s32 $0xFFFFFFFF, v32;
	v42 =	vmov s6;
	s6 =	sadd.s32 s6, s26;
	v41 =	vmov s7  }
0x1b6: {  	v44 =	vbroadcast v1, $0xF;
	v8 =	vadd.s32 $0xFFFFFFFF, v42;
	v43 =	vmov s6;
	[tilespmem:$0x1000] =	vst v41  }
0x1b7: {  	v51 =	vlaneseq.u32;
	s28 =	spop (v2sf);
	[tilespmem:$0x1010] =	vst v41;
	v8 =	vbroadcast v8, $0x0;
	v9 =	vadd.s32 $0xFFFFFFFF, v43  }
0x1b8: {  	v11 =	vsel vm7, $0x1, v24;
	v2 =	vadd.s32 v34, v44;
	[tilespmem:$0x1020] =	vst v41;
	s6 =	sadd.s32 s6, s28;
	v9 =	vbroadcast v9, $0x0;
	s29 =	spop (v2sf)  }
0x1b9: {  	(xrf0) =	vadd.scan.msk.s32 $0xffff, v11;
	[tilespmem:$0x1030] =	vst v41;
	v45 =	vmov s6;
	v3 =	vadd.s32 v36, v8;
	s30 =	spop (v2sf);
	s6 =	sadd.s32 s6, s29  }
0x1ba: {  	v54 =	vld [tilespmem:$0x1FF90];
	[tilespmem:$0x1040] =	vst v41;
	v8 =	vadd.s32 $0xFFFFFFFF, v45;
	v0 =	vadd.s32 v37, v9;
	v46 =	vmov s6;
	s6 =	sadd.s32 s6, s30;
	s31 =	spop (v2sf)  }
0x1bb: {  	v57 =	vld [tilespmem:$0x1FFA0];
	[tilespmem:$0x1050] =	vst v41;
	v8 =	vbroadcast v8, $0x0;
	v9 =	vadd.s32 $0xFFFFFFFF, v46;
	v47 =	vmov s6;
	s6 =	sadd.s32 s6, s31  }
0x1bc: {  	v59 =	vld [tilespmem:$0x1FFB0];
	[tilespmem:$0x1060] =	vst v41;
	v9 =	vbroadcast v9, $0x0;
	v10 =	vadd.s32 $0xFFFFFFFF, v47;
	v48 =	vmov s6  }
0x1bd: {  	v60 =	vld [tilespmem:$0x1FFC0];
	[tilespmem:$0x1070] =	vst v41;
	v4 =	vadd.s32 v38, v8;
	v49 =	vbroadcast v10, $0x0;
	v50 =	vadd.s32 $0xFFFFFFFF, v48  }
0x1be: {  	v61 =	vld [tilespmem:$0x1FFD0];
	[tilespmem:v1+s5+$0x0] =	vst.idx.msk vm0, v51;
	v52 =	vadd.s32 v39, v9;
	v53 =	vbroadcast v50, $0x0  }
0x1bf: {  	v62 =	vld [tilespmem:$0x1FFE0];
	v56, _, _ =	vpop (xrf0);
	[tilespmem:v2+s5+$0x0] =	vst.idx.msk vm1, v54;
	v55 =	vadd.s32 v40, v49  }
0x1c0: {  	v63 =	vld [tilespmem:$0x1FFF0];
	[tilespmem:v3+s5+$0x0] =	vst.idx.msk vm2, v57;
	v58 =	vadd.s32 v56, v53  }
0x1c1: {  	[tilespmem:v0+s5+$0x0] =	vst.idx.msk vm3, v59  }
0x1c2: {  	[tilespmem:v4+s5+$0x0] =	vst.idx.msk vm4, v60  }
0x1c3: {  	[tilespmem:v52+s5+$0x0] =	vst.idx.msk vm5, v61  }
0x1c4: {  	s2 =	sadd.s32 $0xFFFFFFFF, s2;
	s8 =	simm.s32 @!p0 $0x1000;
	[tilespmem:v55+s5+$0x0] =	vst.idx.msk vm6, v62  }
0x1c5: {  	p1 =	sne.s32 s2, $0x0;
	s7 =	simm.s32 @!p0 $0x0;
	s6 =	rddreg [dreg:$0x4];
	[tilespmem:v58+s5+$0x0] =	vst.idx.msk vm7, v63  }
0x1c6: {  	[hbm4b:s6+s7] =	stream.linear.scatter @!p0 [tilespmem:s8], [sflag:$0x1], $0x80, $0x38;
	[tilespmem:$0x1080] =	vst v63  }
.Ltmp0:
0x1c7: {  	_ = 	snop;
	(pc) =	sbr.rel @p1 .LBB2_1-.Ltmp0, $4  }
0x1c8: {  	s6 =	simm.s32 @!p0 $0x1  }
0x1c9: {  	_ =	swait.ge @!p0 [sflag:s6], $0x80  }
0x1ca: {  	[sflag:s6] =	ssyncset.done @!p0 $0x0  }
0x1cb: {  	[sflag:s6] =	ssyncadd.s32 @!p0 $0xFFFFFF80  }
0x1cc: {  	_ =	sfence.sel $0x180000  }
0x1cd: {  	[bflag:$0x0] =	sbarrier.arrive $0xFFFF  }
0x1ce: {  	p0 =	sne.s32 s1, $0x0;
	_ =	strace $0x9000004A  }
0x1cf: {  	s0 =	sadd.s32 @!p0 $0x100000, s0;
	[bflag:$0x2] =	sbarrier.arrive $0xFFFF  }
0x1d0: {  	[sflag:s0] =	ssyncadd.tile.s32 @!p0 $0x1;
	_ =	shalt  }
.Lfunc_end2:
_tile_overlayer_lowered:
.L_overlay_start_2:
0x1d1: {  	(tag) =	ssettag $0x2  }
0x1d2: {  	s0 =	rddreg [dreg:$0x0];
	s2 =	stileid.u32  }
0x1d3: {  	s1 =	rddreg [dreg:$0x1];
	p0 =	sne.s32 s2, $0x0  }
0x1d4: {  	s3 =	rddreg [dreg:$0x2];
	[bflag:$0x3] =	sbarrier.arrive $0xFFFF;
	s2 =	simm.s32 @!p0 $0x1C01  }
0x1d5: {  	[timem:s3], [sflag:s2] =	dma.local @!p0 [hbm:s0], s1  }
0x1d6: {  	s0 =	simm.s32 @!p0 $0x1  }
0x1d7: {  	_ =	swait.ge @!p0 [sflag:s0], s1  }
0x1d8: {  	s1 =	ssub.s32 @!p0 $0x0, s1;
	[sflag:s0] =	ssyncset.done @!p0 $0x0  }
0x1d9: {  	[sflag:s0] =	ssyncadd.s32 @!p0 s1  }
0x1da: {  	[bflag:$0x3] =	sbarrier.arrive $0xFFFF  }
0x1db: {  	_ =	shalt  }

</sc_bundles>
